<compile_context>
chip_gen: v7x
topology: tpu7x:2x2x1
jax: 0.10.2.dev20260603
libtpu: 0.0.44.dev20260713+nightly
codegen_flags: <defaults>
</compile_context>

<pallas_src>
import functools

import jax
import jax.numpy as jnp
from jax import lax
from jax.experimental import pallas as pl
from jax.experimental.pallas import tpu as pltpu
from jax.experimental.pallas import tpu_sc as plsc

N_ROWS = 16384
N_COLS = 6
N_COLS_PAD = 8
N_IDS = N_ROWS * N_COLS
D = 128

_info = plsc.get_sparse_core_info()
NC, NS = _info.num_cores, _info.num_subcores
NW = NC * NS
B_PER_W = N_IDS // NW
CHUNK = 128
N_CHUNKS = B_PER_W // CHUNK
NBUF = 6
LOOKAHEAD = 5

_mesh = plsc.VectorSubcoreMesh(core_axis_name="c", subcore_axis_name="s")


@functools.partial(
    pl.kernel,
    mesh=_mesh,
    out_type=jax.ShapeDtypeStruct((N_COLS, N_ROWS, D), jnp.float32),
    scratch_types=[
        pltpu.VMEM((B_PER_W,), jnp.int32),
        pltpu.VMEM((NBUF, CHUNK, D), jnp.float32),
        pltpu.VMEM_SHARED((8, D), jnp.float32),
        pltpu.SemaphoreType.DMA,
        pltpu.SemaphoreType.DMA,
    ],
)
def _embed(ids_hbm, table_hbm, out_hbm, idx_v, bufs, table_sp, gsem, ssem):
    sid = lax.axis_index("s")
    wid = sid * NC + lax.axis_index("c")
    base = wid * B_PER_W
    outf = out_hbm.reshape(N_IDS, D)

    @pl.when(sid == 0)
    def _stage_table():
        pltpu.sync_copy(table_hbm, table_sp)

    pltpu.sync_copy(ids_hbm.at[pl.ds(base, B_PER_W)], idx_v)
    plsc.subcore_barrier()

    gathers = []
    stores = []

    def gstart(i):
        gathers.append(
            pltpu.async_copy(
                table_sp.at[idx_v.at[pl.ds(i * CHUNK, CHUNK)]],
                bufs.at[i % NBUF],
                gsem,
            )
        )

    def sstart(i):
        stores.append(
            pltpu.async_copy(
                bufs.at[i % NBUF], outf.at[pl.ds(base + i * CHUNK, CHUNK)], ssem
            )
        )

    for i in range(N_CHUNKS):
        if i >= NBUF:
            stores[i - NBUF].wait()
        gstart(i)
        if i >= LOOKAHEAD:
            j = i - LOOKAHEAD
            gathers[j].wait()
            sstart(j)
    for j in range(N_CHUNKS - LOOKAHEAD, N_CHUNKS):
        gathers[j].wait()
        sstart(j)
    for j in range(N_CHUNKS - NBUF, N_CHUNKS):
        stores[j].wait()


def kernel(camera_ids, camera_embeddings):
    ids_t = jnp.pad(
        camera_ids.T.astype(jnp.int32), ((0, N_COLS_PAD - N_COLS), (0, 0))
    ).reshape(-1)
    out_t = _embed(ids_t, camera_embeddings)
    return jnp.swapaxes(out_t, 0, 1)

# --- scband reference (transcript-rebuilt; emitter-appended) ---
"""Pipeline reference for scband-camera-positional-encoding-64106681860309 (READ-ONLY COPY).

The authoritative reference and input builder live on the scoring server;
editing this copy changes nothing except your own understanding.
"""

import jax, jax.numpy as jnp
import numpy as np


def setup_inputs(seed: int = 0) -> dict:
    key = jax.random.key(seed)
    k1, k2 = jax.random.split(key)
    camera_ids = jax.random.randint(k1, (16384, 6), 0, 8, dtype=jnp.int64 if jax.config.jax_enable_x64 else jnp.int32)
    camera_embeddings = jax.random.normal(k2, (8, 128), dtype=jnp.float32)
    return {"camera_ids": camera_ids, "camera_embeddings": camera_embeddings}


def reference(camera_ids, camera_embeddings):
    # embeddings = self.camera_embeddings[camera_ids]
    embeddings = jnp.take(camera_embeddings, camera_ids, axis=0)
    return embeddings

if __name__ == "__main__":
    import jax
    _d = setup_inputs()
    print(jax.jit(kernel)(*tuple(_d.values())))

</pallas_src>

<mosaic_0001>
#map = affine_map<(d0, d1) -> (0)>
#map1 = affine_map<(d0, d1) -> (0, 0)>
#map2 = affine_map<(d0, d1) -> (0, 0, 0)>
module attributes {stable_mosaic.version = 14 : i64} {
  func.func @_embed(%arg0: i32, %arg1: i32, %arg2: memref<131072xi32, #tpu.memory_space<hbm>>, %arg3: memref<8x128xf32, #tpu.memory_space<hbm>>, %arg4: memref<6x16384x128xf32, #tpu.memory_space<hbm>>, %arg5: memref<3072xi32, #tpu.memory_space<vmem>>, %arg6: memref<6x128x128xf32, #tpu.memory_space<vmem>>, %arg7: memref<8x128xf32, #tpu.memory_space<vmem_shared>>, %arg8: memref<!tpu.dma_semaphore, #tpu.memory_space<semaphore_mem>>, %arg9: memref<!tpu.dma_semaphore, #tpu.memory_space<semaphore_mem>>) attributes {dimension_semantics = [#tpu.dimension_semantics<core_parallel>, #tpu.dimension_semantics<subcore_parallel>], iteration_bounds = array<i64: 2, 16>, scalar_prefetch = 0 : i64, scratch_operands = 5 : i64, tpu.core_type = #tpu.core_type<sc_vector_subcore>, window_params = [{transform_indices = #map}, {transform_indices = #map1}, {transform_indices = #map2}]} {
    %mul3A = arith.constant 2 : i32
    %mul3A_0 = arith.muli %arg1, %mul3A : i32
    %add3A = arith.addi %mul3A_0, %arg0 : i32
    %mul3A_1 = arith.constant 3072 : i32
    %mul3A_2 = arith.muli %add3A, %mul3A_1 : i32
    %eq3A = arith.constant 0 : i32
    %eq3A_3 = arith.cmpi eq, %arg1, %eq3A : i32
    %convert_element_type3A = arith.extui %eq3A_3 : i1 to i32
    %cond3A = arith.constant 0 : i32
    %cond3A_4 = arith.cmpi ne, %convert_element_type3A, %cond3A : i32
    scf.if %cond3A_4 {
      "tpu.region"() ({
        %run_scoped3A = tpu.sem_alloc : memref<!tpu.dma_semaphore, #tpu.memory_space<semaphore_mem>>
        tpu.enqueue_dma source(%arg3 : memref<8x128xf32, #tpu.memory_space<hbm>>) target(%arg7 : memref<8x128xf32, #tpu.memory_space<vmem_shared>>) target_semaphore(%run_scoped3A : memref<!tpu.dma_semaphore, #tpu.memory_space<semaphore_mem>>)
        tpu.wait_dma2 semaphore(%run_scoped3A : memref<!tpu.dma_semaphore, #tpu.memory_space<semaphore_mem>>) src(%arg3 : memref<8x128xf32, #tpu.memory_space<hbm>>) dst(%arg7 : memref<8x128xf32, #tpu.memory_space<vmem_shared>>)
        tpu.yield
      }) : () -> ()
    } else {
    }
    "tpu.region"() ({
      %run_scoped3A = tpu.sem_alloc : memref<!tpu.dma_semaphore, #tpu.memory_space<semaphore_mem>>
      %dma_start3A_1251 = tpu.memref_slice %arg2[%mul3A_2] : memref<131072xi32, #tpu.memory_space<hbm>> -> memref<3072xi32, #tpu.memory_space<hbm>>
      %dma_start3A_1252 = tpu.memref_slice %arg2[%mul3A_2] : memref<131072xi32, #tpu.memory_space<hbm>> -> memref<3072xi32, #tpu.memory_space<hbm>>
      tpu.enqueue_dma source(%dma_start3A_1252 : memref<3072xi32, #tpu.memory_space<hbm>>) target(%arg5 : memref<3072xi32, #tpu.memory_space<vmem>>) target_semaphore(%run_scoped3A : memref<!tpu.dma_semaphore, #tpu.memory_space<semaphore_mem>>)
      %dma_wait3A_1253 = tpu.memref_slice %arg2[%mul3A_2] : memref<131072xi32, #tpu.memory_space<hbm>> -> memref<3072xi32, #tpu.memory_space<hbm>>
      %dma_wait3A_1254 = tpu.memref_slice %arg2[%mul3A_2] : memref<131072xi32, #tpu.memory_space<hbm>> -> memref<3072xi32, #tpu.memory_space<hbm>>
      tpu.wait_dma2 semaphore(%run_scoped3A : memref<!tpu.dma_semaphore, #tpu.memory_space<semaphore_mem>>) src(%dma_wait3A_1254 : memref<3072xi32, #tpu.memory_space<hbm>>) dst(%arg5 : memref<3072xi32, #tpu.memory_space<vmem>>)
      tpu.yield
    }) : () -> ()
    %barrier3A = arith.constant 0 : index
    tpu.barrier barrier_id(%barrier3A)
    %dma_start3A = arith.constant 0 : i32
    %dma_start3A_5 = arith.constant 0 : i32
    %dma_start3A_6 = arith.constant 0 : i32
    %dma_start3A_7 = tpu.memref_slice %arg6[%dma_start3A, %dma_start3A_5, %dma_start3A_6] : memref<6x128x128xf32, #tpu.memory_space<vmem>> -> memref<1x128x128xf32, #tpu.memory_space<vmem>>
    %dma_start3A_8 = tpu.memref_squeeze %dma_start3A_7 : memref<1x128x128xf32, #tpu.memory_space<vmem>> -> memref<128x128xf32, #tpu.memory_space<vmem>>
    %dma_start3A_9 = arith.constant 0 : i32
    %dma_start3A_10 = tpu.memref_slice %arg5[%dma_start3A_9] : memref<3072xi32, #tpu.memory_space<vmem>> -> memref<128xi32, #tpu.memory_space<vmem>>
    %dma_start3A_11 = arith.constant 0 : i32
    %dma_start3A_12 = arith.constant 0 : i32
    %dma_start3A_13 = tpu.memref_slice %arg7[%dma_start3A_11, %dma_start3A_12] : memref<8x128xf32, #tpu.memory_space<vmem_shared>> -> memref<8x128xf32, #tpu.memory_space<vmem_shared>>
    tpu.enqueue_indirect_dma source(%dma_start3A_13 : memref<8x128xf32, #tpu.memory_space<vmem_shared>>) target(%dma_start3A_8 : memref<128x128xf32, #tpu.memory_space<vmem>>) offsets(%dma_start3A_10 : memref<128xi32, #tpu.memory_space<vmem>>) semaphore(%arg8 : memref<!tpu.dma_semaphore, #tpu.memory_space<semaphore_mem>>)
    %dma_start3A_14 = arith.constant 1 : i32
    %dma_start3A_15 = arith.constant 0 : i32
    %dma_start3A_16 = arith.constant 0 : i32
    %dma_start3A_17 = tpu.memref_slice %arg6[%dma_start3A_14, %dma_start3A_15, %dma_start3A_16] : memref<6x128x128xf32, #tpu.memory_space<vmem>> -> memref<1x128x128xf32, #tpu.memory_space<vmem>>
    %dma_start3A_18 = tpu.memref_squeeze %dma_start3A_17 : memref<1x128x128xf32, #tpu.memory_space<vmem>> -> memref<128x128xf32, #tpu.memory_space<vmem>>
    %dma_start3A_19 = arith.constant 128 : i32
    %dma_start3A_20 = tpu.memref_slice %arg5[%dma_start3A_19] : memref<3072xi32, #tpu.memory_space<vmem>> -> memref<128xi32, #tpu.memory_space<vmem>>
    %dma_start3A_21 = arith.constant 0 : i32
    %dma_start3A_22 = arith.constant 0 : i32
    %dma_start3A_23 = tpu.memref_slice %arg7[%dma_start3A_21, %dma_start3A_22] : memref<8x128xf32, #tpu.memory_space<vmem_shared>> -> memref<8x128xf32, #tpu.memory_space<vmem_shared>>
    tpu.enqueue_indirect_dma source(%dma_start3A_23 : memref<8x128xf32, #tpu.memory_space<vmem_shared>>) target(%dma_start3A_18 : memref<128x128xf32, #tpu.memory_space<vmem>>) offsets(%dma_start3A_20 : memref<128xi32, #tpu.memory_space<vmem>>) semaphore(%arg8 : memref<!tpu.dma_semaphore, #tpu.memory_space<semaphore_mem>>)
    %dma_start3A_24 = arith.constant 2 : i32
    %dma_start3A_25 = arith.constant 0 : i32
    %dma_start3A_26 = arith.constant 0 : i32
    %dma_start3A_27 = tpu.memref_slice %arg6[%dma_start3A_24, %dma_start3A_25, %dma_start3A_26] : memref<6x128x128xf32, #tpu.memory_space<vmem>> -> memref<1x128x128xf32, #tpu.memory_space<vmem>>
    %dma_start3A_28 = tpu.memref_squeeze %dma_start3A_27 : memref<1x128x128xf32, #tpu.memory_space<vmem>> -> memref<128x128xf32, #tpu.memory_space<vmem>>
    %dma_start3A_29 = arith.constant 256 : i32
    %dma_start3A_30 = tpu.memref_slice %arg5[%dma_start3A_29] : memref<3072xi32, #tpu.memory_space<vmem>> -> memref<128xi32, #tpu.memory_space<vmem>>
    %dma_start3A_31 = arith.constant 0 : i32
    %dma_start3A_32 = arith.constant 0 : i32
    %dma_start3A_33 = tpu.memref_slice %arg7[%dma_start3A_31, %dma_start3A_32] : memref<8x128xf32, #tpu.memory_space<vmem_shared>> -> memref<8x128xf32, #tpu.memory_space<vmem_shared>>
    tpu.enqueue_indirect_dma source(%dma_start3A_33 : memref<8x128xf32, #tpu.memory_space<vmem_shared>>) target(%dma_start3A_28 : memref<128x128xf32, #tpu.memory_space<vmem>>) offsets(%dma_start3A_30 : memref<128xi32, #tpu.memory_space<vmem>>) semaphore(%arg8 : memref<!tpu.dma_semaphore, #tpu.memory_space<semaphore_mem>>)
    %dma_start3A_34 = arith.constant 3 : i32
    %dma_start3A_35 = arith.constant 0 : i32
    %dma_start3A_36 = arith.constant 0 : i32
    %dma_start3A_37 = tpu.memref_slice %arg6[%dma_start3A_34, %dma_start3A_35, %dma_start3A_36] : memref<6x128x128xf32, #tpu.memory_space<vmem>> -> memref<1x128x128xf32, #tpu.memory_space<vmem>>
    %dma_start3A_38 = tpu.memref_squeeze %dma_start3A_37 : memref<1x128x128xf32, #tpu.memory_space<vmem>> -> memref<128x128xf32, #tpu.memory_space<vmem>>
    %dma_start3A_39 = arith.constant 384 : i32
    %dma_start3A_40 = tpu.memref_slice %arg5[%dma_start3A_39] : memref<3072xi32, #tpu.memory_space<vmem>> -> memref<128xi32, #tpu.memory_space<vmem>>
    %dma_start3A_41 = arith.constant 0 : i32
    %dma_start3A_42 = arith.constant 0 : i32
    %dma_start3A_43 = tpu.memref_slice %arg7[%dma_start3A_41, %dma_start3A_42] : memref<8x128xf32, #tpu.memory_space<vmem_shared>> -> memref<8x128xf32, #tpu.memory_space<vmem_shared>>
    tpu.enqueue_indirect_dma source(%dma_start3A_43 : memref<8x128xf32, #tpu.memory_space<vmem_shared>>) target(%dma_start3A_38 : memref<128x128xf32, #tpu.memory_space<vmem>>) offsets(%dma_start3A_40 : memref<128xi32, #tpu.memory_space<vmem>>) semaphore(%arg8 : memref<!tpu.dma_semaphore, #tpu.memory_space<semaphore_mem>>)
    %dma_start3A_44 = arith.constant 4 : i32
    %dma_start3A_45 = arith.constant 0 : i32
    %dma_start3A_46 = arith.constant 0 : i32
    %dma_start3A_47 = tpu.memref_slice %arg6[%dma_start3A_44, %dma_start3A_45, %dma_start3A_46] : memref<6x128x128xf32, #tpu.memory_space<vmem>> -> memref<1x128x128xf32, #tpu.memory_space<vmem>>
    %dma_start3A_48 = tpu.memref_squeeze %dma_start3A_47 : memref<1x128x128xf32, #tpu.memory_space<vmem>> -> memref<128x128xf32, #tpu.memory_space<vmem>>
    %dma_start3A_49 = arith.constant 512 : i32
    %dma_start3A_50 = tpu.memref_slice %arg5[%dma_start3A_49] : memref<3072xi32, #tpu.memory_space<vmem>> -> memref<128xi32, #tpu.memory_space<vmem>>
    %dma_start3A_51 = arith.constant 0 : i32
    %dma_start3A_52 = arith.constant 0 : i32
    %dma_start3A_53 = tpu.memref_slice %arg7[%dma_start3A_51, %dma_start3A_52] : memref<8x128xf32, #tpu.memory_space<vmem_shared>> -> memref<8x128xf32, #tpu.memory_space<vmem_shared>>
    tpu.enqueue_indirect_dma source(%dma_start3A_53 : memref<8x128xf32, #tpu.memory_space<vmem_shared>>) target(%dma_start3A_48 : memref<128x128xf32, #tpu.memory_space<vmem>>) offsets(%dma_start3A_50 : memref<128xi32, #tpu.memory_space<vmem>>) semaphore(%arg8 : memref<!tpu.dma_semaphore, #tpu.memory_space<semaphore_mem>>)
    %dma_start3A_54 = arith.constant 5 : i32
    %dma_start3A_55 = arith.constant 0 : i32
    %dma_start3A_56 = arith.constant 0 : i32
    %dma_start3A_57 = tpu.memref_slice %arg6[%dma_start3A_54, %dma_start3A_55, %dma_start3A_56] : memref<6x128x128xf32, #tpu.memory_space<vmem>> -> memref<1x128x128xf32, #tpu.memory_space<vmem>>
    %dma_start3A_58 = tpu.memref_squeeze %dma_start3A_57 : memref<1x128x128xf32, #tpu.memory_space<vmem>> -> memref<128x128xf32, #tpu.memory_space<vmem>>
    %dma_start3A_59 = arith.constant 640 : i32
    %dma_start3A_60 = tpu.memref_slice %arg5[%dma_start3A_59] : memref<3072xi32, #tpu.memory_space<vmem>> -> memref<128xi32, #tpu.memory_space<vmem>>
    %dma_start3A_61 = arith.constant 0 : i32
    %dma_start3A_62 = arith.constant 0 : i32
    %dma_start3A_63 = tpu.memref_slice %arg7[%dma_start3A_61, %dma_start3A_62] : memref<8x128xf32, #tpu.memory_space<vmem_shared>> -> memref<8x128xf32, #tpu.memory_space<vmem_shared>>
    tpu.enqueue_indirect_dma source(%dma_start3A_63 : memref<8x128xf32, #tpu.memory_space<vmem_shared>>) target(%dma_start3A_58 : memref<128x128xf32, #tpu.memory_space<vmem>>) offsets(%dma_start3A_60 : memref<128xi32, #tpu.memory_space<vmem>>) semaphore(%arg8 : memref<!tpu.dma_semaphore, #tpu.memory_space<semaphore_mem>>)
    %dma_wait3A = arith.constant 0 : i32
    %dma_wait3A_64 = arith.constant 0 : i32
    %dma_wait3A_65 = arith.constant 0 : i32
    %dma_wait3A_66 = tpu.memref_slice %arg6[%dma_wait3A, %dma_wait3A_64, %dma_wait3A_65] : memref<6x128x128xf32, #tpu.memory_space<vmem>> -> memref<1x128x128xf32, #tpu.memory_space<vmem>>
    %dma_wait3A_67 = tpu.memref_squeeze %dma_wait3A_66 : memref<1x128x128xf32, #tpu.memory_space<vmem>> -> memref<128x128xf32, #tpu.memory_space<vmem>>
    %dma_wait3A_68 = arith.constant 0 : i32
    %dma_wait3A_69 = tpu.memref_slice %arg5[%dma_wait3A_68] : memref<3072xi32, #tpu.memory_space<vmem>> -> memref<128xi32, #tpu.memory_space<vmem>>
    %dma_wait3A_70 = arith.constant 0 : i32
    %dma_wait3A_71 = arith.constant 0 : i32
    %dma_wait3A_72 = tpu.memref_slice %arg7[%dma_wait3A_70, %dma_wait3A_71] : memref<8x128xf32, #tpu.memory_space<vmem_shared>> -> memref<8x128xf32, #tpu.memory_space<vmem_shared>>
    tpu.wait_indirect_dma semaphore(%arg8 : memref<!tpu.dma_semaphore, #tpu.memory_space<semaphore_mem>>) src(%dma_wait3A_72 : memref<8x128xf32, #tpu.memory_space<vmem_shared>>) dst(%dma_wait3A_67 : memref<128x128xf32, #tpu.memory_space<vmem>>)
    %add3A_73 = arith.constant 0 : i32
    %add3A_74 = arith.addi %mul3A_2, %add3A_73 : i32
    %dma_start3A_75 = arith.constant 0 : i32
    %dma_start3A_76 = arith.constant 0 : i32
    %dma_start3A_77 = arith.constant 0 : i32
    %dma_start3A_78 = tpu.memref_slice %arg6[%dma_start3A_75, %dma_start3A_76, %dma_start3A_77] : memref<6x128x128xf32, #tpu.memory_space<vmem>> -> memref<1x128x128xf32, #tpu.memory_space<vmem>>
    %dma_start3A_79 = tpu.memref_squeeze %dma_start3A_78 : memref<1x128x128xf32, #tpu.memory_space<vmem>> -> memref<128x128xf32, #tpu.memory_space<vmem>>
    %dma_start3A_80 = tpu.memref_reshape %arg4 : memref<6x16384x128xf32, #tpu.memory_space<hbm>> -> memref<98304x128xf32, #tpu.memory_space<hbm>>
    %dma_start3A_81 = arith.constant 0 : i32
    %dma_start3A_82 = tpu.memref_slice %dma_start3A_80[%add3A_74, %dma_start3A_81] : memref<98304x128xf32, #tpu.memory_space<hbm>> -> memref<128x128xf32, #tpu.memory_space<hbm>>
    %dma_start3A_83 = tpu.memref_reshape %arg4 : memref<6x16384x128xf32, #tpu.memory_space<hbm>> -> memref<98304x128xf32, #tpu.memory_space<hbm>>
    %dma_start3A_84 = arith.constant 0 : i32
    %dma_start3A_85 = tpu.memref_slice %dma_start3A_83[%add3A_74, %dma_start3A_84] : memref<98304x128xf32, #tpu.memory_space<hbm>> -> memref<128x128xf32, #tpu.memory_space<hbm>>
    %dma_start3A_86 = arith.constant 0 : i32
    %dma_start3A_87 = arith.constant 0 : i32
    %dma_start3A_88 = tpu.memref_slice %arg6[%dma_start3A_75, %dma_start3A_86, %dma_start3A_87] : memref<6x128x128xf32, #tpu.memory_space<vmem>> -> memref<1x128x128xf32, #tpu.memory_space<vmem>>
    %dma_start3A_89 = tpu.memref_squeeze %dma_start3A_88 : memref<1x128x128xf32, #tpu.memory_space<vmem>> -> memref<128x128xf32, #tpu.memory_space<vmem>>
    tpu.enqueue_dma source(%dma_start3A_89 : memref<128x128xf32, #tpu.memory_space<vmem>>) target(%dma_start3A_85 : memref<128x128xf32, #tpu.memory_space<hbm>>) target_semaphore(%arg9 : memref<!tpu.dma_semaphore, #tpu.memory_space<semaphore_mem>>)
    %dma_wait3A_90 = arith.constant 0 : i32
    %dma_wait3A_91 = arith.constant 0 : i32
    %dma_wait3A_92 = arith.constant 0 : i32
    %dma_wait3A_93 = tpu.memref_slice %arg6[%dma_wait3A_90, %dma_wait3A_91, %dma_wait3A_92] : memref<6x128x128xf32, #tpu.memory_space<vmem>> -> memref<1x128x128xf32, #tpu.memory_space<vmem>>
    %dma_wait3A_94 = tpu.memref_squeeze %dma_wait3A_93 : memref<1x128x128xf32, #tpu.memory_space<vmem>> -> memref<128x128xf32, #tpu.memory_space<vmem>>
    %dma_wait3A_95 = tpu.memref_reshape %arg4 : memref<6x16384x128xf32, #tpu.memory_space<hbm>> -> memref<98304x128xf32, #tpu.memory_space<hbm>>
    %dma_wait3A_96 = arith.constant 0 : i32
    %dma_wait3A_97 = tpu.memref_slice %dma_wait3A_95[%add3A_74, %dma_wait3A_96] : memref<98304x128xf32, #tpu.memory_space<hbm>> -> memref<128x128xf32, #tpu.memory_space<hbm>>
    %dma_wait3A_98 = tpu.memref_reshape %arg4 : memref<6x16384x128xf32, #tpu.memory_space<hbm>> -> memref<98304x128xf32, #tpu.memory_space<hbm>>
    %dma_wait3A_99 = arith.constant 0 : i32
    %dma_wait3A_100 = tpu.memref_slice %dma_wait3A_98[%add3A_74, %dma_wait3A_99] : memref<98304x128xf32, #tpu.memory_space<hbm>> -> memref<128x128xf32, #tpu.memory_space<hbm>>
    %dma_wait3A_101 = arith.constant 0 : i32
    %dma_wait3A_102 = arith.constant 0 : i32
    %dma_wait3A_103 = tpu.memref_slice %arg6[%dma_wait3A_90, %dma_wait3A_101, %dma_wait3A_102] : memref<6x128x128xf32, #tpu.memory_space<vmem>> -> memref<1x128x128xf32, #tpu.memory_space<vmem>>
    %dma_wait3A_104 = tpu.memref_squeeze %dma_wait3A_103 : memref<1x128x128xf32, #tpu.memory_space<vmem>> -> memref<128x128xf32, #tpu.memory_space<vmem>>
    tpu.wait_dma2 semaphore(%arg9 : memref<!tpu.dma_semaphore, #tpu.memory_space<semaphore_mem>>) src(%dma_wait3A_104 : memref<128x128xf32, #tpu.memory_space<vmem>>) dst(%dma_wait3A_100 : memref<128x128xf32, #tpu.memory_space<hbm>>)
    %dma_start3A_105 = arith.constant 0 : i32
    %dma_start3A_106 = arith.constant 0 : i32
    %dma_start3A_107 = arith.constant 0 : i32
    %dma_start3A_108 = tpu.memref_slice %arg6[%dma_start3A_105, %dma_start3A_106, %dma_start3A_107] : memref<6x128x128xf32, #tpu.memory_space<vmem>> -> memref<1x128x128xf32, #tpu.memory_space<vmem>>
    %dma_start3A_109 = tpu.memref_squeeze %dma_start3A_108 : memref<1x128x128xf32, #tpu.memory_space<vmem>> -> memref<128x128xf32, #tpu.memory_space<vmem>>
    %dma_start3A_110 = arith.constant 768 : i32
    %dma_start3A_111 = tpu.memref_slice %arg5[%dma_start3A_110] : memref<3072xi32, #tpu.memory_space<vmem>> -> memref<128xi32, #tpu.memory_space<vmem>>
    %dma_start3A_112 = arith.constant 0 : i32
    %dma_start3A_113 = arith.constant 0 : i32
    %dma_start3A_114 = tpu.memref_slice %arg7[%dma_start3A_112, %dma_start3A_113] : memref<8x128xf32, #tpu.memory_space<vmem_shared>> -> memref<8x128xf32, #tpu.memory_space<vmem_shared>>
    tpu.enqueue_indirect_dma source(%dma_start3A_114 : memref<8x128xf32, #tpu.memory_space<vmem_shared>>) target(%dma_start3A_109 : memref<128x128xf32, #tpu.memory_space<vmem>>) offsets(%dma_start3A_111 : memref<128xi32, #tpu.memory_space<vmem>>) semaphore(%arg8 : memref<!tpu.dma_semaphore, #tpu.memory_space<semaphore_mem>>)
    %dma_wait3A_115 = arith.constant 1 : i32
    %dma_wait3A_116 = arith.constant 0 : i32
    %dma_wait3A_117 = arith.constant 0 : i32
    %dma_wait3A_118 = tpu.memref_slice %arg6[%dma_wait3A_115, %dma_wait3A_116, %dma_wait3A_117] : memref<6x128x128xf32, #tpu.memory_space<vmem>> -> memref<1x128x128xf32, #tpu.memory_space<vmem>>
    %dma_wait3A_119 = tpu.memref_squeeze %dma_wait3A_118 : memref<1x128x128xf32, #tpu.memory_space<vmem>> -> memref<128x128xf32, #tpu.memory_space<vmem>>
    %dma_wait3A_120 = arith.constant 128 : i32
    %dma_wait3A_121 = tpu.memref_slice %arg5[%dma_wait3A_120] : memref<3072xi32, #tpu.memory_space<vmem>> -> memref<128xi32, #tpu.memory_space<vmem>>
    %dma_wait3A_122 = arith.constant 0 : i32
    %dma_wait3A_123 = arith.constant 0 : i32
    %dma_wait3A_124 = tpu.memref_slice %arg7[%dma_wait3A_122, %dma_wait3A_123] : memref<8x128xf32, #tpu.memory_space<vmem_shared>> -> memref<8x128xf32, #tpu.memory_space<vmem_shared>>
    tpu.wait_indirect_dma semaphore(%arg8 : memref<!tpu.dma_semaphore, #tpu.memory_space<semaphore_mem>>) src(%dma_wait3A_124 : memref<8x128xf32, #tpu.memory_space<vmem_shared>>) dst(%dma_wait3A_119 : memref<128x128xf32, #tpu.memory_space<vmem>>)
    %add3A_125 = arith.constant 128 : i32
    %add3A_126 = arith.addi %mul3A_2, %add3A_125 : i32
    %dma_start3A_127 = arith.constant 1 : i32
    %dma_start3A_128 = arith.constant 0 : i32
    %dma_start3A_129 = arith.constant 0 : i32
    %dma_start3A_130 = tpu.memref_slice %arg6[%dma_start3A_127, %dma_start3A_128, %dma_start3A_129] : memref<6x128x128xf32, #tpu.memory_space<vmem>> -> memref<1x128x128xf32, #tpu.memory_space<vmem>>
    %dma_start3A_131 = tpu.memref_squeeze %dma_start3A_130 : memref<1x128x128xf32, #tpu.memory_space<vmem>> -> memref<128x128xf32, #tpu.memory_space<vmem>>
    %dma_start3A_132 = tpu.memref_reshape %arg4 : memref<6x16384x128xf32, #tpu.memory_space<hbm>> -> memref<98304x128xf32, #tpu.memory_space<hbm>>
    %dma_start3A_133 = arith.constant 0 : i32
    %dma_start3A_134 = tpu.memref_slice %dma_start3A_132[%add3A_126, %dma_start3A_133] : memref<98304x128xf32, #tpu.memory_space<hbm>> -> memref<128x128xf32, #tpu.memory_space<hbm>>
    %dma_start3A_135 = tpu.memref_reshape %arg4 : memref<6x16384x128xf32, #tpu.memory_space<hbm>> -> memref<98304x128xf32, #tpu.memory_space<hbm>>
    %dma_start3A_136 = arith.constant 0 : i32
    %dma_start3A_137 = tpu.memref_slice %dma_start3A_135[%add3A_126, %dma_start3A_136] : memref<98304x128xf32, #tpu.memory_space<hbm>> -> memref<128x128xf32, #tpu.memory_space<hbm>>
    %dma_start3A_138 = arith.constant 0 : i32
    %dma_start3A_139 = arith.constant 0 : i32
    %dma_start3A_140 = tpu.memref_slice %arg6[%dma_start3A_127, %dma_start3A_138, %dma_start3A_139] : memref<6x128x128xf32, #tpu.memory_space<vmem>> -> memref<1x128x128xf32, #tpu.memory_space<vmem>>
    %dma_start3A_141 = tpu.memref_squeeze %dma_start3A_140 : memref<1x128x128xf32, #tpu.memory_space<vmem>> -> memref<128x128xf32, #tpu.memory_space<vmem>>
    tpu.enqueue_dma source(%dma_start3A_141 : memref<128x128xf32, #tpu.memory_space<vmem>>) target(%dma_start3A_137 : memref<128x128xf32, #tpu.memory_space<hbm>>) target_semaphore(%arg9 : memref<!tpu.dma_semaphore, #tpu.memory_space<semaphore_mem>>)
    %dma_wait3A_142 = arith.constant 1 : i32
    %dma_wait3A_143 = arith.constant 0 : i32
    %dma_wait3A_144 = arith.constant 0 : i32
    %dma_wait3A_145 = tpu.memref_slice %arg6[%dma_wait3A_142, %dma_wait3A_143, %dma_wait3A_144] : memref<6x128x128xf32, #tpu.memory_space<vmem>> -> memref<1x128x128xf32, #tpu.memory_space<vmem>>
    %dma_wait3A_146 = tpu.memref_squeeze %dma_wait3A_145 : memref<1x128x128xf32, #tpu.memory_space<vmem>> -> memref<128x128xf32, #tpu.memory_space<vmem>>
    %dma_wait3A_147 = tpu.memref_reshape %arg4 : memref<6x16384x128xf32, #tpu.memory_space<hbm>> -> memref<98304x128xf32, #tpu.memory_space<hbm>>
    %dma_wait3A_148 = arith.constant 0 : i32
    %dma_wait3A_149 = tpu.memref_slice %dma_wait3A_147[%add3A_126, %dma_wait3A_148] : memref<98304x128xf32, #tpu.memory_space<hbm>> -> memref<128x128xf32, #tpu.memory_space<hbm>>
    %dma_wait3A_150 = tpu.memref_reshape %arg4 : memref<6x16384x128xf32, #tpu.memory_space<hbm>> -> memref<98304x128xf32, #tpu.memory_space<hbm>>
    %dma_wait3A_151 = arith.constant 0 : i32
    %dma_wait3A_152 = tpu.memref_slice %dma_wait3A_150[%add3A_126, %dma_wait3A_151] : memref<98304x128xf32, #tpu.memory_space<hbm>> -> memref<128x128xf32, #tpu.memory_space<hbm>>
    %dma_wait3A_153 = arith.constant 0 : i32
    %dma_wait3A_154 = arith.constant 0 : i32
    %dma_wait3A_155 = tpu.memref_slice %arg6[%dma_wait3A_142, %dma_wait3A_153, %dma_wait3A_154] : memref<6x128x128xf32, #tpu.memory_space<vmem>> -> memref<1x128x128xf32, #tpu.memory_space<vmem>>
    %dma_wait3A_156 = tpu.memref_squeeze %dma_wait3A_155 : memref<1x128x128xf32, #tpu.memory_space<vmem>> -> memref<128x128xf32, #tpu.memory_space<vmem>>
    tpu.wait_dma2 semaphore(%arg9 : memref<!tpu.dma_semaphore, #tpu.memory_space<semaphore_mem>>) src(%dma_wait3A_156 : memref<128x128xf32, #tpu.memory_space<vmem>>) dst(%dma_wait3A_152 : memref<128x128xf32, #tpu.memory_space<hbm>>)
    %dma_start3A_157 = arith.constant 1 : i32
    %dma_start3A_158 = arith.constant 0 : i32
    %dma_start3A_159 = arith.constant 0 : i32
    %dma_start3A_160 = tpu.memref_slice %arg6[%dma_start3A_157, %dma_start3A_158, %dma_start3A_159] : memref<6x128x128xf32, #tpu.memory_space<vmem>> -> memref<1x128x128xf32, #tpu.memory_space<vmem>>
    %dma_start3A_161 = tpu.memref_squeeze %dma_start3A_160 : memref<1x128x128xf32, #tpu.memory_space<vmem>> -> memref<128x128xf32, #tpu.memory_space<vmem>>
    %dma_start3A_162 = arith.constant 896 : i32
    %dma_start3A_163 = tpu.memref_slice %arg5[%dma_start3A_162] : memref<3072xi32, #tpu.memory_space<vmem>> -> memref<128xi32, #tpu.memory_space<vmem>>
    %dma_start3A_164 = arith.constant 0 : i32
    %dma_start3A_165 = arith.constant 0 : i32
    %dma_start3A_166 = tpu.memref_slice %arg7[%dma_start3A_164, %dma_start3A_165] : memref<8x128xf32, #tpu.memory_space<vmem_shared>> -> memref<8x128xf32, #tpu.memory_space<vmem_shared>>
    tpu.enqueue_indirect_dma source(%dma_start3A_166 : memref<8x128xf32, #tpu.memory_space<vmem_shared>>) target(%dma_start3A_161 : memref<128x128xf32, #tpu.memory_space<vmem>>) offsets(%dma_start3A_163 : memref<128xi32, #tpu.memory_space<vmem>>) semaphore(%arg8 : memref<!tpu.dma_semaphore, #tpu.memory_space<semaphore_mem>>)
    %dma_wait3A_167 = arith.constant 2 : i32
    %dma_wait3A_168 = arith.constant 0 : i32
    %dma_wait3A_169 = arith.constant 0 : i32
    %dma_wait3A_170 = tpu.memref_slice %arg6[%dma_wait3A_167, %dma_wait3A_168, %dma_wait3A_169] : memref<6x128x128xf32, #tpu.memory_space<vmem>> -> memref<1x128x128xf32, #tpu.memory_space<vmem>>
    %dma_wait3A_171 = tpu.memref_squeeze %dma_wait3A_170 : memref<1x128x128xf32, #tpu.memory_space<vmem>> -> memref<128x128xf32, #tpu.memory_space<vmem>>
    %dma_wait3A_172 = arith.constant 256 : i32
    %dma_wait3A_173 = tpu.memref_slice %arg5[%dma_wait3A_172] : memref<3072xi32, #tpu.memory_space<vmem>> -> memref<128xi32, #tpu.memory_space<vmem>>
    %dma_wait3A_174 = arith.constant 0 : i32
    %dma_wait3A_175 = arith.constant 0 : i32
    %dma_wait3A_176 = tpu.memref_slice %arg7[%dma_wait3A_174, %dma_wait3A_175] : memref<8x128xf32, #tpu.memory_space<vmem_shared>> -> memref<8x128xf32, #tpu.memory_space<vmem_shared>>
    tpu.wait_indirect_dma semaphore(%arg8 : memref<!tpu.dma_semaphore, #tpu.memory_space<semaphore_mem>>) src(%dma_wait3A_176 : memref<8x128xf32, #tpu.memory_space<vmem_shared>>) dst(%dma_wait3A_171 : memref<128x128xf32, #tpu.memory_space<vmem>>)
    %add3A_177 = arith.constant 256 : i32
    %add3A_178 = arith.addi %mul3A_2, %add3A_177 : i32
    %dma_start3A_179 = arith.constant 2 : i32
    %dma_start3A_180 = arith.constant 0 : i32
    %dma_start3A_181 = arith.constant 0 : i32
    %dma_start3A_182 = tpu.memref_slice %arg6[%dma_start3A_179, %dma_start3A_180, %dma_start3A_181] : memref<6x128x128xf32, #tpu.memory_space<vmem>> -> memref<1x128x128xf32, #tpu.memory_space<vmem>>
    %dma_start3A_183 = tpu.memref_squeeze %dma_start3A_182 : memref<1x128x128xf32, #tpu.memory_space<vmem>> -> memref<128x128xf32, #tpu.memory_space<vmem>>
    %dma_start3A_184 = tpu.memref_reshape %arg4 : memref<6x16384x128xf32, #tpu.memory_space<hbm>> -> memref<98304x128xf32, #tpu.memory_space<hbm>>
    %dma_start3A_185 = arith.constant 0 : i32
    %dma_start3A_186 = tpu.memref_slice %dma_start3A_184[%add3A_178, %dma_start3A_185] : memref<98304x128xf32, #tpu.memory_space<hbm>> -> memref<128x128xf32, #tpu.memory_space<hbm>>
    %dma_start3A_187 = tpu.memref_reshape %arg4 : memref<6x16384x128xf32, #tpu.memory_space<hbm>> -> memref<98304x128xf32, #tpu.memory_space<hbm>>
    %dma_start3A_188 = arith.constant 0 : i32
    %dma_start3A_189 = tpu.memref_slice %dma_start3A_187[%add3A_178, %dma_start3A_188] : memref<98304x128xf32, #tpu.memory_space<hbm>> -> memref<128x128xf32, #tpu.memory_space<hbm>>
    %dma_start3A_190 = arith.constant 0 : i32
    %dma_start3A_191 = arith.constant 0 : i32
    %dma_start3A_192 = tpu.memref_slice %arg6[%dma_start3A_179, %dma_start3A_190, %dma_start3A_191] : memref<6x128x128xf32, #tpu.memory_space<vmem>> -> memref<1x128x128xf32, #tpu.memory_space<vmem>>
    %dma_start3A_193 = tpu.memref_squeeze %dma_start3A_192 : memref<1x128x128xf32, #tpu.memory_space<vmem>> -> memref<128x128xf32, #tpu.memory_space<vmem>>
    tpu.enqueue_dma source(%dma_start3A_193 : memref<128x128xf32, #tpu.memory_space<vmem>>) target(%dma_start3A_189 : memref<128x128xf32, #tpu.memory_space<hbm>>) target_semaphore(%arg9 : memref<!tpu.dma_semaphore, #tpu.memory_space<semaphore_mem>>)
    %dma_wait3A_194 = arith.constant 2 : i32
    %dma_wait3A_195 = arith.constant 0 : i32
    %dma_wait3A_196 = arith.constant 0 : i32
    %dma_wait3A_197 = tpu.memref_slice %arg6[%dma_wait3A_194, %dma_wait3A_195, %dma_wait3A_196] : memref<6x128x128xf32, #tpu.memory_space<vmem>> -> memref<1x128x128xf32, #tpu.memory_space<vmem>>
    %dma_wait3A_198 = tpu.memref_squeeze %dma_wait3A_197 : memref<1x128x128xf32, #tpu.memory_space<vmem>> -> memref<128x128xf32, #tpu.memory_space<vmem>>
    %dma_wait3A_199 = tpu.memref_reshape %arg4 : memref<6x16384x128xf32, #tpu.memory_space<hbm>> -> memref<98304x128xf32, #tpu.memory_space<hbm>>
    %dma_wait3A_200 = arith.constant 0 : i32
    %dma_wait3A_201 = tpu.memref_slice %dma_wait3A_199[%add3A_178, %dma_wait3A_200] : memref<98304x128xf32, #tpu.memory_space<hbm>> -> memref<128x128xf32, #tpu.memory_space<hbm>>
    %dma_wait3A_202 = tpu.memref_reshape %arg4 : memref<6x16384x128xf32, #tpu.memory_space<hbm>> -> memref<98304x128xf32, #tpu.memory_space<hbm>>
    %dma_wait3A_203 = arith.constant 0 : i32
    %dma_wait3A_204 = tpu.memref_slice %dma_wait3A_202[%add3A_178, %dma_wait3A_203] : memref<98304x128xf32, #tpu.memory_space<hbm>> -> memref<128x128xf32, #tpu.memory_space<hbm>>
    %dma_wait3A_205 = arith.constant 0 : i32
    %dma_wait3A_206 = arith.constant 0 : i32
    %dma_wait3A_207 = tpu.memref_slice %arg6[%dma_wait3A_194, %dma_wait3A_205, %dma_wait3A_206] : memref<6x128x128xf32, #tpu.memory_space<vmem>> -> memref<1x128x128xf32, #tpu.memory_space<vmem>>
    %dma_wait3A_208 = tpu.memref_squeeze %dma_wait3A_207 : memref<1x128x128xf32, #tpu.memory_space<vmem>> -> memref<128x128xf32, #tpu.memory_space<vmem>>
    tpu.wait_dma2 semaphore(%arg9 : memref<!tpu.dma_semaphore, #tpu.memory_space<semaphore_mem>>) src(%dma_wait3A_208 : memref<128x128xf32, #tpu.memory_space<vmem>>) dst(%dma_wait3A_204 : memref<128x128xf32, #tpu.memory_space<hbm>>)
    %dma_start3A_209 = arith.constant 2 : i32
    %dma_start3A_210 = arith.constant 0 : i32
    %dma_start3A_211 = arith.constant 0 : i32
    %dma_start3A_212 = tpu.memref_slice %arg6[%dma_start3A_209, %dma_start3A_210, %dma_start3A_211] : memref<6x128x128xf32, #tpu.memory_space<vmem>> -> memref<1x128x128xf32, #tpu.memory_space<vmem>>
    %dma_start3A_213 = tpu.memref_squeeze %dma_start3A_212 : memref<1x128x128xf32, #tpu.memory_space<vmem>> -> memref<128x128xf32, #tpu.memory_space<vmem>>
    %dma_start3A_214 = arith.constant 1024 : i32
    %dma_start3A_215 = tpu.memref_slice %arg5[%dma_start3A_214] : memref<3072xi32, #tpu.memory_space<vmem>> -> memref<128xi32, #tpu.memory_space<vmem>>
    %dma_start3A_216 = arith.constant 0 : i32
    %dma_start3A_217 = arith.constant 0 : i32
    %dma_start3A_218 = tpu.memref_slice %arg7[%dma_start3A_216, %dma_start3A_217] : memref<8x128xf32, #tpu.memory_space<vmem_shared>> -> memref<8x128xf32, #tpu.memory_space<vmem_shared>>
    tpu.enqueue_indirect_dma source(%dma_start3A_218 : memref<8x128xf32, #tpu.memory_space<vmem_shared>>) target(%dma_start3A_213 : memref<128x128xf32, #tpu.memory_space<vmem>>) offsets(%dma_start3A_215 : memref<128xi32, #tpu.memory_space<vmem>>) semaphore(%arg8 : memref<!tpu.dma_semaphore, #tpu.memory_space<semaphore_mem>>)
    %dma_wait3A_219 = arith.constant 3 : i32
    %dma_wait3A_220 = arith.constant 0 : i32
    %dma_wait3A_221 = arith.constant 0 : i32
    %dma_wait3A_222 = tpu.memref_slice %arg6[%dma_wait3A_219, %dma_wait3A_220, %dma_wait3A_221] : memref<6x128x128xf32, #tpu.memory_space<vmem>> -> memref<1x128x128xf32, #tpu.memory_space<vmem>>
    %dma_wait3A_223 = tpu.memref_squeeze %dma_wait3A_222 : memref<1x128x128xf32, #tpu.memory_space<vmem>> -> memref<128x128xf32, #tpu.memory_space<vmem>>
    %dma_wait3A_224 = arith.constant 384 : i32
    %dma_wait3A_225 = tpu.memref_slice %arg5[%dma_wait3A_224] : memref<3072xi32, #tpu.memory_space<vmem>> -> memref<128xi32, #tpu.memory_space<vmem>>
    %dma_wait3A_226 = arith.constant 0 : i32
    %dma_wait3A_227 = arith.constant 0 : i32
    %dma_wait3A_228 = tpu.memref_slice %arg7[%dma_wait3A_226, %dma_wait3A_227] : memref<8x128xf32, #tpu.memory_space<vmem_shared>> -> memref<8x128xf32, #tpu.memory_space<vmem_shared>>
    tpu.wait_indirect_dma semaphore(%arg8 : memref<!tpu.dma_semaphore, #tpu.memory_space<semaphore_mem>>) src(%dma_wait3A_228 : memref<8x128xf32, #tpu.memory_space<vmem_shared>>) dst(%dma_wait3A_223 : memref<128x128xf32, #tpu.memory_space<vmem>>)
    %add3A_229 = arith.constant 384 : i32
    %add3A_230 = arith.addi %mul3A_2, %add3A_229 : i32
    %dma_start3A_231 = arith.constant 3 : i32
    %dma_start3A_232 = arith.constant 0 : i32
    %dma_start3A_233 = arith.constant 0 : i32
    %dma_start3A_234 = tpu.memref_slice %arg6[%dma_start3A_231, %dma_start3A_232, %dma_start3A_233] : memref<6x128x128xf32, #tpu.memory_space<vmem>> -> memref<1x128x128xf32, #tpu.memory_space<vmem>>
    %dma_start3A_235 = tpu.memref_squeeze %dma_start3A_234 : memref<1x128x128xf32, #tpu.memory_space<vmem>> -> memref<128x128xf32, #tpu.memory_space<vmem>>
    %dma_start3A_236 = tpu.memref_reshape %arg4 : memref<6x16384x128xf32, #tpu.memory_space<hbm>> -> memref<98304x128xf32, #tpu.memory_space<hbm>>
    %dma_start3A_237 = arith.constant 0 : i32
    %dma_start3A_238 = tpu.memref_slice %dma_start3A_236[%add3A_230, %dma_start3A_237] : memref<98304x128xf32, #tpu.memory_space<hbm>> -> memref<128x128xf32, #tpu.memory_space<hbm>>
    %dma_start3A_239 = tpu.memref_reshape %arg4 : memref<6x16384x128xf32, #tpu.memory_space<hbm>> -> memref<98304x128xf32, #tpu.memory_space<hbm>>
    %dma_start3A_240 = arith.constant 0 : i32
    %dma_start3A_241 = tpu.memref_slice %dma_start3A_239[%add3A_230, %dma_start3A_240] : memref<98304x128xf32, #tpu.memory_space<hbm>> -> memref<128x128xf32, #tpu.memory_space<hbm>>
    %dma_start3A_242 = arith.constant 0 : i32
    %dma_start3A_243 = arith.constant 0 : i32
    %dma_start3A_244 = tpu.memref_slice %arg6[%dma_start3A_231, %dma_start3A_242, %dma_start3A_243] : memref<6x128x128xf32, #tpu.memory_space<vmem>> -> memref<1x128x128xf32, #tpu.memory_space<vmem>>
    %dma_start3A_245 = tpu.memref_squeeze %dma_start3A_244 : memref<1x128x128xf32, #tpu.memory_space<vmem>> -> memref<128x128xf32, #tpu.memory_space<vmem>>
    tpu.enqueue_dma source(%dma_start3A_245 : memref<128x128xf32, #tpu.memory_space<vmem>>) target(%dma_start3A_241 : memref<128x128xf32, #tpu.memory_space<hbm>>) target_semaphore(%arg9 : memref<!tpu.dma_semaphore, #tpu.memory_space<semaphore_mem>>)
    %dma_wait3A_246 = arith.constant 3 : i32
    %dma_wait3A_247 = arith.constant 0 : i32
    %dma_wait3A_248 = arith.constant 0 : i32
    %dma_wait3A_249 = tpu.memref_slice %arg6[%dma_wait3A_246, %dma_wait3A_247, %dma_wait3A_248] : memref<6x128x128xf32, #tpu.memory_space<vmem>> -> memref<1x128x128xf32, #tpu.memory_space<vmem>>
    %dma_wait3A_250 = tpu.memref_squeeze %dma_wait3A_249 : memref<1x128x128xf32, #tpu.memory_space<vmem>> -> memref<128x128xf32, #tpu.memory_space<vmem>>
    %dma_wait3A_251 = tpu.memref_reshape %arg4 : memref<6x16384x128xf32, #tpu.memory_space<hbm>> -> memref<98304x128xf32, #tpu.memory_space<hbm>>
    %dma_wait3A_252 = arith.constant 0 : i32
    %dma_wait3A_253 = tpu.memref_slice %dma_wait3A_251[%add3A_230, %dma_wait3A_252] : memref<98304x128xf32, #tpu.memory_space<hbm>> -> memref<128x128xf32, #tpu.memory_space<hbm>>
    %dma_wait3A_254 = tpu.memref_reshape %arg4 : memref<6x16384x128xf32, #tpu.memory_space<hbm>> -> memref<98304x128xf32, #tpu.memory_space<hbm>>
    %dma_wait3A_255 = arith.constant 0 : i32
    %dma_wait3A_256 = tpu.memref_slice %dma_wait3A_254[%add3A_230, %dma_wait3A_255] : memref<98304x128xf32, #tpu.memory_space<hbm>> -> memref<128x128xf32, #tpu.memory_space<hbm>>
    %dma_wait3A_257 = arith.constant 0 : i32
    %dma_wait3A_258 = arith.constant 0 : i32
    %dma_wait3A_259 = tpu.memref_slice %arg6[%dma_wait3A_246, %dma_wait3A_257, %dma_wait3A_258] : memref<6x128x128xf32, #tpu.memory_space<vmem>> -> memref<1x128x128xf32, #tpu.memory_space<vmem>>
    %dma_wait3A_260 = tpu.memref_squeeze %dma_wait3A_259 : memref<1x128x128xf32, #tpu.memory_space<vmem>> -> memref<128x128xf32, #tpu.memory_space<vmem>>
    tpu.wait_dma2 semaphore(%arg9 : memref<!tpu.dma_semaphore, #tpu.memory_space<semaphore_mem>>) src(%dma_wait3A_260 : memref<128x128xf32, #tpu.memory_space<vmem>>) dst(%dma_wait3A_256 : memref<128x128xf32, #tpu.memory_space<hbm>>)
    %dma_start3A_261 = arith.constant 3 : i32
    %dma_start3A_262 = arith.constant 0 : i32
    %dma_start3A_263 = arith.constant 0 : i32
    %dma_start3A_264 = tpu.memref_slice %arg6[%dma_start3A_261, %dma_start3A_262, %dma_start3A_263] : memref<6x128x128xf32, #tpu.memory_space<vmem>> -> memref<1x128x128xf32, #tpu.memory_space<vmem>>
    %dma_start3A_265 = tpu.memref_squeeze %dma_start3A_264 : memref<1x128x128xf32, #tpu.memory_space<vmem>> -> memref<128x128xf32, #tpu.memory_space<vmem>>
    %dma_start3A_266 = arith.constant 1152 : i32
    %dma_start3A_267 = tpu.memref_slice %arg5[%dma_start3A_266] : memref<3072xi32, #tpu.memory_space<vmem>> -> memref<128xi32, #tpu.memory_space<vmem>>
    %dma_start3A_268 = arith.constant 0 : i32
    %dma_start3A_269 = arith.constant 0 : i32
    %dma_start3A_270 = tpu.memref_slice %arg7[%dma_start3A_268, %dma_start3A_269] : memref<8x128xf32, #tpu.memory_space<vmem_shared>> -> memref<8x128xf32, #tpu.memory_space<vmem_shared>>
    tpu.enqueue_indirect_dma source(%dma_start3A_270 : memref<8x128xf32, #tpu.memory_space<vmem_shared>>) target(%dma_start3A_265 : memref<128x128xf32, #tpu.memory_space<vmem>>) offsets(%dma_start3A_267 : memref<128xi32, #tpu.memory_space<vmem>>) semaphore(%arg8 : memref<!tpu.dma_semaphore, #tpu.memory_space<semaphore_mem>>)
    %dma_wait3A_271 = arith.constant 4 : i32
    %dma_wait3A_272 = arith.constant 0 : i32
    %dma_wait3A_273 = arith.constant 0 : i32
    %dma_wait3A_274 = tpu.memref_slice %arg6[%dma_wait3A_271, %dma_wait3A_272, %dma_wait3A_273] : memref<6x128x128xf32, #tpu.memory_space<vmem>> -> memref<1x128x128xf32, #tpu.memory_space<vmem>>
    %dma_wait3A_275 = tpu.memref_squeeze %dma_wait3A_274 : memref<1x128x128xf32, #tpu.memory_space<vmem>> -> memref<128x128xf32, #tpu.memory_space<vmem>>
    %dma_wait3A_276 = arith.constant 512 : i32
    %dma_wait3A_277 = tpu.memref_slice %arg5[%dma_wait3A_276] : memref<3072xi32, #tpu.memory_space<vmem>> -> memref<128xi32, #tpu.memory_space<vmem>>
    %dma_wait3A_278 = arith.constant 0 : i32
    %dma_wait3A_279 = arith.constant 0 : i32
    %dma_wait3A_280 = tpu.memref_slice %arg7[%dma_wait3A_278, %dma_wait3A_279] : memref<8x128xf32, #tpu.memory_space<vmem_shared>> -> memref<8x128xf32, #tpu.memory_space<vmem_shared>>
    tpu.wait_indirect_dma semaphore(%arg8 : memref<!tpu.dma_semaphore, #tpu.memory_space<semaphore_mem>>) src(%dma_wait3A_280 : memref<8x128xf32, #tpu.memory_space<vmem_shared>>) dst(%dma_wait3A_275 : memref<128x128xf32, #tpu.memory_space<vmem>>)
    %add3A_281 = arith.constant 512 : i32
    %add3A_282 = arith.addi %mul3A_2, %add3A_281 : i32
    %dma_start3A_283 = arith.constant 4 : i32
    %dma_start3A_284 = arith.constant 0 : i32
    %dma_start3A_285 = arith.constant 0 : i32
    %dma_start3A_286 = tpu.memref_slice %arg6[%dma_start3A_283, %dma_start3A_284, %dma_start3A_285] : memref<6x128x128xf32, #tpu.memory_space<vmem>> -> memref<1x128x128xf32, #tpu.memory_space<vmem>>
    %dma_start3A_287 = tpu.memref_squeeze %dma_start3A_286 : memref<1x128x128xf32, #tpu.memory_space<vmem>> -> memref<128x128xf32, #tpu.memory_space<vmem>>
    %dma_start3A_288 = tpu.memref_reshape %arg4 : memref<6x16384x128xf32, #tpu.memory_space<hbm>> -> memref<98304x128xf32, #tpu.memory_space<hbm>>
    %dma_start3A_289 = arith.constant 0 : i32
    %dma_start3A_290 = tpu.memref_slice %dma_start3A_288[%add3A_282, %dma_start3A_289] : memref<98304x128xf32, #tpu.memory_space<hbm>> -> memref<128x128xf32, #tpu.memory_space<hbm>>
    %dma_start3A_291 = tpu.memref_reshape %arg4 : memref<6x16384x128xf32, #tpu.memory_space<hbm>> -> memref<98304x128xf32, #tpu.memory_space<hbm>>
    %dma_start3A_292 = arith.constant 0 : i32
    %dma_start3A_293 = tpu.memref_slice %dma_start3A_291[%add3A_282, %dma_start3A_292] : memref<98304x128xf32, #tpu.memory_space<hbm>> -> memref<128x128xf32, #tpu.memory_space<hbm>>
    %dma_start3A_294 = arith.constant 0 : i32
    %dma_start3A_295 = arith.constant 0 : i32
    %dma_start3A_296 = tpu.memref_slice %arg6[%dma_start3A_283, %dma_start3A_294, %dma_start3A_295] : memref<6x128x128xf32, #tpu.memory_space<vmem>> -> memref<1x128x128xf32, #tpu.memory_space<vmem>>
    %dma_start3A_297 = tpu.memref_squeeze %dma_start3A_296 : memref<1x128x128xf32, #tpu.memory_space<vmem>> -> memref<128x128xf32, #tpu.memory_space<vmem>>
    tpu.enqueue_dma source(%dma_start3A_297 : memref<128x128xf32, #tpu.memory_space<vmem>>) target(%dma_start3A_293 : memref<128x128xf32, #tpu.memory_space<hbm>>) target_semaphore(%arg9 : memref<!tpu.dma_semaphore, #tpu.memory_space<semaphore_mem>>)
    %dma_wait3A_298 = arith.constant 4 : i32
    %dma_wait3A_299 = arith.constant 0 : i32
    %dma_wait3A_300 = arith.constant 0 : i32
    %dma_wait3A_301 = tpu.memref_slice %arg6[%dma_wait3A_298, %dma_wait3A_299, %dma_wait3A_300] : memref<6x128x128xf32, #tpu.memory_space<vmem>> -> memref<1x128x128xf32, #tpu.memory_space<vmem>>
    %dma_wait3A_302 = tpu.memref_squeeze %dma_wait3A_301 : memref<1x128x128xf32, #tpu.memory_space<vmem>> -> memref<128x128xf32, #tpu.memory_space<vmem>>
    %dma_wait3A_303 = tpu.memref_reshape %arg4 : memref<6x16384x128xf32, #tpu.memory_space<hbm>> -> memref<98304x128xf32, #tpu.memory_space<hbm>>
    %dma_wait3A_304 = arith.constant 0 : i32
    %dma_wait3A_305 = tpu.memref_slice %dma_wait3A_303[%add3A_282, %dma_wait3A_304] : memref<98304x128xf32, #tpu.memory_space<hbm>> -> memref<128x128xf32, #tpu.memory_space<hbm>>
    %dma_wait3A_306 = tpu.memref_reshape %arg4 : memref<6x16384x128xf32, #tpu.memory_space<hbm>> -> memref<98304x128xf32, #tpu.memory_space<hbm>>
    %dma_wait3A_307 = arith.constant 0 : i32
    %dma_wait3A_308 = tpu.memref_slice %dma_wait3A_306[%add3A_282, %dma_wait3A_307] : memref<98304x128xf32, #tpu.memory_space<hbm>> -> memref<128x128xf32, #tpu.memory_space<hbm>>
    %dma_wait3A_309 = arith.constant 0 : i32
    %dma_wait3A_310 = arith.constant 0 : i32
    %dma_wait3A_311 = tpu.memref_slice %arg6[%dma_wait3A_298, %dma_wait3A_309, %dma_wait3A_310] : memref<6x128x128xf32, #tpu.memory_space<vmem>> -> memref<1x128x128xf32, #tpu.memory_space<vmem>>
    %dma_wait3A_312 = tpu.memref_squeeze %dma_wait3A_311 : memref<1x128x128xf32, #tpu.memory_space<vmem>> -> memref<128x128xf32, #tpu.memory_space<vmem>>
    tpu.wait_dma2 semaphore(%arg9 : memref<!tpu.dma_semaphore, #tpu.memory_space<semaphore_mem>>) src(%dma_wait3A_312 : memref<128x128xf32, #tpu.memory_space<vmem>>) dst(%dma_wait3A_308 : memref<128x128xf32, #tpu.memory_space<hbm>>)
    %dma_start3A_313 = arith.constant 4 : i32
    %dma_start3A_314 = arith.constant 0 : i32
    %dma_start3A_315 = arith.constant 0 : i32
    %dma_start3A_316 = tpu.memref_slice %arg6[%dma_start3A_313, %dma_start3A_314, %dma_start3A_315] : memref<6x128x128xf32, #tpu.memory_space<vmem>> -> memref<1x128x128xf32, #tpu.memory_space<vmem>>
    %dma_start3A_317 = tpu.memref_squeeze %dma_start3A_316 : memref<1x128x128xf32, #tpu.memory_space<vmem>> -> memref<128x128xf32, #tpu.memory_space<vmem>>
    %dma_start3A_318 = arith.constant 1280 : i32
    %dma_start3A_319 = tpu.memref_slice %arg5[%dma_start3A_318] : memref<3072xi32, #tpu.memory_space<vmem>> -> memref<128xi32, #tpu.memory_space<vmem>>
    %dma_start3A_320 = arith.constant 0 : i32
    %dma_start3A_321 = arith.constant 0 : i32
    %dma_start3A_322 = tpu.memref_slice %arg7[%dma_start3A_320, %dma_start3A_321] : memref<8x128xf32, #tpu.memory_space<vmem_shared>> -> memref<8x128xf32, #tpu.memory_space<vmem_shared>>
    tpu.enqueue_indirect_dma source(%dma_start3A_322 : memref<8x128xf32, #tpu.memory_space<vmem_shared>>) target(%dma_start3A_317 : memref<128x128xf32, #tpu.memory_space<vmem>>) offsets(%dma_start3A_319 : memref<128xi32, #tpu.memory_space<vmem>>) semaphore(%arg8 : memref<!tpu.dma_semaphore, #tpu.memory_space<semaphore_mem>>)
    %dma_wait3A_323 = arith.constant 5 : i32
    %dma_wait3A_324 = arith.constant 0 : i32
    %dma_wait3A_325 = arith.constant 0 : i32
    %dma_wait3A_326 = tpu.memref_slice %arg6[%dma_wait3A_323, %dma_wait3A_324, %dma_wait3A_325] : memref<6x128x128xf32, #tpu.memory_space<vmem>> -> memref<1x128x128xf32, #tpu.memory_space<vmem>>
    %dma_wait3A_327 = tpu.memref_squeeze %dma_wait3A_326 : memref<1x128x128xf32, #tpu.memory_space<vmem>> -> memref<128x128xf32, #tpu.memory_space<vmem>>
    %dma_wait3A_328 = arith.constant 640 : i32
    %dma_wait3A_329 = tpu.memref_slice %arg5[%dma_wait3A_328] : memref<3072xi32, #tpu.memory_space<vmem>> -> memref<128xi32, #tpu.memory_space<vmem>>
    %dma_wait3A_330 = arith.constant 0 : i32
    %dma_wait3A_331 = arith.constant 0 : i32
    %dma_wait3A_332 = tpu.memref_slice %arg7[%dma_wait3A_330, %dma_wait3A_331] : memref<8x128xf32, #tpu.memory_space<vmem_shared>> -> memref<8x128xf32, #tpu.memory_space<vmem_shared>>
    tpu.wait_indirect_dma semaphore(%arg8 : memref<!tpu.dma_semaphore, #tpu.memory_space<semaphore_mem>>) src(%dma_wait3A_332 : memref<8x128xf32, #tpu.memory_space<vmem_shared>>) dst(%dma_wait3A_327 : memref<128x128xf32, #tpu.memory_space<vmem>>)
    %add3A_333 = arith.constant 640 : i32
    %add3A_334 = arith.addi %mul3A_2, %add3A_333 : i32
    %dma_start3A_335 = arith.constant 5 : i32
    %dma_start3A_336 = arith.constant 0 : i32
    %dma_start3A_337 = arith.constant 0 : i32
    %dma_start3A_338 = tpu.memref_slice %arg6[%dma_start3A_335, %dma_start3A_336, %dma_start3A_337] : memref<6x128x128xf32, #tpu.memory_space<vmem>> -> memref<1x128x128xf32, #tpu.memory_space<vmem>>
    %dma_start3A_339 = tpu.memref_squeeze %dma_start3A_338 : memref<1x128x128xf32, #tpu.memory_space<vmem>> -> memref<128x128xf32, #tpu.memory_space<vmem>>
    %dma_start3A_340 = tpu.memref_reshape %arg4 : memref<6x16384x128xf32, #tpu.memory_space<hbm>> -> memref<98304x128xf32, #tpu.memory_space<hbm>>
    %dma_start3A_341 = arith.constant 0 : i32
    %dma_start3A_342 = tpu.memref_slice %dma_start3A_340[%add3A_334, %dma_start3A_341] : memref<98304x128xf32, #tpu.memory_space<hbm>> -> memref<128x128xf32, #tpu.memory_space<hbm>>
    %dma_start3A_343 = tpu.memref_reshape %arg4 : memref<6x16384x128xf32, #tpu.memory_space<hbm>> -> memref<98304x128xf32, #tpu.memory_space<hbm>>
    %dma_start3A_344 = arith.constant 0 : i32
    %dma_start3A_345 = tpu.memref_slice %dma_start3A_343[%add3A_334, %dma_start3A_344] : memref<98304x128xf32, #tpu.memory_space<hbm>> -> memref<128x128xf32, #tpu.memory_space<hbm>>
    %dma_start3A_346 = arith.constant 0 : i32
    %dma_start3A_347 = arith.constant 0 : i32
    %dma_start3A_348 = tpu.memref_slice %arg6[%dma_start3A_335, %dma_start3A_346, %dma_start3A_347] : memref<6x128x128xf32, #tpu.memory_space<vmem>> -> memref<1x128x128xf32, #tpu.memory_space<vmem>>
    %dma_start3A_349 = tpu.memref_squeeze %dma_start3A_348 : memref<1x128x128xf32, #tpu.memory_space<vmem>> -> memref<128x128xf32, #tpu.memory_space<vmem>>
    tpu.enqueue_dma source(%dma_start3A_349 : memref<128x128xf32, #tpu.memory_space<vmem>>) target(%dma_start3A_345 : memref<128x128xf32, #tpu.memory_space<hbm>>) target_semaphore(%arg9 : memref<!tpu.dma_semaphore, #tpu.memory_space<semaphore_mem>>)
    %dma_wait3A_350 = arith.constant 5 : i32
    %dma_wait3A_351 = arith.constant 0 : i32
    %dma_wait3A_352 = arith.constant 0 : i32
    %dma_wait3A_353 = tpu.memref_slice %arg6[%dma_wait3A_350, %dma_wait3A_351, %dma_wait3A_352] : memref<6x128x128xf32, #tpu.memory_space<vmem>> -> memref<1x128x128xf32, #tpu.memory_space<vmem>>
    %dma_wait3A_354 = tpu.memref_squeeze %dma_wait3A_353 : memref<1x128x128xf32, #tpu.memory_space<vmem>> -> memref<128x128xf32, #tpu.memory_space<vmem>>
    %dma_wait3A_355 = tpu.memref_reshape %arg4 : memref<6x16384x128xf32, #tpu.memory_space<hbm>> -> memref<98304x128xf32, #tpu.memory_space<hbm>>
    %dma_wait3A_356 = arith.constant 0 : i32
    %dma_wait3A_357 = tpu.memref_slice %dma_wait3A_355[%add3A_334, %dma_wait3A_356] : memref<98304x128xf32, #tpu.memory_space<hbm>> -> memref<128x128xf32, #tpu.memory_space<hbm>>
    %dma_wait3A_358 = tpu.memref_reshape %arg4 : memref<6x16384x128xf32, #tpu.memory_space<hbm>> -> memref<98304x128xf32, #tpu.memory_space<hbm>>
    %dma_wait3A_359 = arith.constant 0 : i32
    %dma_wait3A_360 = tpu.memref_slice %dma_wait3A_358[%add3A_334, %dma_wait3A_359] : memref<98304x128xf32, #tpu.memory_space<hbm>> -> memref<128x128xf32, #tpu.memory_space<hbm>>
    %dma_wait3A_361 = arith.constant 0 : i32
    %dma_wait3A_362 = arith.constant 0 : i32
    %dma_wait3A_363 = tpu.memref_slice %arg6[%dma_wait3A_350, %dma_wait3A_361, %dma_wait3A_362] : memref<6x128x128xf32, #tpu.memory_space<vmem>> -> memref<1x128x128xf32, #tpu.memory_space<vmem>>
    %dma_wait3A_364 = tpu.memref_squeeze %dma_wait3A_363 : memref<1x128x128xf32, #tpu.memory_space<vmem>> -> memref<128x128xf32, #tpu.memory_space<vmem>>
    tpu.wait_dma2 semaphore(%arg9 : memref<!tpu.dma_semaphore, #tpu.memory_space<semaphore_mem>>) src(%dma_wait3A_364 : memref<128x128xf32, #tpu.memory_space<vmem>>) dst(%dma_wait3A_360 : memref<128x128xf32, #tpu.memory_space<hbm>>)
    %dma_start3A_365 = arith.constant 5 : i32
    %dma_start3A_366 = arith.constant 0 : i32
    %dma_start3A_367 = arith.constant 0 : i32
    %dma_start3A_368 = tpu.memref_slice %arg6[%dma_start3A_365, %dma_start3A_366, %dma_start3A_367] : memref<6x128x128xf32, #tpu.memory_space<vmem>> -> memref<1x128x128xf32, #tpu.memory_space<vmem>>
    %dma_start3A_369 = tpu.memref_squeeze %dma_start3A_368 : memref<1x128x128xf32, #tpu.memory_space<vmem>> -> memref<128x128xf32, #tpu.memory_space<vmem>>
    %dma_start3A_370 = arith.constant 1408 : i32
    %dma_start3A_371 = tpu.memref_slice %arg5[%dma_start3A_370] : memref<3072xi32, #tpu.memory_space<vmem>> -> memref<128xi32, #tpu.memory_space<vmem>>
    %dma_start3A_372 = arith.constant 0 : i32
    %dma_start3A_373 = arith.constant 0 : i32
    %dma_start3A_374 = tpu.memref_slice %arg7[%dma_start3A_372, %dma_start3A_373] : memref<8x128xf32, #tpu.memory_space<vmem_shared>> -> memref<8x128xf32, #tpu.memory_space<vmem_shared>>
    tpu.enqueue_indirect_dma source(%dma_start3A_374 : memref<8x128xf32, #tpu.memory_space<vmem_shared>>) target(%dma_start3A_369 : memref<128x128xf32, #tpu.memory_space<vmem>>) offsets(%dma_start3A_371 : memref<128xi32, #tpu.memory_space<vmem>>) semaphore(%arg8 : memref<!tpu.dma_semaphore, #tpu.memory_space<semaphore_mem>>)
    %dma_wait3A_375 = arith.constant 0 : i32
    %dma_wait3A_376 = arith.constant 0 : i32
    %dma_wait3A_377 = arith.constant 0 : i32
    %dma_wait3A_378 = tpu.memref_slice %arg6[%dma_wait3A_375, %dma_wait3A_376, %dma_wait3A_377] : memref<6x128x128xf32, #tpu.memory_space<vmem>> -> memref<1x128x128xf32, #tpu.memory_space<vmem>>
    %dma_wait3A_379 = tpu.memref_squeeze %dma_wait3A_378 : memref<1x128x128xf32, #tpu.memory_space<vmem>> -> memref<128x128xf32, #tpu.memory_space<vmem>>
    %dma_wait3A_380 = arith.constant 768 : i32
    %dma_wait3A_381 = tpu.memref_slice %arg5[%dma_wait3A_380] : memref<3072xi32, #tpu.memory_space<vmem>> -> memref<128xi32, #tpu.memory_space<vmem>>
    %dma_wait3A_382 = arith.constant 0 : i32
    %dma_wait3A_383 = arith.constant 0 : i32
    %dma_wait3A_384 = tpu.memref_slice %arg7[%dma_wait3A_382, %dma_wait3A_383] : memref<8x128xf32, #tpu.memory_space<vmem_shared>> -> memref<8x128xf32, #tpu.memory_space<vmem_shared>>
    tpu.wait_indirect_dma semaphore(%arg8 : memref<!tpu.dma_semaphore, #tpu.memory_space<semaphore_mem>>) src(%dma_wait3A_384 : memref<8x128xf32, #tpu.memory_space<vmem_shared>>) dst(%dma_wait3A_379 : memref<128x128xf32, #tpu.memory_space<vmem>>)
    %add3A_385 = arith.constant 768 : i32
    %add3A_386 = arith.addi %mul3A_2, %add3A_385 : i32
    %dma_start3A_387 = arith.constant 0 : i32
    %dma_start3A_388 = arith.constant 0 : i32
    %dma_start3A_389 = arith.constant 0 : i32
    %dma_start3A_390 = tpu.memref_slice %arg6[%dma_start3A_387, %dma_start3A_388, %dma_start3A_389] : memref<6x128x128xf32, #tpu.memory_space<vmem>> -> memref<1x128x128xf32, #tpu.memory_space<vmem>>
    %dma_start3A_391 = tpu.memref_squeeze %dma_start3A_390 : memref<1x128x128xf32, #tpu.memory_space<vmem>> -> memref<128x128xf32, #tpu.memory_space<vmem>>
    %dma_start3A_392 = tpu.memref_reshape %arg4 : memref<6x16384x128xf32, #tpu.memory_space<hbm>> -> memref<98304x128xf32, #tpu.memory_space<hbm>>
    %dma_start3A_393 = arith.constant 0 : i32
    %dma_start3A_394 = tpu.memref_slice %dma_start3A_392[%add3A_386, %dma_start3A_393] : memref<98304x128xf32, #tpu.memory_space<hbm>> -> memref<128x128xf32, #tpu.memory_space<hbm>>
    %dma_start3A_395 = tpu.memref_reshape %arg4 : memref<6x16384x128xf32, #tpu.memory_space<hbm>> -> memref<98304x128xf32, #tpu.memory_space<hbm>>
    %dma_start3A_396 = arith.constant 0 : i32
    %dma_start3A_397 = tpu.memref_slice %dma_start3A_395[%add3A_386, %dma_start3A_396] : memref<98304x128xf32, #tpu.memory_space<hbm>> -> memref<128x128xf32, #tpu.memory_space<hbm>>
    %dma_start3A_398 = arith.constant 0 : i32
    %dma_start3A_399 = arith.constant 0 : i32
    %dma_start3A_400 = tpu.memref_slice %arg6[%dma_start3A_387, %dma_start3A_398, %dma_start3A_399] : memref<6x128x128xf32, #tpu.memory_space<vmem>> -> memref<1x128x128xf32, #tpu.memory_space<vmem>>
    %dma_start3A_401 = tpu.memref_squeeze %dma_start3A_400 : memref<1x128x128xf32, #tpu.memory_space<vmem>> -> memref<128x128xf32, #tpu.memory_space<vmem>>
    tpu.enqueue_dma source(%dma_start3A_401 : memref<128x128xf32, #tpu.memory_space<vmem>>) target(%dma_start3A_397 : memref<128x128xf32, #tpu.memory_space<hbm>>) target_semaphore(%arg9 : memref<!tpu.dma_semaphore, #tpu.memory_space<semaphore_mem>>)
    %dma_wait3A_402 = arith.constant 0 : i32
    %dma_wait3A_403 = arith.constant 0 : i32
    %dma_wait3A_404 = arith.constant 0 : i32
    %dma_wait3A_405 = tpu.memref_slice %arg6[%dma_wait3A_402, %dma_wait3A_403, %dma_wait3A_404] : memref<6x128x128xf32, #tpu.memory_space<vmem>> -> memref<1x128x128xf32, #tpu.memory_space<vmem>>
    %dma_wait3A_406 = tpu.memref_squeeze %dma_wait3A_405 : memref<1x128x128xf32, #tpu.memory_space<vmem>> -> memref<128x128xf32, #tpu.memory_space<vmem>>
    %dma_wait3A_407 = tpu.memref_reshape %arg4 : memref<6x16384x128xf32, #tpu.memory_space<hbm>> -> memref<98304x128xf32, #tpu.memory_space<hbm>>
    %dma_wait3A_408 = arith.constant 0 : i32
    %dma_wait3A_409 = tpu.memref_slice %dma_wait3A_407[%add3A_386, %dma_wait3A_408] : memref<98304x128xf32, #tpu.memory_space<hbm>> -> memref<128x128xf32, #tpu.memory_space<hbm>>
    %dma_wait3A_410 = tpu.memref_reshape %arg4 : memref<6x16384x128xf32, #tpu.memory_space<hbm>> -> memref<98304x128xf32, #tpu.memory_space<hbm>>
    %dma_wait3A_411 = arith.constant 0 : i32
    %dma_wait3A_412 = tpu.memref_slice %dma_wait3A_410[%add3A_386, %dma_wait3A_411] : memref<98304x128xf32, #tpu.memory_space<hbm>> -> memref<128x128xf32, #tpu.memory_space<hbm>>
    %dma_wait3A_413 = arith.constant 0 : i32
    %dma_wait3A_414 = arith.constant 0 : i32
    %dma_wait3A_415 = tpu.memref_slice %arg6[%dma_wait3A_402, %dma_wait3A_413, %dma_wait3A_414] : memref<6x128x128xf32, #tpu.memory_space<vmem>> -> memref<1x128x128xf32, #tpu.memory_space<vmem>>
    %dma_wait3A_416 = tpu.memref_squeeze %dma_wait3A_415 : memref<1x128x128xf32, #tpu.memory_space<vmem>> -> memref<128x128xf32, #tpu.memory_space<vmem>>
    tpu.wait_dma2 semaphore(%arg9 : memref<!tpu.dma_semaphore, #tpu.memory_space<semaphore_mem>>) src(%dma_wait3A_416 : memref<128x128xf32, #tpu.memory_space<vmem>>) dst(%dma_wait3A_412 : memref<128x128xf32, #tpu.memory_space<hbm>>)
    %dma_start3A_417 = arith.constant 0 : i32
    %dma_start3A_418 = arith.constant 0 : i32
    %dma_start3A_419 = arith.constant 0 : i32
    %dma_start3A_420 = tpu.memref_slice %arg6[%dma_start3A_417, %dma_start3A_418, %dma_start3A_419] : memref<6x128x128xf32, #tpu.memory_space<vmem>> -> memref<1x128x128xf32, #tpu.memory_space<vmem>>
    %dma_start3A_421 = tpu.memref_squeeze %dma_start3A_420 : memref<1x128x128xf32, #tpu.memory_space<vmem>> -> memref<128x128xf32, #tpu.memory_space<vmem>>
    %dma_start3A_422 = arith.constant 1536 : i32
    %dma_start3A_423 = tpu.memref_slice %arg5[%dma_start3A_422] : memref<3072xi32, #tpu.memory_space<vmem>> -> memref<128xi32, #tpu.memory_space<vmem>>
    %dma_start3A_424 = arith.constant 0 : i32
    %dma_start3A_425 = arith.constant 0 : i32
    %dma_start3A_426 = tpu.memref_slice %arg7[%dma_start3A_424, %dma_start3A_425] : memref<8x128xf32, #tpu.memory_space<vmem_shared>> -> memref<8x128xf32, #tpu.memory_space<vmem_shared>>
    tpu.enqueue_indirect_dma source(%dma_start3A_426 : memref<8x128xf32, #tpu.memory_space<vmem_shared>>) target(%dma_start3A_421 : memref<128x128xf32, #tpu.memory_space<vmem>>) offsets(%dma_start3A_423 : memref<128xi32, #tpu.memory_space<vmem>>) semaphore(%arg8 : memref<!tpu.dma_semaphore, #tpu.memory_space<semaphore_mem>>)
    %dma_wait3A_427 = arith.constant 1 : i32
    %dma_wait3A_428 = arith.constant 0 : i32
    %dma_wait3A_429 = arith.constant 0 : i32
    %dma_wait3A_430 = tpu.memref_slice %arg6[%dma_wait3A_427, %dma_wait3A_428, %dma_wait3A_429] : memref<6x128x128xf32, #tpu.memory_space<vmem>> -> memref<1x128x128xf32, #tpu.memory_space<vmem>>
    %dma_wait3A_431 = tpu.memref_squeeze %dma_wait3A_430 : memref<1x128x128xf32, #tpu.memory_space<vmem>> -> memref<128x128xf32, #tpu.memory_space<vmem>>
    %dma_wait3A_432 = arith.constant 896 : i32
    %dma_wait3A_433 = tpu.memref_slice %arg5[%dma_wait3A_432] : memref<3072xi32, #tpu.memory_space<vmem>> -> memref<128xi32, #tpu.memory_space<vmem>>
    %dma_wait3A_434 = arith.constant 0 : i32
    %dma_wait3A_435 = arith.constant 0 : i32
    %dma_wait3A_436 = tpu.memref_slice %arg7[%dma_wait3A_434, %dma_wait3A_435] : memref<8x128xf32, #tpu.memory_space<vmem_shared>> -> memref<8x128xf32, #tpu.memory_space<vmem_shared>>
    tpu.wait_indirect_dma semaphore(%arg8 : memref<!tpu.dma_semaphore, #tpu.memory_space<semaphore_mem>>) src(%dma_wait3A_436 : memref<8x128xf32, #tpu.memory_space<vmem_shared>>) dst(%dma_wait3A_431 : memref<128x128xf32, #tpu.memory_space<vmem>>)
    %add3A_437 = arith.constant 896 : i32
    %add3A_438 = arith.addi %mul3A_2, %add3A_437 : i32
    %dma_start3A_439 = arith.constant 1 : i32
    %dma_start3A_440 = arith.constant 0 : i32
    %dma_start3A_441 = arith.constant 0 : i32
    %dma_start3A_442 = tpu.memref_slice %arg6[%dma_start3A_439, %dma_start3A_440, %dma_start3A_441] : memref<6x128x128xf32, #tpu.memory_space<vmem>> -> memref<1x128x128xf32, #tpu.memory_space<vmem>>
    %dma_start3A_443 = tpu.memref_squeeze %dma_start3A_442 : memref<1x128x128xf32, #tpu.memory_space<vmem>> -> memref<128x128xf32, #tpu.memory_space<vmem>>
    %dma_start3A_444 = tpu.memref_reshape %arg4 : memref<6x16384x128xf32, #tpu.memory_space<hbm>> -> memref<98304x128xf32, #tpu.memory_space<hbm>>
    %dma_start3A_445 = arith.constant 0 : i32
    %dma_start3A_446 = tpu.memref_slice %dma_start3A_444[%add3A_438, %dma_start3A_445] : memref<98304x128xf32, #tpu.memory_space<hbm>> -> memref<128x128xf32, #tpu.memory_space<hbm>>
    %dma_start3A_447 = tpu.memref_reshape %arg4 : memref<6x16384x128xf32, #tpu.memory_space<hbm>> -> memref<98304x128xf32, #tpu.memory_space<hbm>>
    %dma_start3A_448 = arith.constant 0 : i32
    %dma_start3A_449 = tpu.memref_slice %dma_start3A_447[%add3A_438, %dma_start3A_448] : memref<98304x128xf32, #tpu.memory_space<hbm>> -> memref<128x128xf32, #tpu.memory_space<hbm>>
    %dma_start3A_450 = arith.constant 0 : i32
    %dma_start3A_451 = arith.constant 0 : i32
    %dma_start3A_452 = tpu.memref_slice %arg6[%dma_start3A_439, %dma_start3A_450, %dma_start3A_451] : memref<6x128x128xf32, #tpu.memory_space<vmem>> -> memref<1x128x128xf32, #tpu.memory_space<vmem>>
    %dma_start3A_453 = tpu.memref_squeeze %dma_start3A_452 : memref<1x128x128xf32, #tpu.memory_space<vmem>> -> memref<128x128xf32, #tpu.memory_space<vmem>>
    tpu.enqueue_dma source(%dma_start3A_453 : memref<128x128xf32, #tpu.memory_space<vmem>>) target(%dma_start3A_449 : memref<128x128xf32, #tpu.memory_space<hbm>>) target_semaphore(%arg9 : memref<!tpu.dma_semaphore, #tpu.memory_space<semaphore_mem>>)
    %dma_wait3A_454 = arith.constant 1 : i32
    %dma_wait3A_455 = arith.constant 0 : i32
    %dma_wait3A_456 = arith.constant 0 : i32
    %dma_wait3A_457 = tpu.memref_slice %arg6[%dma_wait3A_454, %dma_wait3A_455, %dma_wait3A_456] : memref<6x128x128xf32, #tpu.memory_space<vmem>> -> memref<1x128x128xf32, #tpu.memory_space<vmem>>
    %dma_wait3A_458 = tpu.memref_squeeze %dma_wait3A_457 : memref<1x128x128xf32, #tpu.memory_space<vmem>> -> memref<128x128xf32, #tpu.memory_space<vmem>>
    %dma_wait3A_459 = tpu.memref_reshape %arg4 : memref<6x16384x128xf32, #tpu.memory_space<hbm>> -> memref<98304x128xf32, #tpu.memory_space<hbm>>
    %dma_wait3A_460 = arith.constant 0 : i32
    %dma_wait3A_461 = tpu.memref_slice %dma_wait3A_459[%add3A_438, %dma_wait3A_460] : memref<98304x128xf32, #tpu.memory_space<hbm>> -> memref<128x128xf32, #tpu.memory_space<hbm>>
    %dma_wait3A_462 = tpu.memref_reshape %arg4 : memref<6x16384x128xf32, #tpu.memory_space<hbm>> -> memref<98304x128xf32, #tpu.memory_space<hbm>>
    %dma_wait3A_463 = arith.constant 0 : i32
    %dma_wait3A_464 = tpu.memref_slice %dma_wait3A_462[%add3A_438, %dma_wait3A_463] : memref<98304x128xf32, #tpu.memory_space<hbm>> -> memref<128x128xf32, #tpu.memory_space<hbm>>
    %dma_wait3A_465 = arith.constant 0 : i32
    %dma_wait3A_466 = arith.constant 0 : i32
    %dma_wait3A_467 = tpu.memref_slice %arg6[%dma_wait3A_454, %dma_wait3A_465, %dma_wait3A_466] : memref<6x128x128xf32, #tpu.memory_space<vmem>> -> memref<1x128x128xf32, #tpu.memory_space<vmem>>
    %dma_wait3A_468 = tpu.memref_squeeze %dma_wait3A_467 : memref<1x128x128xf32, #tpu.memory_space<vmem>> -> memref<128x128xf32, #tpu.memory_space<vmem>>
    tpu.wait_dma2 semaphore(%arg9 : memref<!tpu.dma_semaphore, #tpu.memory_space<semaphore_mem>>) src(%dma_wait3A_468 : memref<128x128xf32, #tpu.memory_space<vmem>>) dst(%dma_wait3A_464 : memref<128x128xf32, #tpu.memory_space<hbm>>)
    %dma_start3A_469 = arith.constant 1 : i32
    %dma_start3A_470 = arith.constant 0 : i32
    %dma_start3A_471 = arith.constant 0 : i32
    %dma_start3A_472 = tpu.memref_slice %arg6[%dma_start3A_469, %dma_start3A_470, %dma_start3A_471] : memref<6x128x128xf32, #tpu.memory_space<vmem>> -> memref<1x128x128xf32, #tpu.memory_space<vmem>>
    %dma_start3A_473 = tpu.memref_squeeze %dma_start3A_472 : memref<1x128x128xf32, #tpu.memory_space<vmem>> -> memref<128x128xf32, #tpu.memory_space<vmem>>
    %dma_start3A_474 = arith.constant 1664 : i32
    %dma_start3A_475 = tpu.memref_slice %arg5[%dma_start3A_474] : memref<3072xi32, #tpu.memory_space<vmem>> -> memref<128xi32, #tpu.memory_space<vmem>>
    %dma_start3A_476 = arith.constant 0 : i32
    %dma_start3A_477 = arith.constant 0 : i32
    %dma_start3A_478 = tpu.memref_slice %arg7[%dma_start3A_476, %dma_start3A_477] : memref<8x128xf32, #tpu.memory_space<vmem_shared>> -> memref<8x128xf32, #tpu.memory_space<vmem_shared>>
    tpu.enqueue_indirect_dma source(%dma_start3A_478 : memref<8x128xf32, #tpu.memory_space<vmem_shared>>) target(%dma_start3A_473 : memref<128x128xf32, #tpu.memory_space<vmem>>) offsets(%dma_start3A_475 : memref<128xi32, #tpu.memory_space<vmem>>) semaphore(%arg8 : memref<!tpu.dma_semaphore, #tpu.memory_space<semaphore_mem>>)
    %dma_wait3A_479 = arith.constant 2 : i32
    %dma_wait3A_480 = arith.constant 0 : i32
    %dma_wait3A_481 = arith.constant 0 : i32
    %dma_wait3A_482 = tpu.memref_slice %arg6[%dma_wait3A_479, %dma_wait3A_480, %dma_wait3A_481] : memref<6x128x128xf32, #tpu.memory_space<vmem>> -> memref<1x128x128xf32, #tpu.memory_space<vmem>>
    %dma_wait3A_483 = tpu.memref_squeeze %dma_wait3A_482 : memref<1x128x128xf32, #tpu.memory_space<vmem>> -> memref<128x128xf32, #tpu.memory_space<vmem>>
    %dma_wait3A_484 = arith.constant 1024 : i32
    %dma_wait3A_485 = tpu.memref_slice %arg5[%dma_wait3A_484] : memref<3072xi32, #tpu.memory_space<vmem>> -> memref<128xi32, #tpu.memory_space<vmem>>
    %dma_wait3A_486 = arith.constant 0 : i32
    %dma_wait3A_487 = arith.constant 0 : i32
    %dma_wait3A_488 = tpu.memref_slice %arg7[%dma_wait3A_486, %dma_wait3A_487] : memref<8x128xf32, #tpu.memory_space<vmem_shared>> -> memref<8x128xf32, #tpu.memory_space<vmem_shared>>
    tpu.wait_indirect_dma semaphore(%arg8 : memref<!tpu.dma_semaphore, #tpu.memory_space<semaphore_mem>>) src(%dma_wait3A_488 : memref<8x128xf32, #tpu.memory_space<vmem_shared>>) dst(%dma_wait3A_483 : memref<128x128xf32, #tpu.memory_space<vmem>>)
    %add3A_489 = arith.constant 1024 : i32
    %add3A_490 = arith.addi %mul3A_2, %add3A_489 : i32
    %dma_start3A_491 = arith.constant 2 : i32
    %dma_start3A_492 = arith.constant 0 : i32
    %dma_start3A_493 = arith.constant 0 : i32
    %dma_start3A_494 = tpu.memref_slice %arg6[%dma_start3A_491, %dma_start3A_492, %dma_start3A_493] : memref<6x128x128xf32, #tpu.memory_space<vmem>> -> memref<1x128x128xf32, #tpu.memory_space<vmem>>
    %dma_start3A_495 = tpu.memref_squeeze %dma_start3A_494 : memref<1x128x128xf32, #tpu.memory_space<vmem>> -> memref<128x128xf32, #tpu.memory_space<vmem>>
    %dma_start3A_496 = tpu.memref_reshape %arg4 : memref<6x16384x128xf32, #tpu.memory_space<hbm>> -> memref<98304x128xf32, #tpu.memory_space<hbm>>
    %dma_start3A_497 = arith.constant 0 : i32
    %dma_start3A_498 = tpu.memref_slice %dma_start3A_496[%add3A_490, %dma_start3A_497] : memref<98304x128xf32, #tpu.memory_space<hbm>> -> memref<128x128xf32, #tpu.memory_space<hbm>>
    %dma_start3A_499 = tpu.memref_reshape %arg4 : memref<6x16384x128xf32, #tpu.memory_space<hbm>> -> memref<98304x128xf32, #tpu.memory_space<hbm>>
    %dma_start3A_500 = arith.constant 0 : i32
    %dma_start3A_501 = tpu.memref_slice %dma_start3A_499[%add3A_490, %dma_start3A_500] : memref<98304x128xf32, #tpu.memory_space<hbm>> -> memref<128x128xf32, #tpu.memory_space<hbm>>
    %dma_start3A_502 = arith.constant 0 : i32
    %dma_start3A_503 = arith.constant 0 : i32
    %dma_start3A_504 = tpu.memref_slice %arg6[%dma_start3A_491, %dma_start3A_502, %dma_start3A_503] : memref<6x128x128xf32, #tpu.memory_space<vmem>> -> memref<1x128x128xf32, #tpu.memory_space<vmem>>
    %dma_start3A_505 = tpu.memref_squeeze %dma_start3A_504 : memref<1x128x128xf32, #tpu.memory_space<vmem>> -> memref<128x128xf32, #tpu.memory_space<vmem>>
    tpu.enqueue_dma source(%dma_start3A_505 : memref<128x128xf32, #tpu.memory_space<vmem>>) target(%dma_start3A_501 : memref<128x128xf32, #tpu.memory_space<hbm>>) target_semaphore(%arg9 : memref<!tpu.dma_semaphore, #tpu.memory_space<semaphore_mem>>)
    %dma_wait3A_506 = arith.constant 2 : i32
    %dma_wait3A_507 = arith.constant 0 : i32
    %dma_wait3A_508 = arith.constant 0 : i32
    %dma_wait3A_509 = tpu.memref_slice %arg6[%dma_wait3A_506, %dma_wait3A_507, %dma_wait3A_508] : memref<6x128x128xf32, #tpu.memory_space<vmem>> -> memref<1x128x128xf32, #tpu.memory_space<vmem>>
    %dma_wait3A_510 = tpu.memref_squeeze %dma_wait3A_509 : memref<1x128x128xf32, #tpu.memory_space<vmem>> -> memref<128x128xf32, #tpu.memory_space<vmem>>
    %dma_wait3A_511 = tpu.memref_reshape %arg4 : memref<6x16384x128xf32, #tpu.memory_space<hbm>> -> memref<98304x128xf32, #tpu.memory_space<hbm>>
    %dma_wait3A_512 = arith.constant 0 : i32
    %dma_wait3A_513 = tpu.memref_slice %dma_wait3A_511[%add3A_490, %dma_wait3A_512] : memref<98304x128xf32, #tpu.memory_space<hbm>> -> memref<128x128xf32, #tpu.memory_space<hbm>>
    %dma_wait3A_514 = tpu.memref_reshape %arg4 : memref<6x16384x128xf32, #tpu.memory_space<hbm>> -> memref<98304x128xf32, #tpu.memory_space<hbm>>
    %dma_wait3A_515 = arith.constant 0 : i32
    %dma_wait3A_516 = tpu.memref_slice %dma_wait3A_514[%add3A_490, %dma_wait3A_515] : memref<98304x128xf32, #tpu.memory_space<hbm>> -> memref<128x128xf32, #tpu.memory_space<hbm>>
    %dma_wait3A_517 = arith.constant 0 : i32
    %dma_wait3A_518 = arith.constant 0 : i32
    %dma_wait3A_519 = tpu.memref_slice %arg6[%dma_wait3A_506, %dma_wait3A_517, %dma_wait3A_518] : memref<6x128x128xf32, #tpu.memory_space<vmem>> -> memref<1x128x128xf32, #tpu.memory_space<vmem>>
    %dma_wait3A_520 = tpu.memref_squeeze %dma_wait3A_519 : memref<1x128x128xf32, #tpu.memory_space<vmem>> -> memref<128x128xf32, #tpu.memory_space<vmem>>
    tpu.wait_dma2 semaphore(%arg9 : memref<!tpu.dma_semaphore, #tpu.memory_space<semaphore_mem>>) src(%dma_wait3A_520 : memref<128x128xf32, #tpu.memory_space<vmem>>) dst(%dma_wait3A_516 : memref<128x128xf32, #tpu.memory_space<hbm>>)
    %dma_start3A_521 = arith.constant 2 : i32
    %dma_start3A_522 = arith.constant 0 : i32
    %dma_start3A_523 = arith.constant 0 : i32
    %dma_start3A_524 = tpu.memref_slice %arg6[%dma_start3A_521, %dma_start3A_522, %dma_start3A_523] : memref<6x128x128xf32, #tpu.memory_space<vmem>> -> memref<1x128x128xf32, #tpu.memory_space<vmem>>
    %dma_start3A_525 = tpu.memref_squeeze %dma_start3A_524 : memref<1x128x128xf32, #tpu.memory_space<vmem>> -> memref<128x128xf32, #tpu.memory_space<vmem>>
    %dma_start3A_526 = arith.constant 1792 : i32
    %dma_start3A_527 = tpu.memref_slice %arg5[%dma_start3A_526] : memref<3072xi32, #tpu.memory_space<vmem>> -> memref<128xi32, #tpu.memory_space<vmem>>
    %dma_start3A_528 = arith.constant 0 : i32
    %dma_start3A_529 = arith.constant 0 : i32
    %dma_start3A_530 = tpu.memref_slice %arg7[%dma_start3A_528, %dma_start3A_529] : memref<8x128xf32, #tpu.memory_space<vmem_shared>> -> memref<8x128xf32, #tpu.memory_space<vmem_shared>>
    tpu.enqueue_indirect_dma source(%dma_start3A_530 : memref<8x128xf32, #tpu.memory_space<vmem_shared>>) target(%dma_start3A_525 : memref<128x128xf32, #tpu.memory_space<vmem>>) offsets(%dma_start3A_527 : memref<128xi32, #tpu.memory_space<vmem>>) semaphore(%arg8 : memref<!tpu.dma_semaphore, #tpu.memory_space<semaphore_mem>>)
    %dma_wait3A_531 = arith.constant 3 : i32
    %dma_wait3A_532 = arith.constant 0 : i32
    %dma_wait3A_533 = arith.constant 0 : i32
    %dma_wait3A_534 = tpu.memref_slice %arg6[%dma_wait3A_531, %dma_wait3A_532, %dma_wait3A_533] : memref<6x128x128xf32, #tpu.memory_space<vmem>> -> memref<1x128x128xf32, #tpu.memory_space<vmem>>
    %dma_wait3A_535 = tpu.memref_squeeze %dma_wait3A_534 : memref<1x128x128xf32, #tpu.memory_space<vmem>> -> memref<128x128xf32, #tpu.memory_space<vmem>>
    %dma_wait3A_536 = arith.constant 1152 : i32
    %dma_wait3A_537 = tpu.memref_slice %arg5[%dma_wait3A_536] : memref<3072xi32, #tpu.memory_space<vmem>> -> memref<128xi32, #tpu.memory_space<vmem>>
    %dma_wait3A_538 = arith.constant 0 : i32
    %dma_wait3A_539 = arith.constant 0 : i32
    %dma_wait3A_540 = tpu.memref_slice %arg7[%dma_wait3A_538, %dma_wait3A_539] : memref<8x128xf32, #tpu.memory_space<vmem_shared>> -> memref<8x128xf32, #tpu.memory_space<vmem_shared>>
    tpu.wait_indirect_dma semaphore(%arg8 : memref<!tpu.dma_semaphore, #tpu.memory_space<semaphore_mem>>) src(%dma_wait3A_540 : memref<8x128xf32, #tpu.memory_space<vmem_shared>>) dst(%dma_wait3A_535 : memref<128x128xf32, #tpu.memory_space<vmem>>)
    %add3A_541 = arith.constant 1152 : i32
    %add3A_542 = arith.addi %mul3A_2, %add3A_541 : i32
    %dma_start3A_543 = arith.constant 3 : i32
    %dma_start3A_544 = arith.constant 0 : i32
    %dma_start3A_545 = arith.constant 0 : i32
    %dma_start3A_546 = tpu.memref_slice %arg6[%dma_start3A_543, %dma_start3A_544, %dma_start3A_545] : memref<6x128x128xf32, #tpu.memory_space<vmem>> -> memref<1x128x128xf32, #tpu.memory_space<vmem>>
    %dma_start3A_547 = tpu.memref_squeeze %dma_start3A_546 : memref<1x128x128xf32, #tpu.memory_space<vmem>> -> memref<128x128xf32, #tpu.memory_space<vmem>>
    %dma_start3A_548 = tpu.memref_reshape %arg4 : memref<6x16384x128xf32, #tpu.memory_space<hbm>> -> memref<98304x128xf32, #tpu.memory_space<hbm>>
    %dma_start3A_549 = arith.constant 0 : i32
    %dma_start3A_550 = tpu.memref_slice %dma_start3A_548[%add3A_542, %dma_start3A_549] : memref<98304x128xf32, #tpu.memory_space<hbm>> -> memref<128x128xf32, #tpu.memory_space<hbm>>
    %dma_start3A_551 = tpu.memref_reshape %arg4 : memref<6x16384x128xf32, #tpu.memory_space<hbm>> -> memref<98304x128xf32, #tpu.memory_space<hbm>>
    %dma_start3A_552 = arith.constant 0 : i32
    %dma_start3A_553 = tpu.memref_slice %dma_start3A_551[%add3A_542, %dma_start3A_552] : memref<98304x128xf32, #tpu.memory_space<hbm>> -> memref<128x128xf32, #tpu.memory_space<hbm>>
    %dma_start3A_554 = arith.constant 0 : i32
    %dma_start3A_555 = arith.constant 0 : i32
    %dma_start3A_556 = tpu.memref_slice %arg6[%dma_start3A_543, %dma_start3A_554, %dma_start3A_555] : memref<6x128x128xf32, #tpu.memory_space<vmem>> -> memref<1x128x128xf32, #tpu.memory_space<vmem>>
    %dma_start3A_557 = tpu.memref_squeeze %dma_start3A_556 : memref<1x128x128xf32, #tpu.memory_space<vmem>> -> memref<128x128xf32, #tpu.memory_space<vmem>>
    tpu.enqueue_dma source(%dma_start3A_557 : memref<128x128xf32, #tpu.memory_space<vmem>>) target(%dma_start3A_553 : memref<128x128xf32, #tpu.memory_space<hbm>>) target_semaphore(%arg9 : memref<!tpu.dma_semaphore, #tpu.memory_space<semaphore_mem>>)
    %dma_wait3A_558 = arith.constant 3 : i32
    %dma_wait3A_559 = arith.constant 0 : i32
    %dma_wait3A_560 = arith.constant 0 : i32
    %dma_wait3A_561 = tpu.memref_slice %arg6[%dma_wait3A_558, %dma_wait3A_559, %dma_wait3A_560] : memref<6x128x128xf32, #tpu.memory_space<vmem>> -> memref<1x128x128xf32, #tpu.memory_space<vmem>>
    %dma_wait3A_562 = tpu.memref_squeeze %dma_wait3A_561 : memref<1x128x128xf32, #tpu.memory_space<vmem>> -> memref<128x128xf32, #tpu.memory_space<vmem>>
    %dma_wait3A_563 = tpu.memref_reshape %arg4 : memref<6x16384x128xf32, #tpu.memory_space<hbm>> -> memref<98304x128xf32, #tpu.memory_space<hbm>>
    %dma_wait3A_564 = arith.constant 0 : i32
    %dma_wait3A_565 = tpu.memref_slice %dma_wait3A_563[%add3A_542, %dma_wait3A_564] : memref<98304x128xf32, #tpu.memory_space<hbm>> -> memref<128x128xf32, #tpu.memory_space<hbm>>
    %dma_wait3A_566 = tpu.memref_reshape %arg4 : memref<6x16384x128xf32, #tpu.memory_space<hbm>> -> memref<98304x128xf32, #tpu.memory_space<hbm>>
    %dma_wait3A_567 = arith.constant 0 : i32
    %dma_wait3A_568 = tpu.memref_slice %dma_wait3A_566[%add3A_542, %dma_wait3A_567] : memref<98304x128xf32, #tpu.memory_space<hbm>> -> memref<128x128xf32, #tpu.memory_space<hbm>>
    %dma_wait3A_569 = arith.constant 0 : i32
    %dma_wait3A_570 = arith.constant 0 : i32
    %dma_wait3A_571 = tpu.memref_slice %arg6[%dma_wait3A_558, %dma_wait3A_569, %dma_wait3A_570] : memref<6x128x128xf32, #tpu.memory_space<vmem>> -> memref<1x128x128xf32, #tpu.memory_space<vmem>>
    %dma_wait3A_572 = tpu.memref_squeeze %dma_wait3A_571 : memref<1x128x128xf32, #tpu.memory_space<vmem>> -> memref<128x128xf32, #tpu.memory_space<vmem>>
    tpu.wait_dma2 semaphore(%arg9 : memref<!tpu.dma_semaphore, #tpu.memory_space<semaphore_mem>>) src(%dma_wait3A_572 : memref<128x128xf32, #tpu.memory_space<vmem>>) dst(%dma_wait3A_568 : memref<128x128xf32, #tpu.memory_space<hbm>>)
    %dma_start3A_573 = arith.constant 3 : i32
    %dma_start3A_574 = arith.constant 0 : i32
    %dma_start3A_575 = arith.constant 0 : i32
    %dma_start3A_576 = tpu.memref_slice %arg6[%dma_start3A_573, %dma_start3A_574, %dma_start3A_575] : memref<6x128x128xf32, #tpu.memory_space<vmem>> -> memref<1x128x128xf32, #tpu.memory_space<vmem>>
    %dma_start3A_577 = tpu.memref_squeeze %dma_start3A_576 : memref<1x128x128xf32, #tpu.memory_space<vmem>> -> memref<128x128xf32, #tpu.memory_space<vmem>>
    %dma_start3A_578 = arith.constant 1920 : i32
    %dma_start3A_579 = tpu.memref_slice %arg5[%dma_start3A_578] : memref<3072xi32, #tpu.memory_space<vmem>> -> memref<128xi32, #tpu.memory_space<vmem>>
    %dma_start3A_580 = arith.constant 0 : i32
    %dma_start3A_581 = arith.constant 0 : i32
    %dma_start3A_582 = tpu.memref_slice %arg7[%dma_start3A_580, %dma_start3A_581] : memref<8x128xf32, #tpu.memory_space<vmem_shared>> -> memref<8x128xf32, #tpu.memory_space<vmem_shared>>
    tpu.enqueue_indirect_dma source(%dma_start3A_582 : memref<8x128xf32, #tpu.memory_space<vmem_shared>>) target(%dma_start3A_577 : memref<128x128xf32, #tpu.memory_space<vmem>>) offsets(%dma_start3A_579 : memref<128xi32, #tpu.memory_space<vmem>>) semaphore(%arg8 : memref<!tpu.dma_semaphore, #tpu.memory_space<semaphore_mem>>)
    %dma_wait3A_583 = arith.constant 4 : i32
    %dma_wait3A_584 = arith.constant 0 : i32
    %dma_wait3A_585 = arith.constant 0 : i32
    %dma_wait3A_586 = tpu.memref_slice %arg6[%dma_wait3A_583, %dma_wait3A_584, %dma_wait3A_585] : memref<6x128x128xf32, #tpu.memory_space<vmem>> -> memref<1x128x128xf32, #tpu.memory_space<vmem>>
    %dma_wait3A_587 = tpu.memref_squeeze %dma_wait3A_586 : memref<1x128x128xf32, #tpu.memory_space<vmem>> -> memref<128x128xf32, #tpu.memory_space<vmem>>
    %dma_wait3A_588 = arith.constant 1280 : i32
    %dma_wait3A_589 = tpu.memref_slice %arg5[%dma_wait3A_588] : memref<3072xi32, #tpu.memory_space<vmem>> -> memref<128xi32, #tpu.memory_space<vmem>>
    %dma_wait3A_590 = arith.constant 0 : i32
    %dma_wait3A_591 = arith.constant 0 : i32
    %dma_wait3A_592 = tpu.memref_slice %arg7[%dma_wait3A_590, %dma_wait3A_591] : memref<8x128xf32, #tpu.memory_space<vmem_shared>> -> memref<8x128xf32, #tpu.memory_space<vmem_shared>>
    tpu.wait_indirect_dma semaphore(%arg8 : memref<!tpu.dma_semaphore, #tpu.memory_space<semaphore_mem>>) src(%dma_wait3A_592 : memref<8x128xf32, #tpu.memory_space<vmem_shared>>) dst(%dma_wait3A_587 : memref<128x128xf32, #tpu.memory_space<vmem>>)
    %add3A_593 = arith.constant 1280 : i32
    %add3A_594 = arith.addi %mul3A_2, %add3A_593 : i32
    %dma_start3A_595 = arith.constant 4 : i32
    %dma_start3A_596 = arith.constant 0 : i32
    %dma_start3A_597 = arith.constant 0 : i32
    %dma_start3A_598 = tpu.memref_slice %arg6[%dma_start3A_595, %dma_start3A_596, %dma_start3A_597] : memref<6x128x128xf32, #tpu.memory_space<vmem>> -> memref<1x128x128xf32, #tpu.memory_space<vmem>>
    %dma_start3A_599 = tpu.memref_squeeze %dma_start3A_598 : memref<1x128x128xf32, #tpu.memory_space<vmem>> -> memref<128x128xf32, #tpu.memory_space<vmem>>
    %dma_start3A_600 = tpu.memref_reshape %arg4 : memref<6x16384x128xf32, #tpu.memory_space<hbm>> -> memref<98304x128xf32, #tpu.memory_space<hbm>>
    %dma_start3A_601 = arith.constant 0 : i32
    %dma_start3A_602 = tpu.memref_slice %dma_start3A_600[%add3A_594, %dma_start3A_601] : memref<98304x128xf32, #tpu.memory_space<hbm>> -> memref<128x128xf32, #tpu.memory_space<hbm>>
    %dma_start3A_603 = tpu.memref_reshape %arg4 : memref<6x16384x128xf32, #tpu.memory_space<hbm>> -> memref<98304x128xf32, #tpu.memory_space<hbm>>
    %dma_start3A_604 = arith.constant 0 : i32
    %dma_start3A_605 = tpu.memref_slice %dma_start3A_603[%add3A_594, %dma_start3A_604] : memref<98304x128xf32, #tpu.memory_space<hbm>> -> memref<128x128xf32, #tpu.memory_space<hbm>>
    %dma_start3A_606 = arith.constant 0 : i32
    %dma_start3A_607 = arith.constant 0 : i32
    %dma_start3A_608 = tpu.memref_slice %arg6[%dma_start3A_595, %dma_start3A_606, %dma_start3A_607] : memref<6x128x128xf32, #tpu.memory_space<vmem>> -> memref<1x128x128xf32, #tpu.memory_space<vmem>>
    %dma_start3A_609 = tpu.memref_squeeze %dma_start3A_608 : memref<1x128x128xf32, #tpu.memory_space<vmem>> -> memref<128x128xf32, #tpu.memory_space<vmem>>
    tpu.enqueue_dma source(%dma_start3A_609 : memref<128x128xf32, #tpu.memory_space<vmem>>) target(%dma_start3A_605 : memref<128x128xf32, #tpu.memory_space<hbm>>) target_semaphore(%arg9 : memref<!tpu.dma_semaphore, #tpu.memory_space<semaphore_mem>>)
    %dma_wait3A_610 = arith.constant 4 : i32
    %dma_wait3A_611 = arith.constant 0 : i32
    %dma_wait3A_612 = arith.constant 0 : i32
    %dma_wait3A_613 = tpu.memref_slice %arg6[%dma_wait3A_610, %dma_wait3A_611, %dma_wait3A_612] : memref<6x128x128xf32, #tpu.memory_space<vmem>> -> memref<1x128x128xf32, #tpu.memory_space<vmem>>
    %dma_wait3A_614 = tpu.memref_squeeze %dma_wait3A_613 : memref<1x128x128xf32, #tpu.memory_space<vmem>> -> memref<128x128xf32, #tpu.memory_space<vmem>>
    %dma_wait3A_615 = tpu.memref_reshape %arg4 : memref<6x16384x128xf32, #tpu.memory_space<hbm>> -> memref<98304x128xf32, #tpu.memory_space<hbm>>
    %dma_wait3A_616 = arith.constant 0 : i32
    %dma_wait3A_617 = tpu.memref_slice %dma_wait3A_615[%add3A_594, %dma_wait3A_616] : memref<98304x128xf32, #tpu.memory_space<hbm>> -> memref<128x128xf32, #tpu.memory_space<hbm>>
    %dma_wait3A_618 = tpu.memref_reshape %arg4 : memref<6x16384x128xf32, #tpu.memory_space<hbm>> -> memref<98304x128xf32, #tpu.memory_space<hbm>>
    %dma_wait3A_619 = arith.constant 0 : i32
    %dma_wait3A_620 = tpu.memref_slice %dma_wait3A_618[%add3A_594, %dma_wait3A_619] : memref<98304x128xf32, #tpu.memory_space<hbm>> -> memref<128x128xf32, #tpu.memory_space<hbm>>
    %dma_wait3A_621 = arith.constant 0 : i32
    %dma_wait3A_622 = arith.constant 0 : i32
    %dma_wait3A_623 = tpu.memref_slice %arg6[%dma_wait3A_610, %dma_wait3A_621, %dma_wait3A_622] : memref<6x128x128xf32, #tpu.memory_space<vmem>> -> memref<1x128x128xf32, #tpu.memory_space<vmem>>
    %dma_wait3A_624 = tpu.memref_squeeze %dma_wait3A_623 : memref<1x128x128xf32, #tpu.memory_space<vmem>> -> memref<128x128xf32, #tpu.memory_space<vmem>>
    tpu.wait_dma2 semaphore(%arg9 : memref<!tpu.dma_semaphore, #tpu.memory_space<semaphore_mem>>) src(%dma_wait3A_624 : memref<128x128xf32, #tpu.memory_space<vmem>>) dst(%dma_wait3A_620 : memref<128x128xf32, #tpu.memory_space<hbm>>)
    %dma_start3A_625 = arith.constant 4 : i32
    %dma_start3A_626 = arith.constant 0 : i32
    %dma_start3A_627 = arith.constant 0 : i32
    %dma_start3A_628 = tpu.memref_slice %arg6[%dma_start3A_625, %dma_start3A_626, %dma_start3A_627] : memref<6x128x128xf32, #tpu.memory_space<vmem>> -> memref<1x128x128xf32, #tpu.memory_space<vmem>>
    %dma_start3A_629 = tpu.memref_squeeze %dma_start3A_628 : memref<1x128x128xf32, #tpu.memory_space<vmem>> -> memref<128x128xf32, #tpu.memory_space<vmem>>
    %dma_start3A_630 = arith.constant 2048 : i32
    %dma_start3A_631 = tpu.memref_slice %arg5[%dma_start3A_630] : memref<3072xi32, #tpu.memory_space<vmem>> -> memref<128xi32, #tpu.memory_space<vmem>>
    %dma_start3A_632 = arith.constant 0 : i32
    %dma_start3A_633 = arith.constant 0 : i32
    %dma_start3A_634 = tpu.memref_slice %arg7[%dma_start3A_632, %dma_start3A_633] : memref<8x128xf32, #tpu.memory_space<vmem_shared>> -> memref<8x128xf32, #tpu.memory_space<vmem_shared>>
    tpu.enqueue_indirect_dma source(%dma_start3A_634 : memref<8x128xf32, #tpu.memory_space<vmem_shared>>) target(%dma_start3A_629 : memref<128x128xf32, #tpu.memory_space<vmem>>) offsets(%dma_start3A_631 : memref<128xi32, #tpu.memory_space<vmem>>) semaphore(%arg8 : memref<!tpu.dma_semaphore, #tpu.memory_space<semaphore_mem>>)
    %dma_wait3A_635 = arith.constant 5 : i32
    %dma_wait3A_636 = arith.constant 0 : i32
    %dma_wait3A_637 = arith.constant 0 : i32
    %dma_wait3A_638 = tpu.memref_slice %arg6[%dma_wait3A_635, %dma_wait3A_636, %dma_wait3A_637] : memref<6x128x128xf32, #tpu.memory_space<vmem>> -> memref<1x128x128xf32, #tpu.memory_space<vmem>>
    %dma_wait3A_639 = tpu.memref_squeeze %dma_wait3A_638 : memref<1x128x128xf32, #tpu.memory_space<vmem>> -> memref<128x128xf32, #tpu.memory_space<vmem>>
    %dma_wait3A_640 = arith.constant 1408 : i32
    %dma_wait3A_641 = tpu.memref_slice %arg5[%dma_wait3A_640] : memref<3072xi32, #tpu.memory_space<vmem>> -> memref<128xi32, #tpu.memory_space<vmem>>
    %dma_wait3A_642 = arith.constant 0 : i32
    %dma_wait3A_643 = arith.constant 0 : i32
    %dma_wait3A_644 = tpu.memref_slice %arg7[%dma_wait3A_642, %dma_wait3A_643] : memref<8x128xf32, #tpu.memory_space<vmem_shared>> -> memref<8x128xf32, #tpu.memory_space<vmem_shared>>
    tpu.wait_indirect_dma semaphore(%arg8 : memref<!tpu.dma_semaphore, #tpu.memory_space<semaphore_mem>>) src(%dma_wait3A_644 : memref<8x128xf32, #tpu.memory_space<vmem_shared>>) dst(%dma_wait3A_639 : memref<128x128xf32, #tpu.memory_space<vmem>>)
    %add3A_645 = arith.constant 1408 : i32
    %add3A_646 = arith.addi %mul3A_2, %add3A_645 : i32
    %dma_start3A_647 = arith.constant 5 : i32
    %dma_start3A_648 = arith.constant 0 : i32
    %dma_start3A_649 = arith.constant 0 : i32
    %dma_start3A_650 = tpu.memref_slice %arg6[%dma_start3A_647, %dma_start3A_648, %dma_start3A_649] : memref<6x128x128xf32, #tpu.memory_space<vmem>> -> memref<1x128x128xf32, #tpu.memory_space<vmem>>
    %dma_start3A_651 = tpu.memref_squeeze %dma_start3A_650 : memref<1x128x128xf32, #tpu.memory_space<vmem>> -> memref<128x128xf32, #tpu.memory_space<vmem>>
    %dma_start3A_652 = tpu.memref_reshape %arg4 : memref<6x16384x128xf32, #tpu.memory_space<hbm>> -> memref<98304x128xf32, #tpu.memory_space<hbm>>
    %dma_start3A_653 = arith.constant 0 : i32
    %dma_start3A_654 = tpu.memref_slice %dma_start3A_652[%add3A_646, %dma_start3A_653] : memref<98304x128xf32, #tpu.memory_space<hbm>> -> memref<128x128xf32, #tpu.memory_space<hbm>>
    %dma_start3A_655 = tpu.memref_reshape %arg4 : memref<6x16384x128xf32, #tpu.memory_space<hbm>> -> memref<98304x128xf32, #tpu.memory_space<hbm>>
    %dma_start3A_656 = arith.constant 0 : i32
    %dma_start3A_657 = tpu.memref_slice %dma_start3A_655[%add3A_646, %dma_start3A_656] : memref<98304x128xf32, #tpu.memory_space<hbm>> -> memref<128x128xf32, #tpu.memory_space<hbm>>
    %dma_start3A_658 = arith.constant 0 : i32
    %dma_start3A_659 = arith.constant 0 : i32
    %dma_start3A_660 = tpu.memref_slice %arg6[%dma_start3A_647, %dma_start3A_658, %dma_start3A_659] : memref<6x128x128xf32, #tpu.memory_space<vmem>> -> memref<1x128x128xf32, #tpu.memory_space<vmem>>
    %dma_start3A_661 = tpu.memref_squeeze %dma_start3A_660 : memref<1x128x128xf32, #tpu.memory_space<vmem>> -> memref<128x128xf32, #tpu.memory_space<vmem>>
    tpu.enqueue_dma source(%dma_start3A_661 : memref<128x128xf32, #tpu.memory_space<vmem>>) target(%dma_start3A_657 : memref<128x128xf32, #tpu.memory_space<hbm>>) target_semaphore(%arg9 : memref<!tpu.dma_semaphore, #tpu.memory_space<semaphore_mem>>)
    %dma_wait3A_662 = arith.constant 5 : i32
    %dma_wait3A_663 = arith.constant 0 : i32
    %dma_wait3A_664 = arith.constant 0 : i32
    %dma_wait3A_665 = tpu.memref_slice %arg6[%dma_wait3A_662, %dma_wait3A_663, %dma_wait3A_664] : memref<6x128x128xf32, #tpu.memory_space<vmem>> -> memref<1x128x128xf32, #tpu.memory_space<vmem>>
    %dma_wait3A_666 = tpu.memref_squeeze %dma_wait3A_665 : memref<1x128x128xf32, #tpu.memory_space<vmem>> -> memref<128x128xf32, #tpu.memory_space<vmem>>
    %dma_wait3A_667 = tpu.memref_reshape %arg4 : memref<6x16384x128xf32, #tpu.memory_space<hbm>> -> memref<98304x128xf32, #tpu.memory_space<hbm>>
    %dma_wait3A_668 = arith.constant 0 : i32
    %dma_wait3A_669 = tpu.memref_slice %dma_wait3A_667[%add3A_646, %dma_wait3A_668] : memref<98304x128xf32, #tpu.memory_space<hbm>> -> memref<128x128xf32, #tpu.memory_space<hbm>>
    %dma_wait3A_670 = tpu.memref_reshape %arg4 : memref<6x16384x128xf32, #tpu.memory_space<hbm>> -> memref<98304x128xf32, #tpu.memory_space<hbm>>
    %dma_wait3A_671 = arith.constant 0 : i32
    %dma_wait3A_672 = tpu.memref_slice %dma_wait3A_670[%add3A_646, %dma_wait3A_671] : memref<98304x128xf32, #tpu.memory_space<hbm>> -> memref<128x128xf32, #tpu.memory_space<hbm>>
    %dma_wait3A_673 = arith.constant 0 : i32
    %dma_wait3A_674 = arith.constant 0 : i32
    %dma_wait3A_675 = tpu.memref_slice %arg6[%dma_wait3A_662, %dma_wait3A_673, %dma_wait3A_674] : memref<6x128x128xf32, #tpu.memory_space<vmem>> -> memref<1x128x128xf32, #tpu.memory_space<vmem>>
    %dma_wait3A_676 = tpu.memref_squeeze %dma_wait3A_675 : memref<1x128x128xf32, #tpu.memory_space<vmem>> -> memref<128x128xf32, #tpu.memory_space<vmem>>
    tpu.wait_dma2 semaphore(%arg9 : memref<!tpu.dma_semaphore, #tpu.memory_space<semaphore_mem>>) src(%dma_wait3A_676 : memref<128x128xf32, #tpu.memory_space<vmem>>) dst(%dma_wait3A_672 : memref<128x128xf32, #tpu.memory_space<hbm>>)
    %dma_start3A_677 = arith.constant 5 : i32
    %dma_start3A_678 = arith.constant 0 : i32
    %dma_start3A_679 = arith.constant 0 : i32
    %dma_start3A_680 = tpu.memref_slice %arg6[%dma_start3A_677, %dma_start3A_678, %dma_start3A_679] : memref<6x128x128xf32, #tpu.memory_space<vmem>> -> memref<1x128x128xf32, #tpu.memory_space<vmem>>
    %dma_start3A_681 = tpu.memref_squeeze %dma_start3A_680 : memref<1x128x128xf32, #tpu.memory_space<vmem>> -> memref<128x128xf32, #tpu.memory_space<vmem>>
    %dma_start3A_682 = arith.constant 2176 : i32
    %dma_start3A_683 = tpu.memref_slice %arg5[%dma_start3A_682] : memref<3072xi32, #tpu.memory_space<vmem>> -> memref<128xi32, #tpu.memory_space<vmem>>
    %dma_start3A_684 = arith.constant 0 : i32
    %dma_start3A_685 = arith.constant 0 : i32
    %dma_start3A_686 = tpu.memref_slice %arg7[%dma_start3A_684, %dma_start3A_685] : memref<8x128xf32, #tpu.memory_space<vmem_shared>> -> memref<8x128xf32, #tpu.memory_space<vmem_shared>>
    tpu.enqueue_indirect_dma source(%dma_start3A_686 : memref<8x128xf32, #tpu.memory_space<vmem_shared>>) target(%dma_start3A_681 : memref<128x128xf32, #tpu.memory_space<vmem>>) offsets(%dma_start3A_683 : memref<128xi32, #tpu.memory_space<vmem>>) semaphore(%arg8 : memref<!tpu.dma_semaphore, #tpu.memory_space<semaphore_mem>>)
    %dma_wait3A_687 = arith.constant 0 : i32
    %dma_wait3A_688 = arith.constant 0 : i32
    %dma_wait3A_689 = arith.constant 0 : i32
    %dma_wait3A_690 = tpu.memref_slice %arg6[%dma_wait3A_687, %dma_wait3A_688, %dma_wait3A_689] : memref<6x128x128xf32, #tpu.memory_space<vmem>> -> memref<1x128x128xf32, #tpu.memory_space<vmem>>
    %dma_wait3A_691 = tpu.memref_squeeze %dma_wait3A_690 : memref<1x128x128xf32, #tpu.memory_space<vmem>> -> memref<128x128xf32, #tpu.memory_space<vmem>>
    %dma_wait3A_692 = arith.constant 1536 : i32
    %dma_wait3A_693 = tpu.memref_slice %arg5[%dma_wait3A_692] : memref<3072xi32, #tpu.memory_space<vmem>> -> memref<128xi32, #tpu.memory_space<vmem>>
    %dma_wait3A_694 = arith.constant 0 : i32
    %dma_wait3A_695 = arith.constant 0 : i32
    %dma_wait3A_696 = tpu.memref_slice %arg7[%dma_wait3A_694, %dma_wait3A_695] : memref<8x128xf32, #tpu.memory_space<vmem_shared>> -> memref<8x128xf32, #tpu.memory_space<vmem_shared>>
    tpu.wait_indirect_dma semaphore(%arg8 : memref<!tpu.dma_semaphore, #tpu.memory_space<semaphore_mem>>) src(%dma_wait3A_696 : memref<8x128xf32, #tpu.memory_space<vmem_shared>>) dst(%dma_wait3A_691 : memref<128x128xf32, #tpu.memory_space<vmem>>)
    %add3A_697 = arith.constant 1536 : i32
    %add3A_698 = arith.addi %mul3A_2, %add3A_697 : i32
    %dma_start3A_699 = arith.constant 0 : i32
    %dma_start3A_700 = arith.constant 0 : i32
    %dma_start3A_701 = arith.constant 0 : i32
    %dma_start3A_702 = tpu.memref_slice %arg6[%dma_start3A_699, %dma_start3A_700, %dma_start3A_701] : memref<6x128x128xf32, #tpu.memory_space<vmem>> -> memref<1x128x128xf32, #tpu.memory_space<vmem>>
    %dma_start3A_703 = tpu.memref_squeeze %dma_start3A_702 : memref<1x128x128xf32, #tpu.memory_space<vmem>> -> memref<128x128xf32, #tpu.memory_space<vmem>>
    %dma_start3A_704 = tpu.memref_reshape %arg4 : memref<6x16384x128xf32, #tpu.memory_space<hbm>> -> memref<98304x128xf32, #tpu.memory_space<hbm>>
    %dma_start3A_705 = arith.constant 0 : i32
    %dma_start3A_706 = tpu.memref_slice %dma_start3A_704[%add3A_698, %dma_start3A_705] : memref<98304x128xf32, #tpu.memory_space<hbm>> -> memref<128x128xf32, #tpu.memory_space<hbm>>
    %dma_start3A_707 = tpu.memref_reshape %arg4 : memref<6x16384x128xf32, #tpu.memory_space<hbm>> -> memref<98304x128xf32, #tpu.memory_space<hbm>>
    %dma_start3A_708 = arith.constant 0 : i32
    %dma_start3A_709 = tpu.memref_slice %dma_start3A_707[%add3A_698, %dma_start3A_708] : memref<98304x128xf32, #tpu.memory_space<hbm>> -> memref<128x128xf32, #tpu.memory_space<hbm>>
    %dma_start3A_710 = arith.constant 0 : i32
    %dma_start3A_711 = arith.constant 0 : i32
    %dma_start3A_712 = tpu.memref_slice %arg6[%dma_start3A_699, %dma_start3A_710, %dma_start3A_711] : memref<6x128x128xf32, #tpu.memory_space<vmem>> -> memref<1x128x128xf32, #tpu.memory_space<vmem>>
    %dma_start3A_713 = tpu.memref_squeeze %dma_start3A_712 : memref<1x128x128xf32, #tpu.memory_space<vmem>> -> memref<128x128xf32, #tpu.memory_space<vmem>>
    tpu.enqueue_dma source(%dma_start3A_713 : memref<128x128xf32, #tpu.memory_space<vmem>>) target(%dma_start3A_709 : memref<128x128xf32, #tpu.memory_space<hbm>>) target_semaphore(%arg9 : memref<!tpu.dma_semaphore, #tpu.memory_space<semaphore_mem>>)
    %dma_wait3A_714 = arith.constant 0 : i32
    %dma_wait3A_715 = arith.constant 0 : i32
    %dma_wait3A_716 = arith.constant 0 : i32
    %dma_wait3A_717 = tpu.memref_slice %arg6[%dma_wait3A_714, %dma_wait3A_715, %dma_wait3A_716] : memref<6x128x128xf32, #tpu.memory_space<vmem>> -> memref<1x128x128xf32, #tpu.memory_space<vmem>>
    %dma_wait3A_718 = tpu.memref_squeeze %dma_wait3A_717 : memref<1x128x128xf32, #tpu.memory_space<vmem>> -> memref<128x128xf32, #tpu.memory_space<vmem>>
    %dma_wait3A_719 = tpu.memref_reshape %arg4 : memref<6x16384x128xf32, #tpu.memory_space<hbm>> -> memref<98304x128xf32, #tpu.memory_space<hbm>>
    %dma_wait3A_720 = arith.constant 0 : i32
    %dma_wait3A_721 = tpu.memref_slice %dma_wait3A_719[%add3A_698, %dma_wait3A_720] : memref<98304x128xf32, #tpu.memory_space<hbm>> -> memref<128x128xf32, #tpu.memory_space<hbm>>
    %dma_wait3A_722 = tpu.memref_reshape %arg4 : memref<6x16384x128xf32, #tpu.memory_space<hbm>> -> memref<98304x128xf32, #tpu.memory_space<hbm>>
    %dma_wait3A_723 = arith.constant 0 : i32
    %dma_wait3A_724 = tpu.memref_slice %dma_wait3A_722[%add3A_698, %dma_wait3A_723] : memref<98304x128xf32, #tpu.memory_space<hbm>> -> memref<128x128xf32, #tpu.memory_space<hbm>>
    %dma_wait3A_725 = arith.constant 0 : i32
    %dma_wait3A_726 = arith.constant 0 : i32
    %dma_wait3A_727 = tpu.memref_slice %arg6[%dma_wait3A_714, %dma_wait3A_725, %dma_wait3A_726] : memref<6x128x128xf32, #tpu.memory_space<vmem>> -> memref<1x128x128xf32, #tpu.memory_space<vmem>>
    %dma_wait3A_728 = tpu.memref_squeeze %dma_wait3A_727 : memref<1x128x128xf32, #tpu.memory_space<vmem>> -> memref<128x128xf32, #tpu.memory_space<vmem>>
    tpu.wait_dma2 semaphore(%arg9 : memref<!tpu.dma_semaphore, #tpu.memory_space<semaphore_mem>>) src(%dma_wait3A_728 : memref<128x128xf32, #tpu.memory_space<vmem>>) dst(%dma_wait3A_724 : memref<128x128xf32, #tpu.memory_space<hbm>>)
    %dma_start3A_729 = arith.constant 0 : i32
    %dma_start3A_730 = arith.constant 0 : i32
    %dma_start3A_731 = arith.constant 0 : i32
    %dma_start3A_732 = tpu.memref_slice %arg6[%dma_start3A_729, %dma_start3A_730, %dma_start3A_731] : memref<6x128x128xf32, #tpu.memory_space<vmem>> -> memref<1x128x128xf32, #tpu.memory_space<vmem>>
    %dma_start3A_733 = tpu.memref_squeeze %dma_start3A_732 : memref<1x128x128xf32, #tpu.memory_space<vmem>> -> memref<128x128xf32, #tpu.memory_space<vmem>>
    %dma_start3A_734 = arith.constant 2304 : i32
    %dma_start3A_735 = tpu.memref_slice %arg5[%dma_start3A_734] : memref<3072xi32, #tpu.memory_space<vmem>> -> memref<128xi32, #tpu.memory_space<vmem>>
    %dma_start3A_736 = arith.constant 0 : i32
    %dma_start3A_737 = arith.constant 0 : i32
    %dma_start3A_738 = tpu.memref_slice %arg7[%dma_start3A_736, %dma_start3A_737] : memref<8x128xf32, #tpu.memory_space<vmem_shared>> -> memref<8x128xf32, #tpu.memory_space<vmem_shared>>
    tpu.enqueue_indirect_dma source(%dma_start3A_738 : memref<8x128xf32, #tpu.memory_space<vmem_shared>>) target(%dma_start3A_733 : memref<128x128xf32, #tpu.memory_space<vmem>>) offsets(%dma_start3A_735 : memref<128xi32, #tpu.memory_space<vmem>>) semaphore(%arg8 : memref<!tpu.dma_semaphore, #tpu.memory_space<semaphore_mem>>)
    %dma_wait3A_739 = arith.constant 1 : i32
    %dma_wait3A_740 = arith.constant 0 : i32
    %dma_wait3A_741 = arith.constant 0 : i32
    %dma_wait3A_742 = tpu.memref_slice %arg6[%dma_wait3A_739, %dma_wait3A_740, %dma_wait3A_741] : memref<6x128x128xf32, #tpu.memory_space<vmem>> -> memref<1x128x128xf32, #tpu.memory_space<vmem>>
    %dma_wait3A_743 = tpu.memref_squeeze %dma_wait3A_742 : memref<1x128x128xf32, #tpu.memory_space<vmem>> -> memref<128x128xf32, #tpu.memory_space<vmem>>
    %dma_wait3A_744 = arith.constant 1664 : i32
    %dma_wait3A_745 = tpu.memref_slice %arg5[%dma_wait3A_744] : memref<3072xi32, #tpu.memory_space<vmem>> -> memref<128xi32, #tpu.memory_space<vmem>>
    %dma_wait3A_746 = arith.constant 0 : i32
    %dma_wait3A_747 = arith.constant 0 : i32
    %dma_wait3A_748 = tpu.memref_slice %arg7[%dma_wait3A_746, %dma_wait3A_747] : memref<8x128xf32, #tpu.memory_space<vmem_shared>> -> memref<8x128xf32, #tpu.memory_space<vmem_shared>>
    tpu.wait_indirect_dma semaphore(%arg8 : memref<!tpu.dma_semaphore, #tpu.memory_space<semaphore_mem>>) src(%dma_wait3A_748 : memref<8x128xf32, #tpu.memory_space<vmem_shared>>) dst(%dma_wait3A_743 : memref<128x128xf32, #tpu.memory_space<vmem>>)
    %add3A_749 = arith.constant 1664 : i32
    %add3A_750 = arith.addi %mul3A_2, %add3A_749 : i32
    %dma_start3A_751 = arith.constant 1 : i32
    %dma_start3A_752 = arith.constant 0 : i32
    %dma_start3A_753 = arith.constant 0 : i32
    %dma_start3A_754 = tpu.memref_slice %arg6[%dma_start3A_751, %dma_start3A_752, %dma_start3A_753] : memref<6x128x128xf32, #tpu.memory_space<vmem>> -> memref<1x128x128xf32, #tpu.memory_space<vmem>>
    %dma_start3A_755 = tpu.memref_squeeze %dma_start3A_754 : memref<1x128x128xf32, #tpu.memory_space<vmem>> -> memref<128x128xf32, #tpu.memory_space<vmem>>
    %dma_start3A_756 = tpu.memref_reshape %arg4 : memref<6x16384x128xf32, #tpu.memory_space<hbm>> -> memref<98304x128xf32, #tpu.memory_space<hbm>>
    %dma_start3A_757 = arith.constant 0 : i32
    %dma_start3A_758 = tpu.memref_slice %dma_start3A_756[%add3A_750, %dma_start3A_757] : memref<98304x128xf32, #tpu.memory_space<hbm>> -> memref<128x128xf32, #tpu.memory_space<hbm>>
    %dma_start3A_759 = tpu.memref_reshape %arg4 : memref<6x16384x128xf32, #tpu.memory_space<hbm>> -> memref<98304x128xf32, #tpu.memory_space<hbm>>
    %dma_start3A_760 = arith.constant 0 : i32
    %dma_start3A_761 = tpu.memref_slice %dma_start3A_759[%add3A_750, %dma_start3A_760] : memref<98304x128xf32, #tpu.memory_space<hbm>> -> memref<128x128xf32, #tpu.memory_space<hbm>>
    %dma_start3A_762 = arith.constant 0 : i32
    %dma_start3A_763 = arith.constant 0 : i32
    %dma_start3A_764 = tpu.memref_slice %arg6[%dma_start3A_751, %dma_start3A_762, %dma_start3A_763] : memref<6x128x128xf32, #tpu.memory_space<vmem>> -> memref<1x128x128xf32, #tpu.memory_space<vmem>>
    %dma_start3A_765 = tpu.memref_squeeze %dma_start3A_764 : memref<1x128x128xf32, #tpu.memory_space<vmem>> -> memref<128x128xf32, #tpu.memory_space<vmem>>
    tpu.enqueue_dma source(%dma_start3A_765 : memref<128x128xf32, #tpu.memory_space<vmem>>) target(%dma_start3A_761 : memref<128x128xf32, #tpu.memory_space<hbm>>) target_semaphore(%arg9 : memref<!tpu.dma_semaphore, #tpu.memory_space<semaphore_mem>>)
    %dma_wait3A_766 = arith.constant 1 : i32
    %dma_wait3A_767 = arith.constant 0 : i32
    %dma_wait3A_768 = arith.constant 0 : i32
    %dma_wait3A_769 = tpu.memref_slice %arg6[%dma_wait3A_766, %dma_wait3A_767, %dma_wait3A_768] : memref<6x128x128xf32, #tpu.memory_space<vmem>> -> memref<1x128x128xf32, #tpu.memory_space<vmem>>
    %dma_wait3A_770 = tpu.memref_squeeze %dma_wait3A_769 : memref<1x128x128xf32, #tpu.memory_space<vmem>> -> memref<128x128xf32, #tpu.memory_space<vmem>>
    %dma_wait3A_771 = tpu.memref_reshape %arg4 : memref<6x16384x128xf32, #tpu.memory_space<hbm>> -> memref<98304x128xf32, #tpu.memory_space<hbm>>
    %dma_wait3A_772 = arith.constant 0 : i32
    %dma_wait3A_773 = tpu.memref_slice %dma_wait3A_771[%add3A_750, %dma_wait3A_772] : memref<98304x128xf32, #tpu.memory_space<hbm>> -> memref<128x128xf32, #tpu.memory_space<hbm>>
    %dma_wait3A_774 = tpu.memref_reshape %arg4 : memref<6x16384x128xf32, #tpu.memory_space<hbm>> -> memref<98304x128xf32, #tpu.memory_space<hbm>>
    %dma_wait3A_775 = arith.constant 0 : i32
    %dma_wait3A_776 = tpu.memref_slice %dma_wait3A_774[%add3A_750, %dma_wait3A_775] : memref<98304x128xf32, #tpu.memory_space<hbm>> -> memref<128x128xf32, #tpu.memory_space<hbm>>
    %dma_wait3A_777 = arith.constant 0 : i32
    %dma_wait3A_778 = arith.constant 0 : i32
    %dma_wait3A_779 = tpu.memref_slice %arg6[%dma_wait3A_766, %dma_wait3A_777, %dma_wait3A_778] : memref<6x128x128xf32, #tpu.memory_space<vmem>> -> memref<1x128x128xf32, #tpu.memory_space<vmem>>
    %dma_wait3A_780 = tpu.memref_squeeze %dma_wait3A_779 : memref<1x128x128xf32, #tpu.memory_space<vmem>> -> memref<128x128xf32, #tpu.memory_space<vmem>>
    tpu.wait_dma2 semaphore(%arg9 : memref<!tpu.dma_semaphore, #tpu.memory_space<semaphore_mem>>) src(%dma_wait3A_780 : memref<128x128xf32, #tpu.memory_space<vmem>>) dst(%dma_wait3A_776 : memref<128x128xf32, #tpu.memory_space<hbm>>)
    %dma_start3A_781 = arith.constant 1 : i32
    %dma_start3A_782 = arith.constant 0 : i32
    %dma_start3A_783 = arith.constant 0 : i32
    %dma_start3A_784 = tpu.memref_slice %arg6[%dma_start3A_781, %dma_start3A_782, %dma_start3A_783] : memref<6x128x128xf32, #tpu.memory_space<vmem>> -> memref<1x128x128xf32, #tpu.memory_space<vmem>>
    %dma_start3A_785 = tpu.memref_squeeze %dma_start3A_784 : memref<1x128x128xf32, #tpu.memory_space<vmem>> -> memref<128x128xf32, #tpu.memory_space<vmem>>
    %dma_start3A_786 = arith.constant 2432 : i32
    %dma_start3A_787 = tpu.memref_slice %arg5[%dma_start3A_786] : memref<3072xi32, #tpu.memory_space<vmem>> -> memref<128xi32, #tpu.memory_space<vmem>>
    %dma_start3A_788 = arith.constant 0 : i32
    %dma_start3A_789 = arith.constant 0 : i32
    %dma_start3A_790 = tpu.memref_slice %arg7[%dma_start3A_788, %dma_start3A_789] : memref<8x128xf32, #tpu.memory_space<vmem_shared>> -> memref<8x128xf32, #tpu.memory_space<vmem_shared>>
    tpu.enqueue_indirect_dma source(%dma_start3A_790 : memref<8x128xf32, #tpu.memory_space<vmem_shared>>) target(%dma_start3A_785 : memref<128x128xf32, #tpu.memory_space<vmem>>) offsets(%dma_start3A_787 : memref<128xi32, #tpu.memory_space<vmem>>) semaphore(%arg8 : memref<!tpu.dma_semaphore, #tpu.memory_space<semaphore_mem>>)
    %dma_wait3A_791 = arith.constant 2 : i32
    %dma_wait3A_792 = arith.constant 0 : i32
    %dma_wait3A_793 = arith.constant 0 : i32
    %dma_wait3A_794 = tpu.memref_slice %arg6[%dma_wait3A_791, %dma_wait3A_792, %dma_wait3A_793] : memref<6x128x128xf32, #tpu.memory_space<vmem>> -> memref<1x128x128xf32, #tpu.memory_space<vmem>>
    %dma_wait3A_795 = tpu.memref_squeeze %dma_wait3A_794 : memref<1x128x128xf32, #tpu.memory_space<vmem>> -> memref<128x128xf32, #tpu.memory_space<vmem>>
    %dma_wait3A_796 = arith.constant 1792 : i32
    %dma_wait3A_797 = tpu.memref_slice %arg5[%dma_wait3A_796] : memref<3072xi32, #tpu.memory_space<vmem>> -> memref<128xi32, #tpu.memory_space<vmem>>
    %dma_wait3A_798 = arith.constant 0 : i32
    %dma_wait3A_799 = arith.constant 0 : i32
    %dma_wait3A_800 = tpu.memref_slice %arg7[%dma_wait3A_798, %dma_wait3A_799] : memref<8x128xf32, #tpu.memory_space<vmem_shared>> -> memref<8x128xf32, #tpu.memory_space<vmem_shared>>
    tpu.wait_indirect_dma semaphore(%arg8 : memref<!tpu.dma_semaphore, #tpu.memory_space<semaphore_mem>>) src(%dma_wait3A_800 : memref<8x128xf32, #tpu.memory_space<vmem_shared>>) dst(%dma_wait3A_795 : memref<128x128xf32, #tpu.memory_space<vmem>>)
    %add3A_801 = arith.constant 1792 : i32
    %add3A_802 = arith.addi %mul3A_2, %add3A_801 : i32
    %dma_start3A_803 = arith.constant 2 : i32
    %dma_start3A_804 = arith.constant 0 : i32
    %dma_start3A_805 = arith.constant 0 : i32
    %dma_start3A_806 = tpu.memref_slice %arg6[%dma_start3A_803, %dma_start3A_804, %dma_start3A_805] : memref<6x128x128xf32, #tpu.memory_space<vmem>> -> memref<1x128x128xf32, #tpu.memory_space<vmem>>
    %dma_start3A_807 = tpu.memref_squeeze %dma_start3A_806 : memref<1x128x128xf32, #tpu.memory_space<vmem>> -> memref<128x128xf32, #tpu.memory_space<vmem>>
    %dma_start3A_808 = tpu.memref_reshape %arg4 : memref<6x16384x128xf32, #tpu.memory_space<hbm>> -> memref<98304x128xf32, #tpu.memory_space<hbm>>
    %dma_start3A_809 = arith.constant 0 : i32
    %dma_start3A_810 = tpu.memref_slice %dma_start3A_808[%add3A_802, %dma_start3A_809] : memref<98304x128xf32, #tpu.memory_space<hbm>> -> memref<128x128xf32, #tpu.memory_space<hbm>>
    %dma_start3A_811 = tpu.memref_reshape %arg4 : memref<6x16384x128xf32, #tpu.memory_space<hbm>> -> memref<98304x128xf32, #tpu.memory_space<hbm>>
    %dma_start3A_812 = arith.constant 0 : i32
    %dma_start3A_813 = tpu.memref_slice %dma_start3A_811[%add3A_802, %dma_start3A_812] : memref<98304x128xf32, #tpu.memory_space<hbm>> -> memref<128x128xf32, #tpu.memory_space<hbm>>
    %dma_start3A_814 = arith.constant 0 : i32
    %dma_start3A_815 = arith.constant 0 : i32
    %dma_start3A_816 = tpu.memref_slice %arg6[%dma_start3A_803, %dma_start3A_814, %dma_start3A_815] : memref<6x128x128xf32, #tpu.memory_space<vmem>> -> memref<1x128x128xf32, #tpu.memory_space<vmem>>
    %dma_start3A_817 = tpu.memref_squeeze %dma_start3A_816 : memref<1x128x128xf32, #tpu.memory_space<vmem>> -> memref<128x128xf32, #tpu.memory_space<vmem>>
    tpu.enqueue_dma source(%dma_start3A_817 : memref<128x128xf32, #tpu.memory_space<vmem>>) target(%dma_start3A_813 : memref<128x128xf32, #tpu.memory_space<hbm>>) target_semaphore(%arg9 : memref<!tpu.dma_semaphore, #tpu.memory_space<semaphore_mem>>)
    %dma_wait3A_818 = arith.constant 2 : i32
    %dma_wait3A_819 = arith.constant 0 : i32
    %dma_wait3A_820 = arith.constant 0 : i32
    %dma_wait3A_821 = tpu.memref_slice %arg6[%dma_wait3A_818, %dma_wait3A_819, %dma_wait3A_820] : memref<6x128x128xf32, #tpu.memory_space<vmem>> -> memref<1x128x128xf32, #tpu.memory_space<vmem>>
    %dma_wait3A_822 = tpu.memref_squeeze %dma_wait3A_821 : memref<1x128x128xf32, #tpu.memory_space<vmem>> -> memref<128x128xf32, #tpu.memory_space<vmem>>
    %dma_wait3A_823 = tpu.memref_reshape %arg4 : memref<6x16384x128xf32, #tpu.memory_space<hbm>> -> memref<98304x128xf32, #tpu.memory_space<hbm>>
    %dma_wait3A_824 = arith.constant 0 : i32
    %dma_wait3A_825 = tpu.memref_slice %dma_wait3A_823[%add3A_802, %dma_wait3A_824] : memref<98304x128xf32, #tpu.memory_space<hbm>> -> memref<128x128xf32, #tpu.memory_space<hbm>>
    %dma_wait3A_826 = tpu.memref_reshape %arg4 : memref<6x16384x128xf32, #tpu.memory_space<hbm>> -> memref<98304x128xf32, #tpu.memory_space<hbm>>
    %dma_wait3A_827 = arith.constant 0 : i32
    %dma_wait3A_828 = tpu.memref_slice %dma_wait3A_826[%add3A_802, %dma_wait3A_827] : memref<98304x128xf32, #tpu.memory_space<hbm>> -> memref<128x128xf32, #tpu.memory_space<hbm>>
    %dma_wait3A_829 = arith.constant 0 : i32
    %dma_wait3A_830 = arith.constant 0 : i32
    %dma_wait3A_831 = tpu.memref_slice %arg6[%dma_wait3A_818, %dma_wait3A_829, %dma_wait3A_830] : memref<6x128x128xf32, #tpu.memory_space<vmem>> -> memref<1x128x128xf32, #tpu.memory_space<vmem>>
    %dma_wait3A_832 = tpu.memref_squeeze %dma_wait3A_831 : memref<1x128x128xf32, #tpu.memory_space<vmem>> -> memref<128x128xf32, #tpu.memory_space<vmem>>
    tpu.wait_dma2 semaphore(%arg9 : memref<!tpu.dma_semaphore, #tpu.memory_space<semaphore_mem>>) src(%dma_wait3A_832 : memref<128x128xf32, #tpu.memory_space<vmem>>) dst(%dma_wait3A_828 : memref<128x128xf32, #tpu.memory_space<hbm>>)
    %dma_start3A_833 = arith.constant 2 : i32
    %dma_start3A_834 = arith.constant 0 : i32
    %dma_start3A_835 = arith.constant 0 : i32
    %dma_start3A_836 = tpu.memref_slice %arg6[%dma_start3A_833, %dma_start3A_834, %dma_start3A_835] : memref<6x128x128xf32, #tpu.memory_space<vmem>> -> memref<1x128x128xf32, #tpu.memory_space<vmem>>
    %dma_start3A_837 = tpu.memref_squeeze %dma_start3A_836 : memref<1x128x128xf32, #tpu.memory_space<vmem>> -> memref<128x128xf32, #tpu.memory_space<vmem>>
    %dma_start3A_838 = arith.constant 2560 : i32
    %dma_start3A_839 = tpu.memref_slice %arg5[%dma_start3A_838] : memref<3072xi32, #tpu.memory_space<vmem>> -> memref<128xi32, #tpu.memory_space<vmem>>
    %dma_start3A_840 = arith.constant 0 : i32
    %dma_start3A_841 = arith.constant 0 : i32
    %dma_start3A_842 = tpu.memref_slice %arg7[%dma_start3A_840, %dma_start3A_841] : memref<8x128xf32, #tpu.memory_space<vmem_shared>> -> memref<8x128xf32, #tpu.memory_space<vmem_shared>>
    tpu.enqueue_indirect_dma source(%dma_start3A_842 : memref<8x128xf32, #tpu.memory_space<vmem_shared>>) target(%dma_start3A_837 : memref<128x128xf32, #tpu.memory_space<vmem>>) offsets(%dma_start3A_839 : memref<128xi32, #tpu.memory_space<vmem>>) semaphore(%arg8 : memref<!tpu.dma_semaphore, #tpu.memory_space<semaphore_mem>>)
    %dma_wait3A_843 = arith.constant 3 : i32
    %dma_wait3A_844 = arith.constant 0 : i32
    %dma_wait3A_845 = arith.constant 0 : i32
    %dma_wait3A_846 = tpu.memref_slice %arg6[%dma_wait3A_843, %dma_wait3A_844, %dma_wait3A_845] : memref<6x128x128xf32, #tpu.memory_space<vmem>> -> memref<1x128x128xf32, #tpu.memory_space<vmem>>
    %dma_wait3A_847 = tpu.memref_squeeze %dma_wait3A_846 : memref<1x128x128xf32, #tpu.memory_space<vmem>> -> memref<128x128xf32, #tpu.memory_space<vmem>>
    %dma_wait3A_848 = arith.constant 1920 : i32
    %dma_wait3A_849 = tpu.memref_slice %arg5[%dma_wait3A_848] : memref<3072xi32, #tpu.memory_space<vmem>> -> memref<128xi32, #tpu.memory_space<vmem>>
    %dma_wait3A_850 = arith.constant 0 : i32
    %dma_wait3A_851 = arith.constant 0 : i32
    %dma_wait3A_852 = tpu.memref_slice %arg7[%dma_wait3A_850, %dma_wait3A_851] : memref<8x128xf32, #tpu.memory_space<vmem_shared>> -> memref<8x128xf32, #tpu.memory_space<vmem_shared>>
    tpu.wait_indirect_dma semaphore(%arg8 : memref<!tpu.dma_semaphore, #tpu.memory_space<semaphore_mem>>) src(%dma_wait3A_852 : memref<8x128xf32, #tpu.memory_space<vmem_shared>>) dst(%dma_wait3A_847 : memref<128x128xf32, #tpu.memory_space<vmem>>)
    %add3A_853 = arith.constant 1920 : i32
    %add3A_854 = arith.addi %mul3A_2, %add3A_853 : i32
    %dma_start3A_855 = arith.constant 3 : i32
    %dma_start3A_856 = arith.constant 0 : i32
    %dma_start3A_857 = arith.constant 0 : i32
    %dma_start3A_858 = tpu.memref_slice %arg6[%dma_start3A_855, %dma_start3A_856, %dma_start3A_857] : memref<6x128x128xf32, #tpu.memory_space<vmem>> -> memref<1x128x128xf32, #tpu.memory_space<vmem>>
    %dma_start3A_859 = tpu.memref_squeeze %dma_start3A_858 : memref<1x128x128xf32, #tpu.memory_space<vmem>> -> memref<128x128xf32, #tpu.memory_space<vmem>>
    %dma_start3A_860 = tpu.memref_reshape %arg4 : memref<6x16384x128xf32, #tpu.memory_space<hbm>> -> memref<98304x128xf32, #tpu.memory_space<hbm>>
    %dma_start3A_861 = arith.constant 0 : i32
    %dma_start3A_862 = tpu.memref_slice %dma_start3A_860[%add3A_854, %dma_start3A_861] : memref<98304x128xf32, #tpu.memory_space<hbm>> -> memref<128x128xf32, #tpu.memory_space<hbm>>
    %dma_start3A_863 = tpu.memref_reshape %arg4 : memref<6x16384x128xf32, #tpu.memory_space<hbm>> -> memref<98304x128xf32, #tpu.memory_space<hbm>>
    %dma_start3A_864 = arith.constant 0 : i32
    %dma_start3A_865 = tpu.memref_slice %dma_start3A_863[%add3A_854, %dma_start3A_864] : memref<98304x128xf32, #tpu.memory_space<hbm>> -> memref<128x128xf32, #tpu.memory_space<hbm>>
    %dma_start3A_866 = arith.constant 0 : i32
    %dma_start3A_867 = arith.constant 0 : i32
    %dma_start3A_868 = tpu.memref_slice %arg6[%dma_start3A_855, %dma_start3A_866, %dma_start3A_867] : memref<6x128x128xf32, #tpu.memory_space<vmem>> -> memref<1x128x128xf32, #tpu.memory_space<vmem>>
    %dma_start3A_869 = tpu.memref_squeeze %dma_start3A_868 : memref<1x128x128xf32, #tpu.memory_space<vmem>> -> memref<128x128xf32, #tpu.memory_space<vmem>>
    tpu.enqueue_dma source(%dma_start3A_869 : memref<128x128xf32, #tpu.memory_space<vmem>>) target(%dma_start3A_865 : memref<128x128xf32, #tpu.memory_space<hbm>>) target_semaphore(%arg9 : memref<!tpu.dma_semaphore, #tpu.memory_space<semaphore_mem>>)
    %dma_wait3A_870 = arith.constant 3 : i32
    %dma_wait3A_871 = arith.constant 0 : i32
    %dma_wait3A_872 = arith.constant 0 : i32
    %dma_wait3A_873 = tpu.memref_slice %arg6[%dma_wait3A_870, %dma_wait3A_871, %dma_wait3A_872] : memref<6x128x128xf32, #tpu.memory_space<vmem>> -> memref<1x128x128xf32, #tpu.memory_space<vmem>>
    %dma_wait3A_874 = tpu.memref_squeeze %dma_wait3A_873 : memref<1x128x128xf32, #tpu.memory_space<vmem>> -> memref<128x128xf32, #tpu.memory_space<vmem>>
    %dma_wait3A_875 = tpu.memref_reshape %arg4 : memref<6x16384x128xf32, #tpu.memory_space<hbm>> -> memref<98304x128xf32, #tpu.memory_space<hbm>>
    %dma_wait3A_876 = arith.constant 0 : i32
    %dma_wait3A_877 = tpu.memref_slice %dma_wait3A_875[%add3A_854, %dma_wait3A_876] : memref<98304x128xf32, #tpu.memory_space<hbm>> -> memref<128x128xf32, #tpu.memory_space<hbm>>
    %dma_wait3A_878 = tpu.memref_reshape %arg4 : memref<6x16384x128xf32, #tpu.memory_space<hbm>> -> memref<98304x128xf32, #tpu.memory_space<hbm>>
    %dma_wait3A_879 = arith.constant 0 : i32
    %dma_wait3A_880 = tpu.memref_slice %dma_wait3A_878[%add3A_854, %dma_wait3A_879] : memref<98304x128xf32, #tpu.memory_space<hbm>> -> memref<128x128xf32, #tpu.memory_space<hbm>>
    %dma_wait3A_881 = arith.constant 0 : i32
    %dma_wait3A_882 = arith.constant 0 : i32
    %dma_wait3A_883 = tpu.memref_slice %arg6[%dma_wait3A_870, %dma_wait3A_881, %dma_wait3A_882] : memref<6x128x128xf32, #tpu.memory_space<vmem>> -> memref<1x128x128xf32, #tpu.memory_space<vmem>>
    %dma_wait3A_884 = tpu.memref_squeeze %dma_wait3A_883 : memref<1x128x128xf32, #tpu.memory_space<vmem>> -> memref<128x128xf32, #tpu.memory_space<vmem>>
    tpu.wait_dma2 semaphore(%arg9 : memref<!tpu.dma_semaphore, #tpu.memory_space<semaphore_mem>>) src(%dma_wait3A_884 : memref<128x128xf32, #tpu.memory_space<vmem>>) dst(%dma_wait3A_880 : memref<128x128xf32, #tpu.memory_space<hbm>>)
    %dma_start3A_885 = arith.constant 3 : i32
    %dma_start3A_886 = arith.constant 0 : i32
    %dma_start3A_887 = arith.constant 0 : i32
    %dma_start3A_888 = tpu.memref_slice %arg6[%dma_start3A_885, %dma_start3A_886, %dma_start3A_887] : memref<6x128x128xf32, #tpu.memory_space<vmem>> -> memref<1x128x128xf32, #tpu.memory_space<vmem>>
    %dma_start3A_889 = tpu.memref_squeeze %dma_start3A_888 : memref<1x128x128xf32, #tpu.memory_space<vmem>> -> memref<128x128xf32, #tpu.memory_space<vmem>>
    %dma_start3A_890 = arith.constant 2688 : i32
    %dma_start3A_891 = tpu.memref_slice %arg5[%dma_start3A_890] : memref<3072xi32, #tpu.memory_space<vmem>> -> memref<128xi32, #tpu.memory_space<vmem>>
    %dma_start3A_892 = arith.constant 0 : i32
    %dma_start3A_893 = arith.constant 0 : i32
    %dma_start3A_894 = tpu.memref_slice %arg7[%dma_start3A_892, %dma_start3A_893] : memref<8x128xf32, #tpu.memory_space<vmem_shared>> -> memref<8x128xf32, #tpu.memory_space<vmem_shared>>
    tpu.enqueue_indirect_dma source(%dma_start3A_894 : memref<8x128xf32, #tpu.memory_space<vmem_shared>>) target(%dma_start3A_889 : memref<128x128xf32, #tpu.memory_space<vmem>>) offsets(%dma_start3A_891 : memref<128xi32, #tpu.memory_space<vmem>>) semaphore(%arg8 : memref<!tpu.dma_semaphore, #tpu.memory_space<semaphore_mem>>)
    %dma_wait3A_895 = arith.constant 4 : i32
    %dma_wait3A_896 = arith.constant 0 : i32
    %dma_wait3A_897 = arith.constant 0 : i32
    %dma_wait3A_898 = tpu.memref_slice %arg6[%dma_wait3A_895, %dma_wait3A_896, %dma_wait3A_897] : memref<6x128x128xf32, #tpu.memory_space<vmem>> -> memref<1x128x128xf32, #tpu.memory_space<vmem>>
    %dma_wait3A_899 = tpu.memref_squeeze %dma_wait3A_898 : memref<1x128x128xf32, #tpu.memory_space<vmem>> -> memref<128x128xf32, #tpu.memory_space<vmem>>
    %dma_wait3A_900 = arith.constant 2048 : i32
    %dma_wait3A_901 = tpu.memref_slice %arg5[%dma_wait3A_900] : memref<3072xi32, #tpu.memory_space<vmem>> -> memref<128xi32, #tpu.memory_space<vmem>>
    %dma_wait3A_902 = arith.constant 0 : i32
    %dma_wait3A_903 = arith.constant 0 : i32
    %dma_wait3A_904 = tpu.memref_slice %arg7[%dma_wait3A_902, %dma_wait3A_903] : memref<8x128xf32, #tpu.memory_space<vmem_shared>> -> memref<8x128xf32, #tpu.memory_space<vmem_shared>>
    tpu.wait_indirect_dma semaphore(%arg8 : memref<!tpu.dma_semaphore, #tpu.memory_space<semaphore_mem>>) src(%dma_wait3A_904 : memref<8x128xf32, #tpu.memory_space<vmem_shared>>) dst(%dma_wait3A_899 : memref<128x128xf32, #tpu.memory_space<vmem>>)
    %add3A_905 = arith.constant 2048 : i32
    %add3A_906 = arith.addi %mul3A_2, %add3A_905 : i32
    %dma_start3A_907 = arith.constant 4 : i32
    %dma_start3A_908 = arith.constant 0 : i32
    %dma_start3A_909 = arith.constant 0 : i32
    %dma_start3A_910 = tpu.memref_slice %arg6[%dma_start3A_907, %dma_start3A_908, %dma_start3A_909] : memref<6x128x128xf32, #tpu.memory_space<vmem>> -> memref<1x128x128xf32, #tpu.memory_space<vmem>>
    %dma_start3A_911 = tpu.memref_squeeze %dma_start3A_910 : memref<1x128x128xf32, #tpu.memory_space<vmem>> -> memref<128x128xf32, #tpu.memory_space<vmem>>
    %dma_start3A_912 = tpu.memref_reshape %arg4 : memref<6x16384x128xf32, #tpu.memory_space<hbm>> -> memref<98304x128xf32, #tpu.memory_space<hbm>>
    %dma_start3A_913 = arith.constant 0 : i32
    %dma_start3A_914 = tpu.memref_slice %dma_start3A_912[%add3A_906, %dma_start3A_913] : memref<98304x128xf32, #tpu.memory_space<hbm>> -> memref<128x128xf32, #tpu.memory_space<hbm>>
    %dma_start3A_915 = tpu.memref_reshape %arg4 : memref<6x16384x128xf32, #tpu.memory_space<hbm>> -> memref<98304x128xf32, #tpu.memory_space<hbm>>
    %dma_start3A_916 = arith.constant 0 : i32
    %dma_start3A_917 = tpu.memref_slice %dma_start3A_915[%add3A_906, %dma_start3A_916] : memref<98304x128xf32, #tpu.memory_space<hbm>> -> memref<128x128xf32, #tpu.memory_space<hbm>>
    %dma_start3A_918 = arith.constant 0 : i32
    %dma_start3A_919 = arith.constant 0 : i32
    %dma_start3A_920 = tpu.memref_slice %arg6[%dma_start3A_907, %dma_start3A_918, %dma_start3A_919] : memref<6x128x128xf32, #tpu.memory_space<vmem>> -> memref<1x128x128xf32, #tpu.memory_space<vmem>>
    %dma_start3A_921 = tpu.memref_squeeze %dma_start3A_920 : memref<1x128x128xf32, #tpu.memory_space<vmem>> -> memref<128x128xf32, #tpu.memory_space<vmem>>
    tpu.enqueue_dma source(%dma_start3A_921 : memref<128x128xf32, #tpu.memory_space<vmem>>) target(%dma_start3A_917 : memref<128x128xf32, #tpu.memory_space<hbm>>) target_semaphore(%arg9 : memref<!tpu.dma_semaphore, #tpu.memory_space<semaphore_mem>>)
    %dma_wait3A_922 = arith.constant 4 : i32
    %dma_wait3A_923 = arith.constant 0 : i32
    %dma_wait3A_924 = arith.constant 0 : i32
    %dma_wait3A_925 = tpu.memref_slice %arg6[%dma_wait3A_922, %dma_wait3A_923, %dma_wait3A_924] : memref<6x128x128xf32, #tpu.memory_space<vmem>> -> memref<1x128x128xf32, #tpu.memory_space<vmem>>
    %dma_wait3A_926 = tpu.memref_squeeze %dma_wait3A_925 : memref<1x128x128xf32, #tpu.memory_space<vmem>> -> memref<128x128xf32, #tpu.memory_space<vmem>>
    %dma_wait3A_927 = tpu.memref_reshape %arg4 : memref<6x16384x128xf32, #tpu.memory_space<hbm>> -> memref<98304x128xf32, #tpu.memory_space<hbm>>
    %dma_wait3A_928 = arith.constant 0 : i32
    %dma_wait3A_929 = tpu.memref_slice %dma_wait3A_927[%add3A_906, %dma_wait3A_928] : memref<98304x128xf32, #tpu.memory_space<hbm>> -> memref<128x128xf32, #tpu.memory_space<hbm>>
    %dma_wait3A_930 = tpu.memref_reshape %arg4 : memref<6x16384x128xf32, #tpu.memory_space<hbm>> -> memref<98304x128xf32, #tpu.memory_space<hbm>>
    %dma_wait3A_931 = arith.constant 0 : i32
    %dma_wait3A_932 = tpu.memref_slice %dma_wait3A_930[%add3A_906, %dma_wait3A_931] : memref<98304x128xf32, #tpu.memory_space<hbm>> -> memref<128x128xf32, #tpu.memory_space<hbm>>
    %dma_wait3A_933 = arith.constant 0 : i32
    %dma_wait3A_934 = arith.constant 0 : i32
    %dma_wait3A_935 = tpu.memref_slice %arg6[%dma_wait3A_922, %dma_wait3A_933, %dma_wait3A_934] : memref<6x128x128xf32, #tpu.memory_space<vmem>> -> memref<1x128x128xf32, #tpu.memory_space<vmem>>
    %dma_wait3A_936 = tpu.memref_squeeze %dma_wait3A_935 : memref<1x128x128xf32, #tpu.memory_space<vmem>> -> memref<128x128xf32, #tpu.memory_space<vmem>>
    tpu.wait_dma2 semaphore(%arg9 : memref<!tpu.dma_semaphore, #tpu.memory_space<semaphore_mem>>) src(%dma_wait3A_936 : memref<128x128xf32, #tpu.memory_space<vmem>>) dst(%dma_wait3A_932 : memref<128x128xf32, #tpu.memory_space<hbm>>)
    %dma_start3A_937 = arith.constant 4 : i32
    %dma_start3A_938 = arith.constant 0 : i32
    %dma_start3A_939 = arith.constant 0 : i32
    %dma_start3A_940 = tpu.memref_slice %arg6[%dma_start3A_937, %dma_start3A_938, %dma_start3A_939] : memref<6x128x128xf32, #tpu.memory_space<vmem>> -> memref<1x128x128xf32, #tpu.memory_space<vmem>>
    %dma_start3A_941 = tpu.memref_squeeze %dma_start3A_940 : memref<1x128x128xf32, #tpu.memory_space<vmem>> -> memref<128x128xf32, #tpu.memory_space<vmem>>
    %dma_start3A_942 = arith.constant 2816 : i32
    %dma_start3A_943 = tpu.memref_slice %arg5[%dma_start3A_942] : memref<3072xi32, #tpu.memory_space<vmem>> -> memref<128xi32, #tpu.memory_space<vmem>>
    %dma_start3A_944 = arith.constant 0 : i32
    %dma_start3A_945 = arith.constant 0 : i32
    %dma_start3A_946 = tpu.memref_slice %arg7[%dma_start3A_944, %dma_start3A_945] : memref<8x128xf32, #tpu.memory_space<vmem_shared>> -> memref<8x128xf32, #tpu.memory_space<vmem_shared>>
    tpu.enqueue_indirect_dma source(%dma_start3A_946 : memref<8x128xf32, #tpu.memory_space<vmem_shared>>) target(%dma_start3A_941 : memref<128x128xf32, #tpu.memory_space<vmem>>) offsets(%dma_start3A_943 : memref<128xi32, #tpu.memory_space<vmem>>) semaphore(%arg8 : memref<!tpu.dma_semaphore, #tpu.memory_space<semaphore_mem>>)
    %dma_wait3A_947 = arith.constant 5 : i32
    %dma_wait3A_948 = arith.constant 0 : i32
    %dma_wait3A_949 = arith.constant 0 : i32
    %dma_wait3A_950 = tpu.memref_slice %arg6[%dma_wait3A_947, %dma_wait3A_948, %dma_wait3A_949] : memref<6x128x128xf32, #tpu.memory_space<vmem>> -> memref<1x128x128xf32, #tpu.memory_space<vmem>>
    %dma_wait3A_951 = tpu.memref_squeeze %dma_wait3A_950 : memref<1x128x128xf32, #tpu.memory_space<vmem>> -> memref<128x128xf32, #tpu.memory_space<vmem>>
    %dma_wait3A_952 = arith.constant 2176 : i32
    %dma_wait3A_953 = tpu.memref_slice %arg5[%dma_wait3A_952] : memref<3072xi32, #tpu.memory_space<vmem>> -> memref<128xi32, #tpu.memory_space<vmem>>
    %dma_wait3A_954 = arith.constant 0 : i32
    %dma_wait3A_955 = arith.constant 0 : i32
    %dma_wait3A_956 = tpu.memref_slice %arg7[%dma_wait3A_954, %dma_wait3A_955] : memref<8x128xf32, #tpu.memory_space<vmem_shared>> -> memref<8x128xf32, #tpu.memory_space<vmem_shared>>
    tpu.wait_indirect_dma semaphore(%arg8 : memref<!tpu.dma_semaphore, #tpu.memory_space<semaphore_mem>>) src(%dma_wait3A_956 : memref<8x128xf32, #tpu.memory_space<vmem_shared>>) dst(%dma_wait3A_951 : memref<128x128xf32, #tpu.memory_space<vmem>>)
    %add3A_957 = arith.constant 2176 : i32
    %add3A_958 = arith.addi %mul3A_2, %add3A_957 : i32
    %dma_start3A_959 = arith.constant 5 : i32
    %dma_start3A_960 = arith.constant 0 : i32
    %dma_start3A_961 = arith.constant 0 : i32
    %dma_start3A_962 = tpu.memref_slice %arg6[%dma_start3A_959, %dma_start3A_960, %dma_start3A_961] : memref<6x128x128xf32, #tpu.memory_space<vmem>> -> memref<1x128x128xf32, #tpu.memory_space<vmem>>
    %dma_start3A_963 = tpu.memref_squeeze %dma_start3A_962 : memref<1x128x128xf32, #tpu.memory_space<vmem>> -> memref<128x128xf32, #tpu.memory_space<vmem>>
    %dma_start3A_964 = tpu.memref_reshape %arg4 : memref<6x16384x128xf32, #tpu.memory_space<hbm>> -> memref<98304x128xf32, #tpu.memory_space<hbm>>
    %dma_start3A_965 = arith.constant 0 : i32
    %dma_start3A_966 = tpu.memref_slice %dma_start3A_964[%add3A_958, %dma_start3A_965] : memref<98304x128xf32, #tpu.memory_space<hbm>> -> memref<128x128xf32, #tpu.memory_space<hbm>>
    %dma_start3A_967 = tpu.memref_reshape %arg4 : memref<6x16384x128xf32, #tpu.memory_space<hbm>> -> memref<98304x128xf32, #tpu.memory_space<hbm>>
    %dma_start3A_968 = arith.constant 0 : i32
    %dma_start3A_969 = tpu.memref_slice %dma_start3A_967[%add3A_958, %dma_start3A_968] : memref<98304x128xf32, #tpu.memory_space<hbm>> -> memref<128x128xf32, #tpu.memory_space<hbm>>
    %dma_start3A_970 = arith.constant 0 : i32
    %dma_start3A_971 = arith.constant 0 : i32
    %dma_start3A_972 = tpu.memref_slice %arg6[%dma_start3A_959, %dma_start3A_970, %dma_start3A_971] : memref<6x128x128xf32, #tpu.memory_space<vmem>> -> memref<1x128x128xf32, #tpu.memory_space<vmem>>
    %dma_start3A_973 = tpu.memref_squeeze %dma_start3A_972 : memref<1x128x128xf32, #tpu.memory_space<vmem>> -> memref<128x128xf32, #tpu.memory_space<vmem>>
    tpu.enqueue_dma source(%dma_start3A_973 : memref<128x128xf32, #tpu.memory_space<vmem>>) target(%dma_start3A_969 : memref<128x128xf32, #tpu.memory_space<hbm>>) target_semaphore(%arg9 : memref<!tpu.dma_semaphore, #tpu.memory_space<semaphore_mem>>)
    %dma_wait3A_974 = arith.constant 5 : i32
    %dma_wait3A_975 = arith.constant 0 : i32
    %dma_wait3A_976 = arith.constant 0 : i32
    %dma_wait3A_977 = tpu.memref_slice %arg6[%dma_wait3A_974, %dma_wait3A_975, %dma_wait3A_976] : memref<6x128x128xf32, #tpu.memory_space<vmem>> -> memref<1x128x128xf32, #tpu.memory_space<vmem>>
    %dma_wait3A_978 = tpu.memref_squeeze %dma_wait3A_977 : memref<1x128x128xf32, #tpu.memory_space<vmem>> -> memref<128x128xf32, #tpu.memory_space<vmem>>
    %dma_wait3A_979 = tpu.memref_reshape %arg4 : memref<6x16384x128xf32, #tpu.memory_space<hbm>> -> memref<98304x128xf32, #tpu.memory_space<hbm>>
    %dma_wait3A_980 = arith.constant 0 : i32
    %dma_wait3A_981 = tpu.memref_slice %dma_wait3A_979[%add3A_958, %dma_wait3A_980] : memref<98304x128xf32, #tpu.memory_space<hbm>> -> memref<128x128xf32, #tpu.memory_space<hbm>>
    %dma_wait3A_982 = tpu.memref_reshape %arg4 : memref<6x16384x128xf32, #tpu.memory_space<hbm>> -> memref<98304x128xf32, #tpu.memory_space<hbm>>
    %dma_wait3A_983 = arith.constant 0 : i32
    %dma_wait3A_984 = tpu.memref_slice %dma_wait3A_982[%add3A_958, %dma_wait3A_983] : memref<98304x128xf32, #tpu.memory_space<hbm>> -> memref<128x128xf32, #tpu.memory_space<hbm>>
    %dma_wait3A_985 = arith.constant 0 : i32
    %dma_wait3A_986 = arith.constant 0 : i32
    %dma_wait3A_987 = tpu.memref_slice %arg6[%dma_wait3A_974, %dma_wait3A_985, %dma_wait3A_986] : memref<6x128x128xf32, #tpu.memory_space<vmem>> -> memref<1x128x128xf32, #tpu.memory_space<vmem>>
    %dma_wait3A_988 = tpu.memref_squeeze %dma_wait3A_987 : memref<1x128x128xf32, #tpu.memory_space<vmem>> -> memref<128x128xf32, #tpu.memory_space<vmem>>
    tpu.wait_dma2 semaphore(%arg9 : memref<!tpu.dma_semaphore, #tpu.memory_space<semaphore_mem>>) src(%dma_wait3A_988 : memref<128x128xf32, #tpu.memory_space<vmem>>) dst(%dma_wait3A_984 : memref<128x128xf32, #tpu.memory_space<hbm>>)
    %dma_start3A_989 = arith.constant 5 : i32
    %dma_start3A_990 = arith.constant 0 : i32
    %dma_start3A_991 = arith.constant 0 : i32
    %dma_start3A_992 = tpu.memref_slice %arg6[%dma_start3A_989, %dma_start3A_990, %dma_start3A_991] : memref<6x128x128xf32, #tpu.memory_space<vmem>> -> memref<1x128x128xf32, #tpu.memory_space<vmem>>
    %dma_start3A_993 = tpu.memref_squeeze %dma_start3A_992 : memref<1x128x128xf32, #tpu.memory_space<vmem>> -> memref<128x128xf32, #tpu.memory_space<vmem>>
    %dma_start3A_994 = arith.constant 2944 : i32
    %dma_start3A_995 = tpu.memref_slice %arg5[%dma_start3A_994] : memref<3072xi32, #tpu.memory_space<vmem>> -> memref<128xi32, #tpu.memory_space<vmem>>
    %dma_start3A_996 = arith.constant 0 : i32
    %dma_start3A_997 = arith.constant 0 : i32
    %dma_start3A_998 = tpu.memref_slice %arg7[%dma_start3A_996, %dma_start3A_997] : memref<8x128xf32, #tpu.memory_space<vmem_shared>> -> memref<8x128xf32, #tpu.memory_space<vmem_shared>>
    tpu.enqueue_indirect_dma source(%dma_start3A_998 : memref<8x128xf32, #tpu.memory_space<vmem_shared>>) target(%dma_start3A_993 : memref<128x128xf32, #tpu.memory_space<vmem>>) offsets(%dma_start3A_995 : memref<128xi32, #tpu.memory_space<vmem>>) semaphore(%arg8 : memref<!tpu.dma_semaphore, #tpu.memory_space<semaphore_mem>>)
    %dma_wait3A_999 = arith.constant 0 : i32
    %dma_wait3A_1000 = arith.constant 0 : i32
    %dma_wait3A_1001 = arith.constant 0 : i32
    %dma_wait3A_1002 = tpu.memref_slice %arg6[%dma_wait3A_999, %dma_wait3A_1000, %dma_wait3A_1001] : memref<6x128x128xf32, #tpu.memory_space<vmem>> -> memref<1x128x128xf32, #tpu.memory_space<vmem>>
    %dma_wait3A_1003 = tpu.memref_squeeze %dma_wait3A_1002 : memref<1x128x128xf32, #tpu.memory_space<vmem>> -> memref<128x128xf32, #tpu.memory_space<vmem>>
    %dma_wait3A_1004 = arith.constant 2304 : i32
    %dma_wait3A_1005 = tpu.memref_slice %arg5[%dma_wait3A_1004] : memref<3072xi32, #tpu.memory_space<vmem>> -> memref<128xi32, #tpu.memory_space<vmem>>
    %dma_wait3A_1006 = arith.constant 0 : i32
    %dma_wait3A_1007 = arith.constant 0 : i32
    %dma_wait3A_1008 = tpu.memref_slice %arg7[%dma_wait3A_1006, %dma_wait3A_1007] : memref<8x128xf32, #tpu.memory_space<vmem_shared>> -> memref<8x128xf32, #tpu.memory_space<vmem_shared>>
    tpu.wait_indirect_dma semaphore(%arg8 : memref<!tpu.dma_semaphore, #tpu.memory_space<semaphore_mem>>) src(%dma_wait3A_1008 : memref<8x128xf32, #tpu.memory_space<vmem_shared>>) dst(%dma_wait3A_1003 : memref<128x128xf32, #tpu.memory_space<vmem>>)
    %add3A_1009 = arith.constant 2304 : i32
    %add3A_1010 = arith.addi %mul3A_2, %add3A_1009 : i32
    %dma_start3A_1011 = arith.constant 0 : i32
    %dma_start3A_1012 = arith.constant 0 : i32
    %dma_start3A_1013 = arith.constant 0 : i32
    %dma_start3A_1014 = tpu.memref_slice %arg6[%dma_start3A_1011, %dma_start3A_1012, %dma_start3A_1013] : memref<6x128x128xf32, #tpu.memory_space<vmem>> -> memref<1x128x128xf32, #tpu.memory_space<vmem>>
    %dma_start3A_1015 = tpu.memref_squeeze %dma_start3A_1014 : memref<1x128x128xf32, #tpu.memory_space<vmem>> -> memref<128x128xf32, #tpu.memory_space<vmem>>
    %dma_start3A_1016 = tpu.memref_reshape %arg4 : memref<6x16384x128xf32, #tpu.memory_space<hbm>> -> memref<98304x128xf32, #tpu.memory_space<hbm>>
    %dma_start3A_1017 = arith.constant 0 : i32
    %dma_start3A_1018 = tpu.memref_slice %dma_start3A_1016[%add3A_1010, %dma_start3A_1017] : memref<98304x128xf32, #tpu.memory_space<hbm>> -> memref<128x128xf32, #tpu.memory_space<hbm>>
    %dma_start3A_1019 = tpu.memref_reshape %arg4 : memref<6x16384x128xf32, #tpu.memory_space<hbm>> -> memref<98304x128xf32, #tpu.memory_space<hbm>>
    %dma_start3A_1020 = arith.constant 0 : i32
    %dma_start3A_1021 = tpu.memref_slice %dma_start3A_1019[%add3A_1010, %dma_start3A_1020] : memref<98304x128xf32, #tpu.memory_space<hbm>> -> memref<128x128xf32, #tpu.memory_space<hbm>>
    %dma_start3A_1022 = arith.constant 0 : i32
    %dma_start3A_1023 = arith.constant 0 : i32
    %dma_start3A_1024 = tpu.memref_slice %arg6[%dma_start3A_1011, %dma_start3A_1022, %dma_start3A_1023] : memref<6x128x128xf32, #tpu.memory_space<vmem>> -> memref<1x128x128xf32, #tpu.memory_space<vmem>>
    %dma_start3A_1025 = tpu.memref_squeeze %dma_start3A_1024 : memref<1x128x128xf32, #tpu.memory_space<vmem>> -> memref<128x128xf32, #tpu.memory_space<vmem>>
    tpu.enqueue_dma source(%dma_start3A_1025 : memref<128x128xf32, #tpu.memory_space<vmem>>) target(%dma_start3A_1021 : memref<128x128xf32, #tpu.memory_space<hbm>>) target_semaphore(%arg9 : memref<!tpu.dma_semaphore, #tpu.memory_space<semaphore_mem>>)
    %dma_wait3A_1026 = arith.constant 1 : i32
    %dma_wait3A_1027 = arith.constant 0 : i32
    %dma_wait3A_1028 = arith.constant 0 : i32
    %dma_wait3A_1029 = tpu.memref_slice %arg6[%dma_wait3A_1026, %dma_wait3A_1027, %dma_wait3A_1028] : memref<6x128x128xf32, #tpu.memory_space<vmem>> -> memref<1x128x128xf32, #tpu.memory_space<vmem>>
    %dma_wait3A_1030 = tpu.memref_squeeze %dma_wait3A_1029 : memref<1x128x128xf32, #tpu.memory_space<vmem>> -> memref<128x128xf32, #tpu.memory_space<vmem>>
    %dma_wait3A_1031 = arith.constant 2432 : i32
    %dma_wait3A_1032 = tpu.memref_slice %arg5[%dma_wait3A_1031] : memref<3072xi32, #tpu.memory_space<vmem>> -> memref<128xi32, #tpu.memory_space<vmem>>
    %dma_wait3A_1033 = arith.constant 0 : i32
    %dma_wait3A_1034 = arith.constant 0 : i32
    %dma_wait3A_1035 = tpu.memref_slice %arg7[%dma_wait3A_1033, %dma_wait3A_1034] : memref<8x128xf32, #tpu.memory_space<vmem_shared>> -> memref<8x128xf32, #tpu.memory_space<vmem_shared>>
    tpu.wait_indirect_dma semaphore(%arg8 : memref<!tpu.dma_semaphore, #tpu.memory_space<semaphore_mem>>) src(%dma_wait3A_1035 : memref<8x128xf32, #tpu.memory_space<vmem_shared>>) dst(%dma_wait3A_1030 : memref<128x128xf32, #tpu.memory_space<vmem>>)
    %add3A_1036 = arith.constant 2432 : i32
    %add3A_1037 = arith.addi %mul3A_2, %add3A_1036 : i32
    %dma_start3A_1038 = arith.constant 1 : i32
    %dma_start3A_1039 = arith.constant 0 : i32
    %dma_start3A_1040 = arith.constant 0 : i32
    %dma_start3A_1041 = tpu.memref_slice %arg6[%dma_start3A_1038, %dma_start3A_1039, %dma_start3A_1040] : memref<6x128x128xf32, #tpu.memory_space<vmem>> -> memref<1x128x128xf32, #tpu.memory_space<vmem>>
    %dma_start3A_1042 = tpu.memref_squeeze %dma_start3A_1041 : memref<1x128x128xf32, #tpu.memory_space<vmem>> -> memref<128x128xf32, #tpu.memory_space<vmem>>
    %dma_start3A_1043 = tpu.memref_reshape %arg4 : memref<6x16384x128xf32, #tpu.memory_space<hbm>> -> memref<98304x128xf32, #tpu.memory_space<hbm>>
    %dma_start3A_1044 = arith.constant 0 : i32
    %dma_start3A_1045 = tpu.memref_slice %dma_start3A_1043[%add3A_1037, %dma_start3A_1044] : memref<98304x128xf32, #tpu.memory_space<hbm>> -> memref<128x128xf32, #tpu.memory_space<hbm>>
    %dma_start3A_1046 = tpu.memref_reshape %arg4 : memref<6x16384x128xf32, #tpu.memory_space<hbm>> -> memref<98304x128xf32, #tpu.memory_space<hbm>>
    %dma_start3A_1047 = arith.constant 0 : i32
    %dma_start3A_1048 = tpu.memref_slice %dma_start3A_1046[%add3A_1037, %dma_start3A_1047] : memref<98304x128xf32, #tpu.memory_space<hbm>> -> memref<128x128xf32, #tpu.memory_space<hbm>>
    %dma_start3A_1049 = arith.constant 0 : i32
    %dma_start3A_1050 = arith.constant 0 : i32
    %dma_start3A_1051 = tpu.memref_slice %arg6[%dma_start3A_1038, %dma_start3A_1049, %dma_start3A_1050] : memref<6x128x128xf32, #tpu.memory_space<vmem>> -> memref<1x128x128xf32, #tpu.memory_space<vmem>>
    %dma_start3A_1052 = tpu.memref_squeeze %dma_start3A_1051 : memref<1x128x128xf32, #tpu.memory_space<vmem>> -> memref<128x128xf32, #tpu.memory_space<vmem>>
    tpu.enqueue_dma source(%dma_start3A_1052 : memref<128x128xf32, #tpu.memory_space<vmem>>) target(%dma_start3A_1048 : memref<128x128xf32, #tpu.memory_space<hbm>>) target_semaphore(%arg9 : memref<!tpu.dma_semaphore, #tpu.memory_space<semaphore_mem>>)
    %dma_wait3A_1053 = arith.constant 2 : i32
    %dma_wait3A_1054 = arith.constant 0 : i32
    %dma_wait3A_1055 = arith.constant 0 : i32
    %dma_wait3A_1056 = tpu.memref_slice %arg6[%dma_wait3A_1053, %dma_wait3A_1054, %dma_wait3A_1055] : memref<6x128x128xf32, #tpu.memory_space<vmem>> -> memref<1x128x128xf32, #tpu.memory_space<vmem>>
    %dma_wait3A_1057 = tpu.memref_squeeze %dma_wait3A_1056 : memref<1x128x128xf32, #tpu.memory_space<vmem>> -> memref<128x128xf32, #tpu.memory_space<vmem>>
    %dma_wait3A_1058 = arith.constant 2560 : i32
    %dma_wait3A_1059 = tpu.memref_slice %arg5[%dma_wait3A_1058] : memref<3072xi32, #tpu.memory_space<vmem>> -> memref<128xi32, #tpu.memory_space<vmem>>
    %dma_wait3A_1060 = arith.constant 0 : i32
    %dma_wait3A_1061 = arith.constant 0 : i32
    %dma_wait3A_1062 = tpu.memref_slice %arg7[%dma_wait3A_1060, %dma_wait3A_1061] : memref<8x128xf32, #tpu.memory_space<vmem_shared>> -> memref<8x128xf32, #tpu.memory_space<vmem_shared>>
    tpu.wait_indirect_dma semaphore(%arg8 : memref<!tpu.dma_semaphore, #tpu.memory_space<semaphore_mem>>) src(%dma_wait3A_1062 : memref<8x128xf32, #tpu.memory_space<vmem_shared>>) dst(%dma_wait3A_1057 : memref<128x128xf32, #tpu.memory_space<vmem>>)
    %add3A_1063 = arith.constant 2560 : i32
    %add3A_1064 = arith.addi %mul3A_2, %add3A_1063 : i32
    %dma_start3A_1065 = arith.constant 2 : i32
    %dma_start3A_1066 = arith.constant 0 : i32
    %dma_start3A_1067 = arith.constant 0 : i32
    %dma_start3A_1068 = tpu.memref_slice %arg6[%dma_start3A_1065, %dma_start3A_1066, %dma_start3A_1067] : memref<6x128x128xf32, #tpu.memory_space<vmem>> -> memref<1x128x128xf32, #tpu.memory_space<vmem>>
    %dma_start3A_1069 = tpu.memref_squeeze %dma_start3A_1068 : memref<1x128x128xf32, #tpu.memory_space<vmem>> -> memref<128x128xf32, #tpu.memory_space<vmem>>
    %dma_start3A_1070 = tpu.memref_reshape %arg4 : memref<6x16384x128xf32, #tpu.memory_space<hbm>> -> memref<98304x128xf32, #tpu.memory_space<hbm>>
    %dma_start3A_1071 = arith.constant 0 : i32
    %dma_start3A_1072 = tpu.memref_slice %dma_start3A_1070[%add3A_1064, %dma_start3A_1071] : memref<98304x128xf32, #tpu.memory_space<hbm>> -> memref<128x128xf32, #tpu.memory_space<hbm>>
    %dma_start3A_1073 = tpu.memref_reshape %arg4 : memref<6x16384x128xf32, #tpu.memory_space<hbm>> -> memref<98304x128xf32, #tpu.memory_space<hbm>>
    %dma_start3A_1074 = arith.constant 0 : i32
    %dma_start3A_1075 = tpu.memref_slice %dma_start3A_1073[%add3A_1064, %dma_start3A_1074] : memref<98304x128xf32, #tpu.memory_space<hbm>> -> memref<128x128xf32, #tpu.memory_space<hbm>>
    %dma_start3A_1076 = arith.constant 0 : i32
    %dma_start3A_1077 = arith.constant 0 : i32
    %dma_start3A_1078 = tpu.memref_slice %arg6[%dma_start3A_1065, %dma_start3A_1076, %dma_start3A_1077] : memref<6x128x128xf32, #tpu.memory_space<vmem>> -> memref<1x128x128xf32, #tpu.memory_space<vmem>>
    %dma_start3A_1079 = tpu.memref_squeeze %dma_start3A_1078 : memref<1x128x128xf32, #tpu.memory_space<vmem>> -> memref<128x128xf32, #tpu.memory_space<vmem>>
    tpu.enqueue_dma source(%dma_start3A_1079 : memref<128x128xf32, #tpu.memory_space<vmem>>) target(%dma_start3A_1075 : memref<128x128xf32, #tpu.memory_space<hbm>>) target_semaphore(%arg9 : memref<!tpu.dma_semaphore, #tpu.memory_space<semaphore_mem>>)
    %dma_wait3A_1080 = arith.constant 3 : i32
    %dma_wait3A_1081 = arith.constant 0 : i32
    %dma_wait3A_1082 = arith.constant 0 : i32
    %dma_wait3A_1083 = tpu.memref_slice %arg6[%dma_wait3A_1080, %dma_wait3A_1081, %dma_wait3A_1082] : memref<6x128x128xf32, #tpu.memory_space<vmem>> -> memref<1x128x128xf32, #tpu.memory_space<vmem>>
    %dma_wait3A_1084 = tpu.memref_squeeze %dma_wait3A_1083 : memref<1x128x128xf32, #tpu.memory_space<vmem>> -> memref<128x128xf32, #tpu.memory_space<vmem>>
    %dma_wait3A_1085 = arith.constant 2688 : i32
    %dma_wait3A_1086 = tpu.memref_slice %arg5[%dma_wait3A_1085] : memref<3072xi32, #tpu.memory_space<vmem>> -> memref<128xi32, #tpu.memory_space<vmem>>
    %dma_wait3A_1087 = arith.constant 0 : i32
    %dma_wait3A_1088 = arith.constant 0 : i32
    %dma_wait3A_1089 = tpu.memref_slice %arg7[%dma_wait3A_1087, %dma_wait3A_1088] : memref<8x128xf32, #tpu.memory_space<vmem_shared>> -> memref<8x128xf32, #tpu.memory_space<vmem_shared>>
    tpu.wait_indirect_dma semaphore(%arg8 : memref<!tpu.dma_semaphore, #tpu.memory_space<semaphore_mem>>) src(%dma_wait3A_1089 : memref<8x128xf32, #tpu.memory_space<vmem_shared>>) dst(%dma_wait3A_1084 : memref<128x128xf32, #tpu.memory_space<vmem>>)
    %add3A_1090 = arith.constant 2688 : i32
    %add3A_1091 = arith.addi %mul3A_2, %add3A_1090 : i32
    %dma_start3A_1092 = arith.constant 3 : i32
    %dma_start3A_1093 = arith.constant 0 : i32
    %dma_start3A_1094 = arith.constant 0 : i32
    %dma_start3A_1095 = tpu.memref_slice %arg6[%dma_start3A_1092, %dma_start3A_1093, %dma_start3A_1094] : memref<6x128x128xf32, #tpu.memory_space<vmem>> -> memref<1x128x128xf32, #tpu.memory_space<vmem>>
    %dma_start3A_1096 = tpu.memref_squeeze %dma_start3A_1095 : memref<1x128x128xf32, #tpu.memory_space<vmem>> -> memref<128x128xf32, #tpu.memory_space<vmem>>
    %dma_start3A_1097 = tpu.memref_reshape %arg4 : memref<6x16384x128xf32, #tpu.memory_space<hbm>> -> memref<98304x128xf32, #tpu.memory_space<hbm>>
    %dma_start3A_1098 = arith.constant 0 : i32
    %dma_start3A_1099 = tpu.memref_slice %dma_start3A_1097[%add3A_1091, %dma_start3A_1098] : memref<98304x128xf32, #tpu.memory_space<hbm>> -> memref<128x128xf32, #tpu.memory_space<hbm>>
    %dma_start3A_1100 = tpu.memref_reshape %arg4 : memref<6x16384x128xf32, #tpu.memory_space<hbm>> -> memref<98304x128xf32, #tpu.memory_space<hbm>>
    %dma_start3A_1101 = arith.constant 0 : i32
    %dma_start3A_1102 = tpu.memref_slice %dma_start3A_1100[%add3A_1091, %dma_start3A_1101] : memref<98304x128xf32, #tpu.memory_space<hbm>> -> memref<128x128xf32, #tpu.memory_space<hbm>>
    %dma_start3A_1103 = arith.constant 0 : i32
    %dma_start3A_1104 = arith.constant 0 : i32
    %dma_start3A_1105 = tpu.memref_slice %arg6[%dma_start3A_1092, %dma_start3A_1103, %dma_start3A_1104] : memref<6x128x128xf32, #tpu.memory_space<vmem>> -> memref<1x128x128xf32, #tpu.memory_space<vmem>>
    %dma_start3A_1106 = tpu.memref_squeeze %dma_start3A_1105 : memref<1x128x128xf32, #tpu.memory_space<vmem>> -> memref<128x128xf32, #tpu.memory_space<vmem>>
    tpu.enqueue_dma source(%dma_start3A_1106 : memref<128x128xf32, #tpu.memory_space<vmem>>) target(%dma_start3A_1102 : memref<128x128xf32, #tpu.memory_space<hbm>>) target_semaphore(%arg9 : memref<!tpu.dma_semaphore, #tpu.memory_space<semaphore_mem>>)
    %dma_wait3A_1107 = arith.constant 4 : i32
    %dma_wait3A_1108 = arith.constant 0 : i32
    %dma_wait3A_1109 = arith.constant 0 : i32
    %dma_wait3A_1110 = tpu.memref_slice %arg6[%dma_wait3A_1107, %dma_wait3A_1108, %dma_wait3A_1109] : memref<6x128x128xf32, #tpu.memory_space<vmem>> -> memref<1x128x128xf32, #tpu.memory_space<vmem>>
    %dma_wait3A_1111 = tpu.memref_squeeze %dma_wait3A_1110 : memref<1x128x128xf32, #tpu.memory_space<vmem>> -> memref<128x128xf32, #tpu.memory_space<vmem>>
    %dma_wait3A_1112 = arith.constant 2816 : i32
    %dma_wait3A_1113 = tpu.memref_slice %arg5[%dma_wait3A_1112] : memref<3072xi32, #tpu.memory_space<vmem>> -> memref<128xi32, #tpu.memory_space<vmem>>
    %dma_wait3A_1114 = arith.constant 0 : i32
    %dma_wait3A_1115 = arith.constant 0 : i32
    %dma_wait3A_1116 = tpu.memref_slice %arg7[%dma_wait3A_1114, %dma_wait3A_1115] : memref<8x128xf32, #tpu.memory_space<vmem_shared>> -> memref<8x128xf32, #tpu.memory_space<vmem_shared>>
    tpu.wait_indirect_dma semaphore(%arg8 : memref<!tpu.dma_semaphore, #tpu.memory_space<semaphore_mem>>) src(%dma_wait3A_1116 : memref<8x128xf32, #tpu.memory_space<vmem_shared>>) dst(%dma_wait3A_1111 : memref<128x128xf32, #tpu.memory_space<vmem>>)
    %add3A_1117 = arith.constant 2816 : i32
    %add3A_1118 = arith.addi %mul3A_2, %add3A_1117 : i32
    %dma_start3A_1119 = arith.constant 4 : i32
    %dma_start3A_1120 = arith.constant 0 : i32
    %dma_start3A_1121 = arith.constant 0 : i32
    %dma_start3A_1122 = tpu.memref_slice %arg6[%dma_start3A_1119, %dma_start3A_1120, %dma_start3A_1121] : memref<6x128x128xf32, #tpu.memory_space<vmem>> -> memref<1x128x128xf32, #tpu.memory_space<vmem>>
    %dma_start3A_1123 = tpu.memref_squeeze %dma_start3A_1122 : memref<1x128x128xf32, #tpu.memory_space<vmem>> -> memref<128x128xf32, #tpu.memory_space<vmem>>
    %dma_start3A_1124 = tpu.memref_reshape %arg4 : memref<6x16384x128xf32, #tpu.memory_space<hbm>> -> memref<98304x128xf32, #tpu.memory_space<hbm>>
    %dma_start3A_1125 = arith.constant 0 : i32
    %dma_start3A_1126 = tpu.memref_slice %dma_start3A_1124[%add3A_1118, %dma_start3A_1125] : memref<98304x128xf32, #tpu.memory_space<hbm>> -> memref<128x128xf32, #tpu.memory_space<hbm>>
    %dma_start3A_1127 = tpu.memref_reshape %arg4 : memref<6x16384x128xf32, #tpu.memory_space<hbm>> -> memref<98304x128xf32, #tpu.memory_space<hbm>>
    %dma_start3A_1128 = arith.constant 0 : i32
    %dma_start3A_1129 = tpu.memref_slice %dma_start3A_1127[%add3A_1118, %dma_start3A_1128] : memref<98304x128xf32, #tpu.memory_space<hbm>> -> memref<128x128xf32, #tpu.memory_space<hbm>>
    %dma_start3A_1130 = arith.constant 0 : i32
    %dma_start3A_1131 = arith.constant 0 : i32
    %dma_start3A_1132 = tpu.memref_slice %arg6[%dma_start3A_1119, %dma_start3A_1130, %dma_start3A_1131] : memref<6x128x128xf32, #tpu.memory_space<vmem>> -> memref<1x128x128xf32, #tpu.memory_space<vmem>>
    %dma_start3A_1133 = tpu.memref_squeeze %dma_start3A_1132 : memref<1x128x128xf32, #tpu.memory_space<vmem>> -> memref<128x128xf32, #tpu.memory_space<vmem>>
    tpu.enqueue_dma source(%dma_start3A_1133 : memref<128x128xf32, #tpu.memory_space<vmem>>) target(%dma_start3A_1129 : memref<128x128xf32, #tpu.memory_space<hbm>>) target_semaphore(%arg9 : memref<!tpu.dma_semaphore, #tpu.memory_space<semaphore_mem>>)
    %dma_wait3A_1134 = arith.constant 5 : i32
    %dma_wait3A_1135 = arith.constant 0 : i32
    %dma_wait3A_1136 = arith.constant 0 : i32
    %dma_wait3A_1137 = tpu.memref_slice %arg6[%dma_wait3A_1134, %dma_wait3A_1135, %dma_wait3A_1136] : memref<6x128x128xf32, #tpu.memory_space<vmem>> -> memref<1x128x128xf32, #tpu.memory_space<vmem>>
    %dma_wait3A_1138 = tpu.memref_squeeze %dma_wait3A_1137 : memref<1x128x128xf32, #tpu.memory_space<vmem>> -> memref<128x128xf32, #tpu.memory_space<vmem>>
    %dma_wait3A_1139 = arith.constant 2944 : i32
    %dma_wait3A_1140 = tpu.memref_slice %arg5[%dma_wait3A_1139] : memref<3072xi32, #tpu.memory_space<vmem>> -> memref<128xi32, #tpu.memory_space<vmem>>
    %dma_wait3A_1141 = arith.constant 0 : i32
    %dma_wait3A_1142 = arith.constant 0 : i32
    %dma_wait3A_1143 = tpu.memref_slice %arg7[%dma_wait3A_1141, %dma_wait3A_1142] : memref<8x128xf32, #tpu.memory_space<vmem_shared>> -> memref<8x128xf32, #tpu.memory_space<vmem_shared>>
    tpu.wait_indirect_dma semaphore(%arg8 : memref<!tpu.dma_semaphore, #tpu.memory_space<semaphore_mem>>) src(%dma_wait3A_1143 : memref<8x128xf32, #tpu.memory_space<vmem_shared>>) dst(%dma_wait3A_1138 : memref<128x128xf32, #tpu.memory_space<vmem>>)
    %add3A_1144 = arith.constant 2944 : i32
    %add3A_1145 = arith.addi %mul3A_2, %add3A_1144 : i32
    %dma_start3A_1146 = arith.constant 5 : i32
    %dma_start3A_1147 = arith.constant 0 : i32
    %dma_start3A_1148 = arith.constant 0 : i32
    %dma_start3A_1149 = tpu.memref_slice %arg6[%dma_start3A_1146, %dma_start3A_1147, %dma_start3A_1148] : memref<6x128x128xf32, #tpu.memory_space<vmem>> -> memref<1x128x128xf32, #tpu.memory_space<vmem>>
    %dma_start3A_1150 = tpu.memref_squeeze %dma_start3A_1149 : memref<1x128x128xf32, #tpu.memory_space<vmem>> -> memref<128x128xf32, #tpu.memory_space<vmem>>
    %dma_start3A_1151 = tpu.memref_reshape %arg4 : memref<6x16384x128xf32, #tpu.memory_space<hbm>> -> memref<98304x128xf32, #tpu.memory_space<hbm>>
    %dma_start3A_1152 = arith.constant 0 : i32
    %dma_start3A_1153 = tpu.memref_slice %dma_start3A_1151[%add3A_1145, %dma_start3A_1152] : memref<98304x128xf32, #tpu.memory_space<hbm>> -> memref<128x128xf32, #tpu.memory_space<hbm>>
    %dma_start3A_1154 = tpu.memref_reshape %arg4 : memref<6x16384x128xf32, #tpu.memory_space<hbm>> -> memref<98304x128xf32, #tpu.memory_space<hbm>>
    %dma_start3A_1155 = arith.constant 0 : i32
    %dma_start3A_1156 = tpu.memref_slice %dma_start3A_1154[%add3A_1145, %dma_start3A_1155] : memref<98304x128xf32, #tpu.memory_space<hbm>> -> memref<128x128xf32, #tpu.memory_space<hbm>>
    %dma_start3A_1157 = arith.constant 0 : i32
    %dma_start3A_1158 = arith.constant 0 : i32
    %dma_start3A_1159 = tpu.memref_slice %arg6[%dma_start3A_1146, %dma_start3A_1157, %dma_start3A_1158] : memref<6x128x128xf32, #tpu.memory_space<vmem>> -> memref<1x128x128xf32, #tpu.memory_space<vmem>>
    %dma_start3A_1160 = tpu.memref_squeeze %dma_start3A_1159 : memref<1x128x128xf32, #tpu.memory_space<vmem>> -> memref<128x128xf32, #tpu.memory_space<vmem>>
    tpu.enqueue_dma source(%dma_start3A_1160 : memref<128x128xf32, #tpu.memory_space<vmem>>) target(%dma_start3A_1156 : memref<128x128xf32, #tpu.memory_space<hbm>>) target_semaphore(%arg9 : memref<!tpu.dma_semaphore, #tpu.memory_space<semaphore_mem>>)
    %dma_wait3A_1161 = arith.constant 0 : i32
    %dma_wait3A_1162 = arith.constant 0 : i32
    %dma_wait3A_1163 = arith.constant 0 : i32
    %dma_wait3A_1164 = tpu.memref_slice %arg6[%dma_wait3A_1161, %dma_wait3A_1162, %dma_wait3A_1163] : memref<6x128x128xf32, #tpu.memory_space<vmem>> -> memref<1x128x128xf32, #tpu.memory_space<vmem>>
    %dma_wait3A_1165 = tpu.memref_squeeze %dma_wait3A_1164 : memref<1x128x128xf32, #tpu.memory_space<vmem>> -> memref<128x128xf32, #tpu.memory_space<vmem>>
    %dma_wait3A_1166 = tpu.memref_reshape %arg4 : memref<6x16384x128xf32, #tpu.memory_space<hbm>> -> memref<98304x128xf32, #tpu.memory_space<hbm>>
    %dma_wait3A_1167 = arith.constant 0 : i32
    %dma_wait3A_1168 = tpu.memref_slice %dma_wait3A_1166[%add3A_1010, %dma_wait3A_1167] : memref<98304x128xf32, #tpu.memory_space<hbm>> -> memref<128x128xf32, #tpu.memory_space<hbm>>
    %dma_wait3A_1169 = tpu.memref_reshape %arg4 : memref<6x16384x128xf32, #tpu.memory_space<hbm>> -> memref<98304x128xf32, #tpu.memory_space<hbm>>
    %dma_wait3A_1170 = arith.constant 0 : i32
    %dma_wait3A_1171 = tpu.memref_slice %dma_wait3A_1169[%add3A_1010, %dma_wait3A_1170] : memref<98304x128xf32, #tpu.memory_space<hbm>> -> memref<128x128xf32, #tpu.memory_space<hbm>>
    %dma_wait3A_1172 = arith.constant 0 : i32
    %dma_wait3A_1173 = arith.constant 0 : i32
    %dma_wait3A_1174 = tpu.memref_slice %arg6[%dma_wait3A_1161, %dma_wait3A_1172, %dma_wait3A_1173] : memref<6x128x128xf32, #tpu.memory_space<vmem>> -> memref<1x128x128xf32, #tpu.memory_space<vmem>>
    %dma_wait3A_1175 = tpu.memref_squeeze %dma_wait3A_1174 : memref<1x128x128xf32, #tpu.memory_space<vmem>> -> memref<128x128xf32, #tpu.memory_space<vmem>>
    tpu.wait_dma2 semaphore(%arg9 : memref<!tpu.dma_semaphore, #tpu.memory_space<semaphore_mem>>) src(%dma_wait3A_1175 : memref<128x128xf32, #tpu.memory_space<vmem>>) dst(%dma_wait3A_1171 : memref<128x128xf32, #tpu.memory_space<hbm>>)
    %dma_wait3A_1176 = arith.constant 1 : i32
    %dma_wait3A_1177 = arith.constant 0 : i32
    %dma_wait3A_1178 = arith.constant 0 : i32
    %dma_wait3A_1179 = tpu.memref_slice %arg6[%dma_wait3A_1176, %dma_wait3A_1177, %dma_wait3A_1178] : memref<6x128x128xf32, #tpu.memory_space<vmem>> -> memref<1x128x128xf32, #tpu.memory_space<vmem>>
    %dma_wait3A_1180 = tpu.memref_squeeze %dma_wait3A_1179 : memref<1x128x128xf32, #tpu.memory_space<vmem>> -> memref<128x128xf32, #tpu.memory_space<vmem>>
    %dma_wait3A_1181 = tpu.memref_reshape %arg4 : memref<6x16384x128xf32, #tpu.memory_space<hbm>> -> memref<98304x128xf32, #tpu.memory_space<hbm>>
    %dma_wait3A_1182 = arith.constant 0 : i32
    %dma_wait3A_1183 = tpu.memref_slice %dma_wait3A_1181[%add3A_1037, %dma_wait3A_1182] : memref<98304x128xf32, #tpu.memory_space<hbm>> -> memref<128x128xf32, #tpu.memory_space<hbm>>
    %dma_wait3A_1184 = tpu.memref_reshape %arg4 : memref<6x16384x128xf32, #tpu.memory_space<hbm>> -> memref<98304x128xf32, #tpu.memory_space<hbm>>
    %dma_wait3A_1185 = arith.constant 0 : i32
    %dma_wait3A_1186 = tpu.memref_slice %dma_wait3A_1184[%add3A_1037, %dma_wait3A_1185] : memref<98304x128xf32, #tpu.memory_space<hbm>> -> memref<128x128xf32, #tpu.memory_space<hbm>>
    %dma_wait3A_1187 = arith.constant 0 : i32
    %dma_wait3A_1188 = arith.constant 0 : i32
    %dma_wait3A_1189 = tpu.memref_slice %arg6[%dma_wait3A_1176, %dma_wait3A_1187, %dma_wait3A_1188] : memref<6x128x128xf32, #tpu.memory_space<vmem>> -> memref<1x128x128xf32, #tpu.memory_space<vmem>>
    %dma_wait3A_1190 = tpu.memref_squeeze %dma_wait3A_1189 : memref<1x128x128xf32, #tpu.memory_space<vmem>> -> memref<128x128xf32, #tpu.memory_space<vmem>>
    tpu.wait_dma2 semaphore(%arg9 : memref<!tpu.dma_semaphore, #tpu.memory_space<semaphore_mem>>) src(%dma_wait3A_1190 : memref<128x128xf32, #tpu.memory_space<vmem>>) dst(%dma_wait3A_1186 : memref<128x128xf32, #tpu.memory_space<hbm>>)
    %dma_wait3A_1191 = arith.constant 2 : i32
    %dma_wait3A_1192 = arith.constant 0 : i32
    %dma_wait3A_1193 = arith.constant 0 : i32
    %dma_wait3A_1194 = tpu.memref_slice %arg6[%dma_wait3A_1191, %dma_wait3A_1192, %dma_wait3A_1193] : memref<6x128x128xf32, #tpu.memory_space<vmem>> -> memref<1x128x128xf32, #tpu.memory_space<vmem>>
    %dma_wait3A_1195 = tpu.memref_squeeze %dma_wait3A_1194 : memref<1x128x128xf32, #tpu.memory_space<vmem>> -> memref<128x128xf32, #tpu.memory_space<vmem>>
    %dma_wait3A_1196 = tpu.memref_reshape %arg4 : memref<6x16384x128xf32, #tpu.memory_space<hbm>> -> memref<98304x128xf32, #tpu.memory_space<hbm>>
    %dma_wait3A_1197 = arith.constant 0 : i32
    %dma_wait3A_1198 = tpu.memref_slice %dma_wait3A_1196[%add3A_1064, %dma_wait3A_1197] : memref<98304x128xf32, #tpu.memory_space<hbm>> -> memref<128x128xf32, #tpu.memory_space<hbm>>
    %dma_wait3A_1199 = tpu.memref_reshape %arg4 : memref<6x16384x128xf32, #tpu.memory_space<hbm>> -> memref<98304x128xf32, #tpu.memory_space<hbm>>
    %dma_wait3A_1200 = arith.constant 0 : i32
    %dma_wait3A_1201 = tpu.memref_slice %dma_wait3A_1199[%add3A_1064, %dma_wait3A_1200] : memref<98304x128xf32, #tpu.memory_space<hbm>> -> memref<128x128xf32, #tpu.memory_space<hbm>>
    %dma_wait3A_1202 = arith.constant 0 : i32
    %dma_wait3A_1203 = arith.constant 0 : i32
    %dma_wait3A_1204 = tpu.memref_slice %arg6[%dma_wait3A_1191, %dma_wait3A_1202, %dma_wait3A_1203] : memref<6x128x128xf32, #tpu.memory_space<vmem>> -> memref<1x128x128xf32, #tpu.memory_space<vmem>>
    %dma_wait3A_1205 = tpu.memref_squeeze %dma_wait3A_1204 : memref<1x128x128xf32, #tpu.memory_space<vmem>> -> memref<128x128xf32, #tpu.memory_space<vmem>>
    tpu.wait_dma2 semaphore(%arg9 : memref<!tpu.dma_semaphore, #tpu.memory_space<semaphore_mem>>) src(%dma_wait3A_1205 : memref<128x128xf32, #tpu.memory_space<vmem>>) dst(%dma_wait3A_1201 : memref<128x128xf32, #tpu.memory_space<hbm>>)
    %dma_wait3A_1206 = arith.constant 3 : i32
    %dma_wait3A_1207 = arith.constant 0 : i32
    %dma_wait3A_1208 = arith.constant 0 : i32
    %dma_wait3A_1209 = tpu.memref_slice %arg6[%dma_wait3A_1206, %dma_wait3A_1207, %dma_wait3A_1208] : memref<6x128x128xf32, #tpu.memory_space<vmem>> -> memref<1x128x128xf32, #tpu.memory_space<vmem>>
    %dma_wait3A_1210 = tpu.memref_squeeze %dma_wait3A_1209 : memref<1x128x128xf32, #tpu.memory_space<vmem>> -> memref<128x128xf32, #tpu.memory_space<vmem>>
    %dma_wait3A_1211 = tpu.memref_reshape %arg4 : memref<6x16384x128xf32, #tpu.memory_space<hbm>> -> memref<98304x128xf32, #tpu.memory_space<hbm>>
    %dma_wait3A_1212 = arith.constant 0 : i32
    %dma_wait3A_1213 = tpu.memref_slice %dma_wait3A_1211[%add3A_1091, %dma_wait3A_1212] : memref<98304x128xf32, #tpu.memory_space<hbm>> -> memref<128x128xf32, #tpu.memory_space<hbm>>
    %dma_wait3A_1214 = tpu.memref_reshape %arg4 : memref<6x16384x128xf32, #tpu.memory_space<hbm>> -> memref<98304x128xf32, #tpu.memory_space<hbm>>
    %dma_wait3A_1215 = arith.constant 0 : i32
    %dma_wait3A_1216 = tpu.memref_slice %dma_wait3A_1214[%add3A_1091, %dma_wait3A_1215] : memref<98304x128xf32, #tpu.memory_space<hbm>> -> memref<128x128xf32, #tpu.memory_space<hbm>>
    %dma_wait3A_1217 = arith.constant 0 : i32
    %dma_wait3A_1218 = arith.constant 0 : i32
    %dma_wait3A_1219 = tpu.memref_slice %arg6[%dma_wait3A_1206, %dma_wait3A_1217, %dma_wait3A_1218] : memref<6x128x128xf32, #tpu.memory_space<vmem>> -> memref<1x128x128xf32, #tpu.memory_space<vmem>>
    %dma_wait3A_1220 = tpu.memref_squeeze %dma_wait3A_1219 : memref<1x128x128xf32, #tpu.memory_space<vmem>> -> memref<128x128xf32, #tpu.memory_space<vmem>>
    tpu.wait_dma2 semaphore(%arg9 : memref<!tpu.dma_semaphore, #tpu.memory_space<semaphore_mem>>) src(%dma_wait3A_1220 : memref<128x128xf32, #tpu.memory_space<vmem>>) dst(%dma_wait3A_1216 : memref<128x128xf32, #tpu.memory_space<hbm>>)
    %dma_wait3A_1221 = arith.constant 4 : i32
    %dma_wait3A_1222 = arith.constant 0 : i32
    %dma_wait3A_1223 = arith.constant 0 : i32
    %dma_wait3A_1224 = tpu.memref_slice %arg6[%dma_wait3A_1221, %dma_wait3A_1222, %dma_wait3A_1223] : memref<6x128x128xf32, #tpu.memory_space<vmem>> -> memref<1x128x128xf32, #tpu.memory_space<vmem>>
    %dma_wait3A_1225 = tpu.memref_squeeze %dma_wait3A_1224 : memref<1x128x128xf32, #tpu.memory_space<vmem>> -> memref<128x128xf32, #tpu.memory_space<vmem>>
    %dma_wait3A_1226 = tpu.memref_reshape %arg4 : memref<6x16384x128xf32, #tpu.memory_space<hbm>> -> memref<98304x128xf32, #tpu.memory_space<hbm>>
    %dma_wait3A_1227 = arith.constant 0 : i32
    %dma_wait3A_1228 = tpu.memref_slice %dma_wait3A_1226[%add3A_1118, %dma_wait3A_1227] : memref<98304x128xf32, #tpu.memory_space<hbm>> -> memref<128x128xf32, #tpu.memory_space<hbm>>
    %dma_wait3A_1229 = tpu.memref_reshape %arg4 : memref<6x16384x128xf32, #tpu.memory_space<hbm>> -> memref<98304x128xf32, #tpu.memory_space<hbm>>
    %dma_wait3A_1230 = arith.constant 0 : i32
    %dma_wait3A_1231 = tpu.memref_slice %dma_wait3A_1229[%add3A_1118, %dma_wait3A_1230] : memref<98304x128xf32, #tpu.memory_space<hbm>> -> memref<128x128xf32, #tpu.memory_space<hbm>>
    %dma_wait3A_1232 = arith.constant 0 : i32
    %dma_wait3A_1233 = arith.constant 0 : i32
    %dma_wait3A_1234 = tpu.memref_slice %arg6[%dma_wait3A_1221, %dma_wait3A_1232, %dma_wait3A_1233] : memref<6x128x128xf32, #tpu.memory_space<vmem>> -> memref<1x128x128xf32, #tpu.memory_space<vmem>>
    %dma_wait3A_1235 = tpu.memref_squeeze %dma_wait3A_1234 : memref<1x128x128xf32, #tpu.memory_space<vmem>> -> memref<128x128xf32, #tpu.memory_space<vmem>>
    tpu.wait_dma2 semaphore(%arg9 : memref<!tpu.dma_semaphore, #tpu.memory_space<semaphore_mem>>) src(%dma_wait3A_1235 : memref<128x128xf32, #tpu.memory_space<vmem>>) dst(%dma_wait3A_1231 : memref<128x128xf32, #tpu.memory_space<hbm>>)
    %dma_wait3A_1236 = arith.constant 5 : i32
    %dma_wait3A_1237 = arith.constant 0 : i32
    %dma_wait3A_1238 = arith.constant 0 : i32
    %dma_wait3A_1239 = tpu.memref_slice %arg6[%dma_wait3A_1236, %dma_wait3A_1237, %dma_wait3A_1238] : memref<6x128x128xf32, #tpu.memory_space<vmem>> -> memref<1x128x128xf32, #tpu.memory_space<vmem>>
    %dma_wait3A_1240 = tpu.memref_squeeze %dma_wait3A_1239 : memref<1x128x128xf32, #tpu.memory_space<vmem>> -> memref<128x128xf32, #tpu.memory_space<vmem>>
    %dma_wait3A_1241 = tpu.memref_reshape %arg4 : memref<6x16384x128xf32, #tpu.memory_space<hbm>> -> memref<98304x128xf32, #tpu.memory_space<hbm>>
    %dma_wait3A_1242 = arith.constant 0 : i32
    %dma_wait3A_1243 = tpu.memref_slice %dma_wait3A_1241[%add3A_1145, %dma_wait3A_1242] : memref<98304x128xf32, #tpu.memory_space<hbm>> -> memref<128x128xf32, #tpu.memory_space<hbm>>
    %dma_wait3A_1244 = tpu.memref_reshape %arg4 : memref<6x16384x128xf32, #tpu.memory_space<hbm>> -> memref<98304x128xf32, #tpu.memory_space<hbm>>
    %dma_wait3A_1245 = arith.constant 0 : i32
    %dma_wait3A_1246 = tpu.memref_slice %dma_wait3A_1244[%add3A_1145, %dma_wait3A_1245] : memref<98304x128xf32, #tpu.memory_space<hbm>> -> memref<128x128xf32, #tpu.memory_space<hbm>>
    %dma_wait3A_1247 = arith.constant 0 : i32
    %dma_wait3A_1248 = arith.constant 0 : i32
    %dma_wait3A_1249 = tpu.memref_slice %arg6[%dma_wait3A_1236, %dma_wait3A_1247, %dma_wait3A_1248] : memref<6x128x128xf32, #tpu.memory_space<vmem>> -> memref<1x128x128xf32, #tpu.memory_space<vmem>>
    %dma_wait3A_1250 = tpu.memref_squeeze %dma_wait3A_1249 : memref<1x128x128xf32, #tpu.memory_space<vmem>> -> memref<128x128xf32, #tpu.memory_space<vmem>>
    tpu.wait_dma2 semaphore(%arg9 : memref<!tpu.dma_semaphore, #tpu.memory_space<semaphore_mem>>) src(%dma_wait3A_1250 : memref<128x128xf32, #tpu.memory_space<vmem>>) dst(%dma_wait3A_1246 : memref<128x128xf32, #tpu.memory_space<hbm>>)
    return
  }
}

</mosaic_0001>

<sc_bundles>
// kernel: kernel.3.cloned.1.call-start
scs
__scs_entry_jumppad:
0x0: {  	(pc) =	sbr.rel $0x88, $3  }
0x1: {  	(tag) =	ssettag $0x0;
	lr =	simm.s32 $0x1  }
0x2: {  	[smem:$0x3F9F] =	sst lr;
	_ =	strace $0xD0000000  }
0x3: {  	_ = 	snop  }
0x4: {  	_ = 	snop  }
0x5: {  	_ = 	snop  }
0x6: {  	_ = 	snop  }
0x7: {  	_ = 	snop  }
__scs_overlays_trampoline_lowered:
0x8: {  	[smem:$0x3FAE] =	sst s0  }
0x9: {  	[smem:$0x3FAF] =	sst s1  }
0xa: {  	[smem:$0x3FB0] =	sst s2  }
0xb: {  	[smem:$0x3FB1] =	sst s3  }
0xc: {  	[smem:$0x3FB2] =	sst s4  }
0xd: {  	[smem:$0x3FB3] =	sst s5  }
0xe: {  	[smem:$0x3FB4] =	sst s6  }
0xf: {  	[smem:$0x3FB5] =	sst s7  }
0x10: {  	[smem:$0x3FB6] =	sst s8  }
0x11: {  	[smem:$0x3FB7] =	sst s9;
	s0 =	simm.s32 @!p0 $0x0  }
0x12: {  	s1 =	sld [smem:$0x3F9D];
	s0 =	simm.s32 @p0 $0x1  }
0x13: {  	[smem:$0x3FB8] =	sst s0;
	s0 =	simm.s32 @!p1 $0x0  }
0x14: {  	s2 =	sld [smem:$0x3F9C];
	s0 =	simm.s32 @p1 $0x1  }
0x15: {  	[smem:$0x3FB9] =	sst s0;
	s0 =	simm.s32 @!p2 $0x0  }
0x16: {  	s3 =	sld [smem:$0x3FDB];
	s0 =	simm.s32 @p2 $0x1  }
0x17: {  	s4 =	simm.s32 $0x1BF5;
	[smem:$0x3FBB] =	sst s0  }
0x18: {  	s0 =	sld [smem:$0x3F9E];
	_ =	swait.ge [sflag:s4], $0x0  }
0x19: {  	s7 =	sld [smem:$0x3F9F]  }
0x1a: {  	s8 =	sadd.s32 $0xFFFFE003, lr  }
0x1b: {  	s9 =	sadd.s32 $0xFFFFFEF7, lr;
	s5 =	simm.s32 $0xFFFFFFFF;
	p2 =	slt.u32 s8, $0xFFFFF086  }
0x1c: {  	p1 =	slt.u32 s9, $0xF7A;
	s5 =	simm.s32 @!p2 $0x0  }
0x1d: {  	s5 =	simm.s32 @p1 $0x1;
	p0 =	seq.s32 s7, s2  }
0x1e: {  	s7 =	smul.u32 @!p0 $0xF7A, s2;
	p2 =	seq.s32 @!p0 s5, $0x0  }
0x1f: {  	s9 =	smul.u32 $0xF7A, s1;
	s8 =	simm.s32 @!p0 $0x1BF5;
	p2 =	por !p2, p0  }
0x20: {  	[sflag:s8] =	ssyncset.s32 @!p0 $0xFFFFF086;
	s6 =	sadd.s32 @!p0 s3, s7;
	s7 =	simm.s32 @!p0 $0x108  }
0x21: {  	s3 =	sadd.s32 s3, s9;
	s6 =	sadd.s32 @!p0 $0x88, s6;
	s7 =	simm.s32 @p2 $0x1082  }
0x22: {  	[simem:s7], [sflag:s8] =	dma.local @!p0 [hbm:s6], $0xF7A  }
0x23: {  	s9 =	sor.u32 $0xD0000000, s2;
	s6 =	simm.s32 $0x108;
	_ =	swait.ge @!p0 [sflag:s8], $0x0  }
0x24: {  	s3 =	sadd.s32 $0x88, s3;
	s6 =	simm.s32 @!p1 $0x1082;
	[sflag:s4] =	ssyncset.s32 $0xFFFFF086  }
0x25: {  	[simem:s6], [sflag:s4] =	dma.local [hbm:s3], $0xF7A  }
0x26: {  	[smem:$0x3F9F] =	sst s1;
	(tag) =	ssettag s2;
	_ =	strace s9  }
0x27: {  	s1 =	sld [smem:$0x3FAF]  }
0x28: {  	s2 =	sld [smem:$0x3FB0]  }
0x29: {  	s4 =	sld [smem:$0x3FB2]  }
0x2a: {  	p0 =	seq.s32 s5, $0x0;
	s5 =	sld [smem:$0x3FB3]  }
0x2b: {  	s6 =	sld [smem:$0x3FB4]  }
0x2c: {  	s7 =	sld [smem:$0x3FB5]  }
0x2d: {  	s3 =	simm.s32 $0x108;
	s8 =	sld [smem:$0x3FB6]  }
0x2e: {  	s3 =	simm.s32 @!p0 $0x1082;
	s9 =	sld [smem:$0x3FB7]  }
0x2f: {  	lr =	sadd.s32 s0, s3;
	s0 =	sld [smem:$0x3FAE]  }
0x30: {  	s3 =	sld [smem:$0x3FB1]  }
0x31: {  	[smem:$0x3FBA] =	sst s10  }
0x32: {  	s10 =	sld [smem:$0x3FB8];
	_ =	sdelay $0x3  }
0x33: {  	p0 =	seq.s32 s10, $0x1;
	s10 =	sld [smem:$0x3FBA];
	_ =	sdelay $0x3  }
0x34: {  	[smem:$0x3FBA] =	sst s10  }
0x35: {  	s10 =	sld [smem:$0x3FB9];
	_ =	sdelay $0x3  }
0x36: {  	p1 =	seq.s32 s10, $0x1;
	s10 =	sld [smem:$0x3FBA];
	_ =	sdelay $0x3  }
0x37: {  	[smem:$0x3FBA] =	sst s10  }
0x38: {  	s10 =	sld [smem:$0x3FBB]  }
0x39: {  	_ = 	snop;
	(pc) =	sbr.ind lr, $3  }
0x3a: {  	_ = 	snop  }
0x3b: {  	_ = 	snop  }
0x3c: {  	p2 =	seq.s32 s10, $0x1;
	s10 =	sld [smem:$0x3FBA]  }
0x3d: {  	_ =	shalt  }
0x3e: {  	_ =	shalt  }
0x3f: {  	_ =	shalt  }
0x40: {  	_ =	shalt  }
0x41: {  	_ =	shalt  }
0x42: {  	_ =	shalt  }
0x43: {  	_ =	shalt  }
0x44: {  	_ =	shalt  }
0x45: {  	_ =	shalt  }
0x46: {  	_ =	shalt  }
0x47: {  	_ =	shalt  }
0x48: {  	_ =	shalt  }
0x49: {  	_ =	shalt  }
0x4a: {  	_ =	shalt  }
0x4b: {  	_ =	shalt  }
0x4c: {  	_ =	shalt  }
0x4d: {  	_ =	shalt  }
0x4e: {  	_ =	shalt  }
0x4f: {  	_ =	shalt  }
0x50: {  	_ =	shalt  }
0x51: {  	_ =	shalt  }
0x52: {  	_ =	shalt  }
0x53: {  	_ =	shalt  }
0x54: {  	_ =	shalt  }
0x55: {  	_ =	shalt  }
0x56: {  	_ =	shalt  }
0x57: {  	_ =	shalt  }
0x58: {  	_ =	shalt  }
0x59: {  	_ =	shalt  }
0x5a: {  	_ =	shalt  }
0x5b: {  	_ =	shalt  }
0x5c: {  	_ =	shalt  }
0x5d: {  	_ =	shalt  }
0x5e: {  	_ =	shalt  }
0x5f: {  	_ =	shalt  }
0x60: {  	_ =	shalt  }
0x61: {  	_ =	shalt  }
0x62: {  	_ =	shalt  }
0x63: {  	_ =	shalt  }
0x64: {  	_ =	shalt  }
0x65: {  	_ =	shalt  }
0x66: {  	_ =	shalt  }
0x67: {  	_ =	shalt  }
0x68: {  	_ =	shalt  }
0x69: {  	_ =	shalt  }
0x6a: {  	_ =	shalt  }
0x6b: {  	_ =	shalt  }
0x6c: {  	_ =	shalt  }
0x6d: {  	_ =	shalt  }
0x6e: {  	_ =	shalt  }
0x6f: {  	_ =	shalt  }
0x70: {  	_ =	shalt  }
0x71: {  	_ =	shalt  }
0x72: {  	_ =	shalt  }
0x73: {  	_ =	shalt  }
0x74: {  	_ =	shalt  }
0x75: {  	_ =	shalt  }
0x76: {  	_ =	shalt  }
0x77: {  	_ =	shalt  }
0x78: {  	_ =	shalt  }
0x79: {  	_ =	shalt  }
0x7a: {  	_ =	shalt  }
0x7b: {  	_ =	shalt  }
0x7c: {  	_ =	shalt  }
0x7d: {  	_ =	shalt  }
0x7e: {  	_ =	shalt  }
0x7f: {  	_ =	shalt  }
0x80: {  	_ =	shalt  }
0x81: {  	_ =	shalt  }
0x82: {  	_ =	shalt  }
0x83: {  	_ =	shalt  }
0x84: {  	_ =	shalt  }
0x85: {  	_ =	shalt  }
0x86: {  	_ =	shalt  }
0x87: {  	_ =	shalt  }
.Lfunc_end0:
.L_simem_size_0:
called_computation_lowered:
.L_overlay_start_0:
0x88: {  	s2 =	sld [smem:$0x3FD9]  }
0x89: {  	s3 =	sld [smem:$0x3FFE];
	_ =	sdelay $0x1  }
0x8a: {  	s1 =	srdreg.scid  }
0x8b: {  	s0 =	sand.u32 $0x1, s1  }
0x8c: {  	s17 =	sshll.u32 s0, $0xA;
	s2 =	sadd.s32 s3, s2  }
0x8d: {  	s2 =	sadd.s32 s2, s17  }
0x8e: {  	[smem:$0x3FC6] =	sst s2  }
0x8f: {  	_ = 	snop  }
0x90: {  	s2 =	sld [smem:$0x3FC8]  }
0x91: {  	s18 =	sld [smem:$0x3FD0];
	(tm) =	ssettm $0x1  }
0x92: {  	s4 =	sld [smem:$0x3FFB];
	_ =	sdelay $0x3  }
0x93: {  	_ =	strace s4  }
0x94: {  	s4 =	sld [smem:$0x3FFC];
	_ =	sdelay $0x3  }
0x95: {  	_ =	strace s4  }
0x96: {  	s4 =	sld [smem:$0x3FFD];
	_ =	sdelay $0x3  }
0x97: {  	_ =	strace s4  }
0x98: {  	_ =	strace $0x8FFFFFFF  }
0x99: {  	s19 =	sld [smem:$0x3FDB];
	_ =	sdelay $0x1  }
0x9a: {  	s5 =	simm.s32 $_scs_section_size  }
0x9b: {  	s6 =	simm.s32 $_size__tile_overlayer_lowered;
	s7 =	simm.s32 $_tile_overlayer_lowered  }
0x9c: {  	s22 =	simm.s32 $0x1BFF;
	s21 =	sshll.u32 s7, $0x1;
	s4 =	sadd.s32 s5, s19  }
0x9d: {  	s8 =	simm.s32 $0x0;
	s20 =	sshll.u32 s6, $0x1;
	s6 =	sadd.s32 s21, s4  }
0x9e: {  	[timem:s8], [sflag:s22] =	dma.local [hbm:s6], s20  }
0x9f: {  	_ =	swait.ge [sflag:s22], s20  }
0xa0: {  	s5 =	ssub.s32 $0x0, s20;
	[sflag:s22] =	ssyncset.done $0x0  }
0xa1: {  	[sflag:s22] =	ssyncadd.s32 s5;
	_ =	sdelay $0x1  }
0xa2: {  	s23 =	simm.s32 $0x1B8B  }
0xa3: {  	_ =	swait.ge [sflag:s23], $0x1  }
0xa4: {  	[sflag:s23] =	ssyncset.done $0x0  }
0xa5: {  	s25 =	simm.s32 $0x1B8E;
	s24 =	sld [smem:$0x3FFE];
	[sflag:s23] =	ssyncadd.s32 $0xFFFFFFFF  }
0xa6: {  	s26 =	simm.s32 $execute0_lowered;
	[smem:$0x3FD2] =	sst s25  }
0xa7: {  	s6 =	sshll.u32 s26, $0x1;
	_ =	strace $0x80000046;
	[dreg:$0x1] =	wrdreg $0xFFFFFFFF  }
0xa8: {  	s28 =	simm.s32 $_size_execute0_lowered;
	s4 =	sadd.s32 s4, s6;
	[dreg:$0x0] =	wrdreg $0x0  }
0xa9: {  	s6 =	sshll.u32 s28, $0x1;
	[dreg:$0x2] =	wrdreg s4  }
0xaa: {  	[dreg:$0x3] =	wrdreg s6  }
0xab: {  	[dreg:$0x4] =	wrdreg $0xC0  }
0xac: {  	_ =	task [dreg:s8], $0x5FFFF  }
0xad: {  	[dreg:$0x1] =	wrdreg $0xFFFFFFFF  }
0xae: {  	[dreg:$0x0] =	wrdreg $0x60  }
0xaf: {  	[dreg:$0x2] =	wrdreg s24  }
0xb0: {  	[dreg:$0x3] =	wrdreg s2  }
0xb1: {  	[dreg:$0x4] =	wrdreg s18  }
0xb2: {  	[dreg:$0x5] =	wrdreg $0x18C000  }
0xb3: {  	[dreg:$0x6] =	wrdreg $0x9  }
0xb4: {  	_ =	task.clear_ibuf [dreg:s8], $0x7FFFF;
	_ =	strace $0x90000046  }
0xb5: {  	s29 =	simm.s32 $0x9;
	_ =	strace $0x80000048  }
0xb6: {  	_ =	swait.ge [sflag:s29], $0x1  }
0xb7: {  	[sflag:s29] =	ssyncadd.s32 $0xFFFFFFFF  }
0xb8: {  	_ =	strace $0x90000048  }
0xb9: {  	_ =	sfence  }
0xba: {  	s30 =	sld [smem:$0x0];
	_ =	sdelay $0x2  }
0xbb: {  	s31 =	sshll.u32 s1, $0xD;
	s1 =	sshrl.u32 s1, $0x2  }
0xbc: {  	s3 =	sand.u32 $0x4000, s31;
	s1 =	sadd.s32 s1, s30  }
0xbd: {  	s0 =	sor.u32 s3, s0;
	s1 =	sshll.u32 s1, $0x11  }
0xbe: {  	s0 =	sor.u32 s1, s0  }
0xbf: {  	s0 =	sadd.s32 $0x8F2B, s0  }
0xc0: {  	[sflag:s0] =	ssyncadd.remote.s32 $0x1  }
0xc1: {  	_ =	sfence.sel $0xFFFF  }
0xc2: {  	[dreg:$0x0] =	wrdreg $0xFFFFFFFF;
	(pc) =	sbr.abs _section_cstart, $3  }
0xc3: {  	[dreg:$0x1] =	wrdreg $0xFFFFFFFF  }
0xc4: {  	_ =	task.clear_ibuf [dreg:s8], $0x2FFFF;
	_ =	strace $0x9FFFFFFF  }
0xc5: {  	(tm) =	ssettm $0x7FFFFFFF  }
tec
execute0_lowered:
.L_overlay_start_1:
0x0: {  	(tag) =	ssettag $0x1  }
0x1: {  	s0 =	rddreg [dreg:$0x0]  }
0x2: {  	s2 =	srdreg.scid;
	s3 =	stileid.u32  }
0x3: {  	s1 =	rddreg [dreg:$0x1];
	s4 =	sand.u32 $0x1, s2;
	s10 =	sshll.u32 s3, $0x1  }
0x4: {  	s5 =	rddreg [dreg:$0x2];
	s6 =	sor.u32 s4, s10  }
0x5: {  	s29 =	rddreg [dreg:$0x4];
	s7 =	smul.u32 $0x180, s6  }
0x6: {  	[dreg:$0x5] =	wrdreg s1;
	s8 =	smul.u32 $0xC000, s6  }
0x7: {  	s2 =	rddreg [dreg:$0x3];
	s1 =	simm.s32 $0x0;
	s0 =	sadd.s32 s7, s0  }
0x8: {  	[smem:$0x7FF] =	sst s1;
	s21 =	sadd.s32 s5, s8;
	s0 =	sadd.s32 $0x400, s0  }
0x9: {  	_ =	strace $0x80000047;
	s11 =	sadd.s32 $0x800, s21;
	[dreg:$0x6] =	wrdreg s0  }
0xa: {  	s12 =	sadd.s32 $0x1000, s21;
	[dreg:$0x7] =	wrdreg s11  }
0xb: {  	s13 =	sadd.s32 $0x1800, s21;
	[dreg:$0x8] =	wrdreg s12  }
0xc: {  	s14 =	sadd.s32 $0x2000, s21;
	[dreg:$0x9] =	wrdreg s13  }
0xd: {  	s6 =	smul.u32 $0x60000, s6;
	s15 =	sadd.s32 $0x2800, s21;
	[dreg:$0xa] =	wrdreg s14  }
0xe: {  	s16 =	sadd.s32 $0x3000, s21;
	[dreg:$0xb] =	wrdreg s15  }
0xf: {  	s6 =	sshrl.u32 s6, $0x3;
	s17 =	sadd.s32 $0x3800, s21;
	[dreg:$0xc] =	wrdreg s16  }
0x10: {  	s5 =	sadd.s32 s5, s6;
	[dreg:$0xd] =	wrdreg s17  }
0x11: {  	s18 =	sadd.s32 $0x4000, s5;
	s0 =	rddreg [dreg:$0x5]  }
0x12: {  	s19 =	sadd.s32 $0x4800, s5;
	[dreg:$0xe] =	wrdreg s18  }
0x13: {  	s20 =	sadd.s32 $0x5000, s5;
	[dreg:$0xf] =	wrdreg s19  }
0x14: {  	s22 =	sadd.s32 $0x5800, s5;
	[dreg:$0x10] =	wrdreg s20  }
0x15: {  	p1 =	por $0x0, $0x0;
	s23 =	sadd.s32 $0x6000, s5;
	[dreg:$0x11] =	wrdreg s22  }
0x16: {  	p0 =	sne.s32 s3, $0x0;
	s24 =	sadd.s32 $0x6800, s5;
	[dreg:$0x12] =	wrdreg s23  }
0x17: {  	s3 =	simm.s32 $0x2;
	s25 =	sadd.s32 $0x7000, s5;
	[dreg:$0x13] =	wrdreg s24  }
0x18: {  	s4 =	ssub.s32 $0x2, s4;
	s26 =	sadd.s32 $0x7800, s5;
	[dreg:$0x14] =	wrdreg s25  }
0x19: {  	s28 =	sshrl.u32 @!p0 s2, $0x3;
	s30 =	sadd.s32 $0x8000, s5;
	[dreg:$0x15] =	wrdreg s26  }
0x1a: {  	s31 =	sadd.s32 $0x8800, s5;
	s6 =	sadd.s32 $0x9000, s5;
	[dreg:$0x16] =	wrdreg s30  }
0x1b: {  	s7 =	sadd.s32 $0x9800, s5;
	s8 =	sadd.s32 $0xA000, s5;
	[dreg:$0x17] =	wrdreg s31  }
0x1c: {  	s9 =	sadd.s32 $0xA800, s5;
	s10 =	sadd.s32 $0xB000, s5;
	[dreg:$0x18] =	wrdreg s6  }
0x1d: {  	s11 =	sshrl.u32 s4, $0x1;
	s12 =	sadd.s32 $0xB800, s5;
	[dreg:$0x19] =	wrdreg s7  }
0x1e: {  	s5 =	simm.s32 $0x10C00;
	s17 =	simm.s32 $0x900;
	[dreg:$0x1a] =	wrdreg s8  }
0x1f: {  	s16 =	simm.s32 $0x980;
	s15 =	simm.s32 $0xA00;
	[dreg:$0x1b] =	wrdreg s9  }
0x20: {  	s14 =	simm.s32 $0xA80;
	[dreg:$0x1c] =	wrdreg s10;
	s4 =	ssub.s32 s4, s11  }
0x21: {  	[dreg:$0x1d] =	wrdreg s12;
	s19 =	simm.s32 $0x100;
	s26 =	simm.s32 $0x3  }
0x22: {  	s20 =	simm.s32 $0x180;
	s11 =	simm.s32 $0x80;
	s22 =	simm.s32 $0x200  }
0x23: {  	s10 =	simm.s32 $0xC00;
	s23 =	simm.s32 $0x280;
	[dreg:$0x1e] =	wrdreg s19  }
0x24: {  	s9 =	simm.s32 $0x4C00;
	s24 =	simm.s32 $0x300;
	[dreg:$0x1f] =	wrdreg s20  }
0x25: {  	s8 =	simm.s32 $0x8C00;
	s25 =	simm.s32 $0x380;
	[smem:$0x7F7] =	sst s22  }
0x26: {  	s12 =	simm.s32 $0x500;
	s13 =	smax.u32 s4, $0x1;
	[smem:$0x7F8] =	sst s23  }
0x27: {  	s6 =	simm.s32 $0xCC00;
	[smem:$0x7FD] =	sst s12;
	s12 =	sadd.s32 $0xFFFFFFFF, s13  }
0x28: {  	s30 =	simm.s32 $0x400;
	[smem:$0x7F9] =	sst s24;
	p2 =	sne.s32 s12, $0x0  }
.Ltmp0:
0x29: {  	s31 =	simm.s32 $0x480;
	[smem:$0x7FA] =	sst s25;
	(pc) =	sbr.rel @!p2 .LBB2_1-.Ltmp0, $4  }
0x2a: {  	s7 =	simm.s32 $0x1;
	s18 =	simm.s32 $0x880;
	[smem:$0x7FB] =	sst s30  }
0x2b: {  	s4 =	simm.s32 $0x14C00;
	[smem:$0x7FC] =	sst s31;
	s25 =	simm.s32 $0x580  }
0x2c: {  	s24 =	simm.s32 $0x600;
	s23 =	simm.s32 $0x680;
	s22 =	simm.s32 $0x700  }
0x2d: {  	s20 =	simm.s32 $0x780;
	s19 =	simm.s32 $0x800;
	s13 =	simm.s32 $0xB00  }
0x2e: {  	s29 =	simm.s32 @!p0 $0x1C03;
	s30 =	simm.s32 @!p0 $0x3  }
0x2f: {  	[spmem:s28], [sflag:s29] =	dma.local @!p0 [hbm:s0], $0x80  }
0x30: {  	_ =	swait.ge @!p0 [sflag:s30], $0x80  }
0x31: {  	[sflag:s30] =	ssyncset.done @!p0 $0x0  }
0x32: {  	s0 =	rddreg [dreg:$0x6];
	[sflag:s30] =	ssyncadd.s32 @!p0 $0xFFFFFF80  }
0x33: {  	[tilespmem:s1], [sflag:$0x3] =	stream.linear.gather [hbm4b:s0+s1], $0xC00, $0x38;
	[tilespmem:$0x18C40] =	vst v63  }
0x34: {  	_ =	swait.ge [sflag:s26], $0xC00  }
0x35: {  	[sflag:s26] =	ssyncset.done $0x0  }
0x36: {  	[sflag:s26] =	ssyncadd.s32 $0xFFFFF400  }
0x37: {  	[bflag:$0x0] =	sbarrier.arrive $0xFFFF  }
0x38: {  	[tilespmem:s10], [sflag:$0x1] =	stream.indirect.gather [spmem:s2], $0x80, s1, s11, $0xb8;
	[tilespmem:$0x18C40] =	vst v63  }
0x39: {  	s0 =	rddreg [dreg:$0x1e]  }
0x3a: {  	[tilespmem:s9], [sflag:$0x1] =	stream.indirect.gather [spmem:s2], $0x80, s11, s11, $0xb8;
	[tilespmem:$0x18C40] =	vst v63  }
0x3b: {  	s31 =	rddreg [dreg:$0x1f]  }
0x3c: {  	[tilespmem:s8], [sflag:$0x1] =	stream.indirect.gather [spmem:s2], $0x80, s0, s11, $0xb8;
	[tilespmem:$0x18C40] =	vst v63  }
0x3d: {  	s0 =	sld [smem:$0x7F7]  }
0x3e: {  	[tilespmem:s6], [sflag:$0x1] =	stream.indirect.gather [spmem:s2], $0x80, s31, s11, $0xb8;
	[tilespmem:$0x18C40] =	vst v63  }
0x3f: {  	s31 =	sld [smem:$0x7F8]  }
0x40: {  	[tilespmem:s5], [sflag:$0x1] =	stream.indirect.gather [spmem:s2], $0x80, s0, s11, $0xb8;
	[tilespmem:$0x18C40] =	vst v63  }
0x41: {  	_ = 	snop  }
0x42: {  	[tilespmem:s4], [sflag:$0x1] =	stream.indirect.gather [spmem:s2], $0x80, s31, s11, $0xb8;
	[tilespmem:$0x18C40] =	vst v63  }
0x43: {  	_ =	swait.ge [sflag:s7], $0x4000  }
0x44: {  	[sflag:s7] =	ssyncset.done $0x0  }
0x45: {  	[sflag:s7] =	ssyncadd.s32 $0xFFFFC000  }
0x46: {  	[hbm4b:s21+s1] =	stream.linear.scatter [tilespmem:s10], [sflag:$0x2], $0x4000, $0x38;
	[tilespmem:$0x18C40] =	vst v63  }
0x47: {  	_ =	swait.ge [sflag:s3], $0x4000  }
0x48: {  	s0 =	sld [smem:$0x7F9]  }
0x49: {  	[sflag:s3] =	ssyncset.done $0x0  }
0x4a: {  	[sflag:s3] =	ssyncadd.s32 $0xFFFFC000  }
0x4b: {  	[tilespmem:s10], [sflag:$0x1] =	stream.indirect.gather [spmem:s2], $0x80, s0, s11, $0xb8;
	[tilespmem:$0x18C40] =	vst v63  }
0x4c: {  	_ =	swait.ge [sflag:s7], $0x4000  }
0x4d: {  	[sflag:s7] =	ssyncset.done $0x0  }
0x4e: {  	s0 =	rddreg [dreg:$0x7];
	[sflag:s7] =	ssyncadd.s32 $0xFFFFC000  }
0x4f: {  	[hbm4b:s0+s1] =	stream.linear.scatter [tilespmem:s9], [sflag:$0x2], $0x4000, $0x38;
	[tilespmem:$0x18C40] =	vst v63  }
0x50: {  	_ =	swait.ge [sflag:s3], $0x4000  }
0x51: {  	s0 =	sld [smem:$0x7FA]  }
0x52: {  	[sflag:s3] =	ssyncset.done $0x0  }
0x53: {  	[sflag:s3] =	ssyncadd.s32 $0xFFFFC000  }
0x54: {  	[tilespmem:s9], [sflag:$0x1] =	stream.indirect.gather [spmem:s2], $0x80, s0, s11, $0xb8;
	[tilespmem:$0x18C40] =	vst v63  }
0x55: {  	_ =	swait.ge [sflag:s7], $0x4000  }
0x56: {  	[sflag:s7] =	ssyncset.done $0x0  }
0x57: {  	s0 =	rddreg [dreg:$0x8];
	[sflag:s7] =	ssyncadd.s32 $0xFFFFC000  }
0x58: {  	[hbm4b:s0+s1] =	stream.linear.scatter [tilespmem:s8], [sflag:$0x2], $0x4000, $0x38;
	[tilespmem:$0x18C40] =	vst v63  }
0x59: {  	_ =	swait.ge [sflag:s3], $0x4000  }
0x5a: {  	s0 =	sld [smem:$0x7FB]  }
0x5b: {  	[sflag:s3] =	ssyncset.done $0x0  }
0x5c: {  	[sflag:s3] =	ssyncadd.s32 $0xFFFFC000  }
0x5d: {  	[tilespmem:s8], [sflag:$0x1] =	stream.indirect.gather [spmem:s2], $0x80, s0, s11, $0xb8;
	[tilespmem:$0x18C40] =	vst v63  }
0x5e: {  	_ =	swait.ge [sflag:s7], $0x4000  }
0x5f: {  	[sflag:s7] =	ssyncset.done $0x0  }
0x60: {  	s0 =	rddreg [dreg:$0x9];
	[sflag:s7] =	ssyncadd.s32 $0xFFFFC000  }
0x61: {  	[hbm4b:s0+s1] =	stream.linear.scatter [tilespmem:s6], [sflag:$0x2], $0x4000, $0x38;
	[tilespmem:$0x18C40] =	vst v63  }
0x62: {  	_ =	swait.ge [sflag:s3], $0x4000  }
0x63: {  	s0 =	sld [smem:$0x7FC]  }
0x64: {  	[sflag:s3] =	ssyncset.done $0x0  }
0x65: {  	[sflag:s3] =	ssyncadd.s32 $0xFFFFC000  }
0x66: {  	[tilespmem:s6], [sflag:$0x1] =	stream.indirect.gather [spmem:s2], $0x80, s0, s11, $0xb8;
	[tilespmem:$0x18C40] =	vst v63  }
0x67: {  	_ =	swait.ge [sflag:s7], $0x4000  }
0x68: {  	[sflag:s7] =	ssyncset.done $0x0  }
0x69: {  	s0 =	rddreg [dreg:$0xa];
	[sflag:s7] =	ssyncadd.s32 $0xFFFFC000  }
0x6a: {  	[hbm4b:s0+s1] =	stream.linear.scatter [tilespmem:s5], [sflag:$0x2], $0x4000, $0x38;
	[tilespmem:$0x18C40] =	vst v63  }
0x6b: {  	_ =	swait.ge [sflag:s3], $0x4000  }
0x6c: {  	s0 =	sld [smem:$0x7FD]  }
0x6d: {  	[sflag:s3] =	ssyncset.done $0x0  }
0x6e: {  	[sflag:s3] =	ssyncadd.s32 $0xFFFFC000  }
0x6f: {  	[tilespmem:s5], [sflag:$0x1] =	stream.indirect.gather [spmem:s2], $0x80, s0, s11, $0xb8;
	[tilespmem:$0x18C40] =	vst v63  }
0x70: {  	_ =	swait.ge [sflag:s7], $0x4000  }
0x71: {  	[sflag:s7] =	ssyncset.done $0x0  }
0x72: {  	s0 =	rddreg [dreg:$0xb];
	[sflag:s7] =	ssyncadd.s32 $0xFFFFC000  }
0x73: {  	[hbm4b:s0+s1] =	stream.linear.scatter [tilespmem:s4], [sflag:$0x2], $0x4000, $0x38;
	[tilespmem:$0x18C40] =	vst v63  }
0x74: {  	_ =	swait.ge [sflag:s3], $0x4000  }
0x75: {  	[sflag:s3] =	ssyncset.done $0x0  }
0x76: {  	[sflag:s3] =	ssyncadd.s32 $0xFFFFC000  }
0x77: {  	[tilespmem:s4], [sflag:$0x1] =	stream.indirect.gather [spmem:s2], $0x80, s25, s11, $0xb8;
	[tilespmem:$0x18C40] =	vst v63  }
0x78: {  	_ =	swait.ge [sflag:s7], $0x4000  }
0x79: {  	[sflag:s7] =	ssyncset.done $0x0  }
0x7a: {  	s0 =	rddreg [dreg:$0xc];
	[sflag:s7] =	ssyncadd.s32 $0xFFFFC000  }
0x7b: {  	[hbm4b:s0+s1] =	stream.linear.scatter [tilespmem:s10], [sflag:$0x2], $0x4000, $0x38;
	[tilespmem:$0x18C40] =	vst v63  }
0x7c: {  	_ =	swait.ge [sflag:s3], $0x4000  }
0x7d: {  	[sflag:s3] =	ssyncset.done $0x0  }
0x7e: {  	[sflag:s3] =	ssyncadd.s32 $0xFFFFC000  }
0x7f: {  	[tilespmem:s10], [sflag:$0x1] =	stream.indirect.gather [spmem:s2], $0x80, s24, s11, $0xb8;
	[tilespmem:$0x18C40] =	vst v63  }
0x80: {  	_ =	swait.ge [sflag:s7], $0x4000  }
0x81: {  	[sflag:s7] =	ssyncset.done $0x0  }
0x82: {  	s0 =	rddreg [dreg:$0xd];
	[sflag:s7] =	ssyncadd.s32 $0xFFFFC000  }
0x83: {  	[hbm4b:s0+s1] =	stream.linear.scatter [tilespmem:s9], [sflag:$0x2], $0x4000, $0x38;
	[tilespmem:$0x18C40] =	vst v63  }
0x84: {  	_ =	swait.ge [sflag:s3], $0x4000  }
0x85: {  	[sflag:s3] =	ssyncset.done $0x0  }
0x86: {  	[sflag:s3] =	ssyncadd.s32 $0xFFFFC000  }
0x87: {  	[tilespmem:s9], [sflag:$0x1] =	stream.indirect.gather [spmem:s2], $0x80, s23, s11, $0xb8;
	[tilespmem:$0x18C40] =	vst v63  }
0x88: {  	_ =	swait.ge [sflag:s7], $0x4000  }
0x89: {  	[sflag:s7] =	ssyncset.done $0x0  }
0x8a: {  	s0 =	rddreg [dreg:$0xe];
	[sflag:s7] =	ssyncadd.s32 $0xFFFFC000  }
0x8b: {  	[hbm4b:s0+s1] =	stream.linear.scatter [tilespmem:s8], [sflag:$0x2], $0x4000, $0x38;
	[tilespmem:$0x18C40] =	vst v63  }
0x8c: {  	_ =	swait.ge [sflag:s3], $0x4000  }
0x8d: {  	[sflag:s3] =	ssyncset.done $0x0  }
0x8e: {  	[sflag:s3] =	ssyncadd.s32 $0xFFFFC000  }
0x8f: {  	[tilespmem:s8], [sflag:$0x1] =	stream.indirect.gather [spmem:s2], $0x80, s22, s11, $0xb8;
	[tilespmem:$0x18C40] =	vst v63  }
0x90: {  	_ =	swait.ge [sflag:s7], $0x4000  }
0x91: {  	[sflag:s7] =	ssyncset.done $0x0  }
0x92: {  	s0 =	rddreg [dreg:$0xf];
	[sflag:s7] =	ssyncadd.s32 $0xFFFFC000  }
0x93: {  	[hbm4b:s0+s1] =	stream.linear.scatter [tilespmem:s6], [sflag:$0x2], $0x4000, $0x38;
	[tilespmem:$0x18C40] =	vst v63  }
0x94: {  	_ =	swait.ge [sflag:s3], $0x4000  }
0x95: {  	[sflag:s3] =	ssyncset.done $0x0  }
0x96: {  	[sflag:s3] =	ssyncadd.s32 $0xFFFFC000  }
0x97: {  	[tilespmem:s6], [sflag:$0x1] =	stream.indirect.gather [spmem:s2], $0x80, s20, s11, $0xb8;
	[tilespmem:$0x18C40] =	vst v63  }
0x98: {  	_ =	swait.ge [sflag:s7], $0x4000  }
0x99: {  	[sflag:s7] =	ssyncset.done $0x0  }
0x9a: {  	s0 =	rddreg [dreg:$0x10];
	[sflag:s7] =	ssyncadd.s32 $0xFFFFC000  }
0x9b: {  	[hbm4b:s0+s1] =	stream.linear.scatter [tilespmem:s5], [sflag:$0x2], $0x4000, $0x38;
	[tilespmem:$0x18C40] =	vst v63  }
0x9c: {  	_ =	swait.ge [sflag:s3], $0x4000  }
0x9d: {  	[sflag:s3] =	ssyncset.done $0x0  }
0x9e: {  	[sflag:s3] =	ssyncadd.s32 $0xFFFFC000  }
0x9f: {  	[tilespmem:s5], [sflag:$0x1] =	stream.indirect.gather [spmem:s2], $0x80, s19, s11, $0xb8;
	[tilespmem:$0x18C40] =	vst v63  }
0xa0: {  	_ =	swait.ge [sflag:s7], $0x4000  }
0xa1: {  	[sflag:s7] =	ssyncset.done $0x0  }
0xa2: {  	s0 =	rddreg [dreg:$0x11];
	[sflag:s7] =	ssyncadd.s32 $0xFFFFC000  }
0xa3: {  	[hbm4b:s0+s1] =	stream.linear.scatter [tilespmem:s4], [sflag:$0x2], $0x4000, $0x38;
	[tilespmem:$0x18C40] =	vst v63  }
0xa4: {  	_ =	swait.ge [sflag:s3], $0x4000  }
0xa5: {  	[sflag:s3] =	ssyncset.done $0x0  }
0xa6: {  	[sflag:s3] =	ssyncadd.s32 $0xFFFFC000  }
0xa7: {  	[tilespmem:s4], [sflag:$0x1] =	stream.indirect.gather [spmem:s2], $0x80, s18, s11, $0xb8;
	[tilespmem:$0x18C40] =	vst v63  }
0xa8: {  	_ =	swait.ge [sflag:s7], $0x4000  }
0xa9: {  	[sflag:s7] =	ssyncset.done $0x0  }
0xaa: {  	s0 =	rddreg [dreg:$0x12];
	[sflag:s7] =	ssyncadd.s32 $0xFFFFC000  }
0xab: {  	[hbm4b:s0+s1] =	stream.linear.scatter [tilespmem:s10], [sflag:$0x2], $0x4000, $0x38;
	[tilespmem:$0x18C40] =	vst v63  }
0xac: {  	_ =	swait.ge [sflag:s3], $0x4000  }
0xad: {  	[sflag:s3] =	ssyncset.done $0x0  }
0xae: {  	[sflag:s3] =	ssyncadd.s32 $0xFFFFC000  }
0xaf: {  	[tilespmem:s10], [sflag:$0x1] =	stream.indirect.gather [spmem:s2], $0x80, s17, s11, $0xb8;
	[tilespmem:$0x18C40] =	vst v63  }
0xb0: {  	_ =	swait.ge [sflag:s7], $0x4000  }
0xb1: {  	[sflag:s7] =	ssyncset.done $0x0  }
0xb2: {  	s0 =	rddreg [dreg:$0x13];
	[sflag:s7] =	ssyncadd.s32 $0xFFFFC000  }
0xb3: {  	[hbm4b:s0+s1] =	stream.linear.scatter [tilespmem:s9], [sflag:$0x2], $0x4000, $0x38;
	[tilespmem:$0x18C40] =	vst v63  }
0xb4: {  	_ =	swait.ge [sflag:s3], $0x4000  }
0xb5: {  	[sflag:s3] =	ssyncset.done $0x0  }
0xb6: {  	[sflag:s3] =	ssyncadd.s32 $0xFFFFC000  }
0xb7: {  	[tilespmem:s9], [sflag:$0x1] =	stream.indirect.gather [spmem:s2], $0x80, s16, s11, $0xb8;
	[tilespmem:$0x18C40] =	vst v63  }
0xb8: {  	_ =	swait.ge [sflag:s7], $0x4000  }
0xb9: {  	[sflag:s7] =	ssyncset.done $0x0  }
0xba: {  	s0 =	rddreg [dreg:$0x14];
	[sflag:s7] =	ssyncadd.s32 $0xFFFFC000  }
0xbb: {  	[hbm4b:s0+s1] =	stream.linear.scatter [tilespmem:s8], [sflag:$0x2], $0x4000, $0x38;
	[tilespmem:$0x18C40] =	vst v63  }
0xbc: {  	_ =	swait.ge [sflag:s3], $0x4000  }
0xbd: {  	[sflag:s3] =	ssyncset.done $0x0  }
0xbe: {  	[sflag:s3] =	ssyncadd.s32 $0xFFFFC000  }
0xbf: {  	[tilespmem:s8], [sflag:$0x1] =	stream.indirect.gather [spmem:s2], $0x80, s15, s11, $0xb8;
	[tilespmem:$0x18C40] =	vst v63  }
0xc0: {  	_ =	swait.ge [sflag:s7], $0x4000  }
0xc1: {  	[sflag:s7] =	ssyncset.done $0x0  }
0xc2: {  	s0 =	rddreg [dreg:$0x15];
	[sflag:s7] =	ssyncadd.s32 $0xFFFFC000  }
0xc3: {  	[hbm4b:s0+s1] =	stream.linear.scatter [tilespmem:s6], [sflag:$0x2], $0x4000, $0x38;
	[tilespmem:$0x18C40] =	vst v63  }
0xc4: {  	_ =	swait.ge [sflag:s3], $0x4000  }
0xc5: {  	[sflag:s3] =	ssyncset.done $0x0  }
0xc6: {  	[sflag:s3] =	ssyncadd.s32 $0xFFFFC000  }
0xc7: {  	[tilespmem:s6], [sflag:$0x1] =	stream.indirect.gather [spmem:s2], $0x80, s14, s11, $0xb8;
	[tilespmem:$0x18C40] =	vst v63  }
0xc8: {  	_ =	swait.ge [sflag:s7], $0x4000  }
0xc9: {  	[sflag:s7] =	ssyncset.done $0x0  }
0xca: {  	s0 =	rddreg [dreg:$0x16];
	[sflag:s7] =	ssyncadd.s32 $0xFFFFC000  }
0xcb: {  	[hbm4b:s0+s1] =	stream.linear.scatter [tilespmem:s5], [sflag:$0x2], $0x4000, $0x38;
	[tilespmem:$0x18C40] =	vst v63  }
0xcc: {  	_ =	swait.ge [sflag:s3], $0x4000  }
0xcd: {  	[sflag:s3] =	ssyncset.done $0x0  }
0xce: {  	[sflag:s3] =	ssyncadd.s32 $0xFFFFC000  }
0xcf: {  	[tilespmem:s5], [sflag:$0x1] =	stream.indirect.gather [spmem:s2], $0x80, s13, s11, $0xb8;
	[tilespmem:$0x18C40] =	vst v63  }
0xd0: {  	_ =	swait.ge [sflag:s7], $0x4000  }
0xd1: {  	[sflag:s7] =	ssyncset.done $0x0  }
0xd2: {  	s0 =	rddreg [dreg:$0x17];
	[sflag:s7] =	ssyncadd.s32 $0xFFFFC000  }
0xd3: {  	[hbm4b:s0+s1] =	stream.linear.scatter [tilespmem:s4], [sflag:$0x2], $0x4000, $0x38;
	[tilespmem:$0x18C40] =	vst v63  }
0xd4: {  	_ =	swait.ge [sflag:s3], $0x4000  }
0xd5: {  	[sflag:s3] =	ssyncset.done $0x0  }
0xd6: {  	s0 =	simm.s32 $0xB80;
	[sflag:s3] =	ssyncadd.s32 $0xFFFFC000  }
0xd7: {  	[tilespmem:s4], [sflag:$0x1] =	stream.indirect.gather [spmem:s2], $0x80, s0, s11, $0xb8;
	[tilespmem:$0x18C40] =	vst v63  }
0xd8: {  	_ =	swait.ge [sflag:s7], $0x4000  }
0xd9: {  	[sflag:s7] =	ssyncset.done $0x0  }
0xda: {  	s0 =	rddreg [dreg:$0x18];
	[sflag:s7] =	ssyncadd.s32 $0xFFFFC000  }
0xdb: {  	[hbm4b:s0+s1] =	stream.linear.scatter [tilespmem:s10], [sflag:$0x2], $0x4000, $0x38;
	[tilespmem:$0x18C40] =	vst v63  }
0xdc: {  	_ =	swait.ge [sflag:s7], $0x4000  }
0xdd: {  	[sflag:s7] =	ssyncset.done $0x0  }
0xde: {  	s0 =	rddreg [dreg:$0x19];
	[sflag:s7] =	ssyncadd.s32 $0xFFFFC000  }
0xdf: {  	[hbm4b:s0+s1] =	stream.linear.scatter [tilespmem:s9], [sflag:$0x2], $0x4000, $0x38;
	[tilespmem:$0x18C40] =	vst v63  }
0xe0: {  	_ =	swait.ge [sflag:s7], $0x4000  }
0xe1: {  	[sflag:s7] =	ssyncset.done $0x0  }
0xe2: {  	s0 =	rddreg [dreg:$0x1a];
	[sflag:s7] =	ssyncadd.s32 $0xFFFFC000  }
0xe3: {  	[hbm4b:s0+s1] =	stream.linear.scatter [tilespmem:s8], [sflag:$0x2], $0x4000, $0x38;
	[tilespmem:$0x18C40] =	vst v63  }
0xe4: {  	_ =	swait.ge [sflag:s7], $0x4000  }
0xe5: {  	[sflag:s7] =	ssyncset.done $0x0  }
0xe6: {  	s0 =	rddreg [dreg:$0x1b];
	[sflag:s7] =	ssyncadd.s32 $0xFFFFC000  }
0xe7: {  	[hbm4b:s0+s1] =	stream.linear.scatter [tilespmem:s6], [sflag:$0x2], $0x4000, $0x38;
	[tilespmem:$0x18C40] =	vst v63  }
0xe8: {  	_ =	swait.ge [sflag:s7], $0x4000  }
0xe9: {  	[sflag:s7] =	ssyncset.done $0x0  }
0xea: {  	s0 =	rddreg [dreg:$0x1c];
	[sflag:s7] =	ssyncadd.s32 $0xFFFFC000  }
0xeb: {  	[hbm4b:s0+s1] =	stream.linear.scatter [tilespmem:s5], [sflag:$0x2], $0x4000, $0x38;
	[tilespmem:$0x18C40] =	vst v63  }
0xec: {  	_ =	swait.ge [sflag:s7], $0x4000  }
0xed: {  	[sflag:s7] =	ssyncset.done $0x0  }
0xee: {  	s0 =	rddreg [dreg:$0x1d];
	[sflag:s7] =	ssyncadd.s32 $0xFFFFC000  }
0xef: {  	[hbm4b:s0+s1] =	stream.linear.scatter [tilespmem:s4], [sflag:$0x2], $0x4000, $0x38;
	[tilespmem:$0x18C40] =	vst v63  }
0xf0: {  	_ =	swait.ge [sflag:s3], $0x4000  }
0xf1: {  	[sflag:s3] =	ssyncset.done $0x0  }
0xf2: {  	[sflag:s3] =	ssyncadd.s32 $0xFFFFC000  }
0xf3: {  	_ =	swait.ge [sflag:s3], $0x4000  }
0xf4: {  	[sflag:s3] =	ssyncset.done $0x0  }
0xf5: {  	[sflag:s3] =	ssyncadd.s32 $0xFFFFC000  }
0xf6: {  	_ =	swait.ge [sflag:s3], $0x4000  }
0xf7: {  	[sflag:s3] =	ssyncset.done $0x0  }
0xf8: {  	[sflag:s3] =	ssyncadd.s32 $0xFFFFC000  }
0xf9: {  	_ =	swait.ge [sflag:s3], $0x4000  }
0xfa: {  	s31 =	sadd.s32 $0xFFFFFFFF, s12;
	[sflag:s3] =	ssyncset.done $0x0  }
0xfb: {  	p2 =	sne.s32 s31, $0x0;
	[sflag:s3] =	ssyncadd.s32 $0xFFFFC000  }
.Ltmp1:
0xfc: {  	_ =	swait.ge [sflag:s3], $0x4000;
	(pc) =	sbr.rel @!p2 .LBB2_3-.Ltmp1, $4  }
0xfd: {  	[sflag:s3] =	ssyncset.done $0x0  }
0xfe: {  	[sflag:s3] =	ssyncadd.s32 $0xFFFFC000  }
0xff: {  	_ =	swait.ge [sflag:s3], $0x4000  }
0x100: {  	p1 =	por $0x1, $0x1;
	s0 =	rddreg [dreg:$0x5];
	[sflag:s3] =	ssyncset.done $0x0  }
.LBB2_4:
0x101: {  	[sflag:s3] =	ssyncadd.s32 $0xFFFFC000  }
0x102: {  	[spmem:s28], [sflag:s29] =	dma.local @!p0 [hbm:s0], $0x80  }
0x103: {  	_ =	swait.ge @!p0 [sflag:s30], $0x80  }
0x104: {  	[sflag:s30] =	ssyncset.done @!p0 $0x0  }
0x105: {  	s12 =	rddreg [dreg:$0x6];
	[sflag:s30] =	ssyncadd.s32 @!p0 $0xFFFFFF80  }
0x106: {  	[tilespmem:s1], [sflag:$0x3] =	stream.linear.gather [hbm4b:s12+s1], $0xC00, $0x38;
	[tilespmem:$0x18C40] =	vst v63  }
0x107: {  	_ =	swait.ge [sflag:s26], $0xC00  }
0x108: {  	[sflag:s26] =	ssyncset.done $0x0  }
0x109: {  	[sflag:s26] =	ssyncadd.s32 $0xFFFFF400  }
0x10a: {  	[bflag:$0x0] =	sbarrier.arrive $0xFFFF  }
0x10b: {  	[tilespmem:s10], [sflag:$0x1] =	stream.indirect.gather [spmem:s2], $0x80, s1, s11, $0xb8;
	[tilespmem:$0x18C40] =	vst v63  }
0x10c: {  	s0 =	rddreg [dreg:$0x1e]  }
0x10d: {  	[tilespmem:s9], [sflag:$0x1] =	stream.indirect.gather [spmem:s2], $0x80, s11, s11, $0xb8;
	[tilespmem:$0x18C40] =	vst v63  }
0x10e: {  	s12 =	rddreg [dreg:$0x1f]  }
0x10f: {  	[tilespmem:s8], [sflag:$0x1] =	stream.indirect.gather [spmem:s2], $0x80, s0, s11, $0xb8;
	[tilespmem:$0x18C40] =	vst v63  }
0x110: {  	s0 =	sld [smem:$0x7F7]  }
0x111: {  	[tilespmem:s6], [sflag:$0x1] =	stream.indirect.gather [spmem:s2], $0x80, s12, s11, $0xb8;
	[tilespmem:$0x18C40] =	vst v63  }
0x112: {  	s12 =	sld [smem:$0x7F8]  }
0x113: {  	[tilespmem:s5], [sflag:$0x1] =	stream.indirect.gather [spmem:s2], $0x80, s0, s11, $0xb8;
	[tilespmem:$0x18C40] =	vst v63  }
0x114: {  	_ = 	snop  }
0x115: {  	[tilespmem:s4], [sflag:$0x1] =	stream.indirect.gather [spmem:s2], $0x80, s12, s11, $0xb8;
	[tilespmem:$0x18C40] =	vst v63  }
0x116: {  	_ =	swait.ge [sflag:s7], $0x4000  }
0x117: {  	[sflag:s7] =	ssyncset.done $0x0  }
0x118: {  	[sflag:s7] =	ssyncadd.s32 $0xFFFFC000  }
0x119: {  	[hbm4b:s21+s1] =	stream.linear.scatter [tilespmem:s10], [sflag:$0x2], $0x4000, $0x38;
	[tilespmem:$0x18C40] =	vst v63  }
0x11a: {  	_ =	swait.ge [sflag:s3], $0x4000  }
0x11b: {  	s0 =	sld [smem:$0x7F9]  }
0x11c: {  	[sflag:s3] =	ssyncset.done $0x0  }
0x11d: {  	[sflag:s3] =	ssyncadd.s32 $0xFFFFC000  }
0x11e: {  	[tilespmem:s10], [sflag:$0x1] =	stream.indirect.gather [spmem:s2], $0x80, s0, s11, $0xb8;
	[tilespmem:$0x18C40] =	vst v63  }
0x11f: {  	_ =	swait.ge [sflag:s7], $0x4000  }
0x120: {  	[sflag:s7] =	ssyncset.done $0x0  }
0x121: {  	s0 =	rddreg [dreg:$0x7];
	[sflag:s7] =	ssyncadd.s32 $0xFFFFC000  }
0x122: {  	[hbm4b:s0+s1] =	stream.linear.scatter [tilespmem:s9], [sflag:$0x2], $0x4000, $0x38;
	[tilespmem:$0x18C40] =	vst v63  }
0x123: {  	_ =	swait.ge [sflag:s3], $0x4000  }
0x124: {  	s0 =	sld [smem:$0x7FA]  }
0x125: {  	[sflag:s3] =	ssyncset.done $0x0  }
0x126: {  	[sflag:s3] =	ssyncadd.s32 $0xFFFFC000  }
0x127: {  	[tilespmem:s9], [sflag:$0x1] =	stream.indirect.gather [spmem:s2], $0x80, s0, s11, $0xb8;
	[tilespmem:$0x18C40] =	vst v63  }
0x128: {  	_ =	swait.ge [sflag:s7], $0x4000  }
0x129: {  	[sflag:s7] =	ssyncset.done $0x0  }
0x12a: {  	s0 =	rddreg [dreg:$0x8];
	[sflag:s7] =	ssyncadd.s32 $0xFFFFC000  }
0x12b: {  	[hbm4b:s0+s1] =	stream.linear.scatter [tilespmem:s8], [sflag:$0x2], $0x4000, $0x38;
	[tilespmem:$0x18C40] =	vst v63  }
0x12c: {  	_ =	swait.ge [sflag:s3], $0x4000  }
0x12d: {  	s0 =	sld [smem:$0x7FB]  }
0x12e: {  	[sflag:s3] =	ssyncset.done $0x0  }
0x12f: {  	[sflag:s3] =	ssyncadd.s32 $0xFFFFC000  }
0x130: {  	[tilespmem:s8], [sflag:$0x1] =	stream.indirect.gather [spmem:s2], $0x80, s0, s11, $0xb8;
	[tilespmem:$0x18C40] =	vst v63  }
0x131: {  	_ =	swait.ge [sflag:s7], $0x4000  }
0x132: {  	[sflag:s7] =	ssyncset.done $0x0  }
0x133: {  	s0 =	rddreg [dreg:$0x9];
	[sflag:s7] =	ssyncadd.s32 $0xFFFFC000  }
0x134: {  	[hbm4b:s0+s1] =	stream.linear.scatter [tilespmem:s6], [sflag:$0x2], $0x4000, $0x38;
	[tilespmem:$0x18C40] =	vst v63  }
0x135: {  	_ =	swait.ge [sflag:s3], $0x4000  }
0x136: {  	s0 =	sld [smem:$0x7FC]  }
0x137: {  	[sflag:s3] =	ssyncset.done $0x0  }
0x138: {  	[sflag:s3] =	ssyncadd.s32 $0xFFFFC000  }
0x139: {  	[tilespmem:s6], [sflag:$0x1] =	stream.indirect.gather [spmem:s2], $0x80, s0, s11, $0xb8;
	[tilespmem:$0x18C40] =	vst v63  }
0x13a: {  	_ =	swait.ge [sflag:s7], $0x4000  }
0x13b: {  	[sflag:s7] =	ssyncset.done $0x0  }
0x13c: {  	s0 =	rddreg [dreg:$0xa];
	[sflag:s7] =	ssyncadd.s32 $0xFFFFC000  }
0x13d: {  	[hbm4b:s0+s1] =	stream.linear.scatter [tilespmem:s5], [sflag:$0x2], $0x4000, $0x38;
	[tilespmem:$0x18C40] =	vst v63  }
0x13e: {  	_ =	swait.ge [sflag:s3], $0x4000  }
0x13f: {  	s0 =	sld [smem:$0x7FD]  }
0x140: {  	[sflag:s3] =	ssyncset.done $0x0  }
0x141: {  	[sflag:s3] =	ssyncadd.s32 $0xFFFFC000  }
0x142: {  	[tilespmem:s5], [sflag:$0x1] =	stream.indirect.gather [spmem:s2], $0x80, s0, s11, $0xb8;
	[tilespmem:$0x18C40] =	vst v63  }
0x143: {  	_ =	swait.ge [sflag:s7], $0x4000  }
0x144: {  	[sflag:s7] =	ssyncset.done $0x0  }
0x145: {  	s0 =	rddreg [dreg:$0xb];
	[sflag:s7] =	ssyncadd.s32 $0xFFFFC000  }
0x146: {  	[hbm4b:s0+s1] =	stream.linear.scatter [tilespmem:s4], [sflag:$0x2], $0x4000, $0x38;
	[tilespmem:$0x18C40] =	vst v63  }
0x147: {  	_ =	swait.ge [sflag:s3], $0x4000  }
0x148: {  	[sflag:s3] =	ssyncset.done $0x0  }
0x149: {  	[sflag:s3] =	ssyncadd.s32 $0xFFFFC000  }
0x14a: {  	[tilespmem:s4], [sflag:$0x1] =	stream.indirect.gather [spmem:s2], $0x80, s25, s11, $0xb8;
	[tilespmem:$0x18C40] =	vst v63  }
0x14b: {  	_ =	swait.ge [sflag:s7], $0x4000  }
0x14c: {  	[sflag:s7] =	ssyncset.done $0x0  }
0x14d: {  	s0 =	rddreg [dreg:$0xc];
	[sflag:s7] =	ssyncadd.s32 $0xFFFFC000  }
0x14e: {  	[hbm4b:s0+s1] =	stream.linear.scatter [tilespmem:s10], [sflag:$0x2], $0x4000, $0x38;
	[tilespmem:$0x18C40] =	vst v63  }
0x14f: {  	_ =	swait.ge [sflag:s3], $0x4000  }
0x150: {  	[sflag:s3] =	ssyncset.done $0x0  }
0x151: {  	[sflag:s3] =	ssyncadd.s32 $0xFFFFC000  }
0x152: {  	[tilespmem:s10], [sflag:$0x1] =	stream.indirect.gather [spmem:s2], $0x80, s24, s11, $0xb8;
	[tilespmem:$0x18C40] =	vst v63  }
0x153: {  	_ =	swait.ge [sflag:s7], $0x4000  }
0x154: {  	[sflag:s7] =	ssyncset.done $0x0  }
0x155: {  	s0 =	rddreg [dreg:$0xd];
	[sflag:s7] =	ssyncadd.s32 $0xFFFFC000  }
0x156: {  	[hbm4b:s0+s1] =	stream.linear.scatter [tilespmem:s9], [sflag:$0x2], $0x4000, $0x38;
	[tilespmem:$0x18C40] =	vst v63  }
0x157: {  	_ =	swait.ge [sflag:s3], $0x4000  }
0x158: {  	[sflag:s3] =	ssyncset.done $0x0  }
0x159: {  	[sflag:s3] =	ssyncadd.s32 $0xFFFFC000  }
0x15a: {  	[tilespmem:s9], [sflag:$0x1] =	stream.indirect.gather [spmem:s2], $0x80, s23, s11, $0xb8;
	[tilespmem:$0x18C40] =	vst v63  }
0x15b: {  	_ =	swait.ge [sflag:s7], $0x4000  }
0x15c: {  	[sflag:s7] =	ssyncset.done $0x0  }
0x15d: {  	s0 =	rddreg [dreg:$0xe];
	[sflag:s7] =	ssyncadd.s32 $0xFFFFC000  }
0x15e: {  	[hbm4b:s0+s1] =	stream.linear.scatter [tilespmem:s8], [sflag:$0x2], $0x4000, $0x38;
	[tilespmem:$0x18C40] =	vst v63  }
0x15f: {  	_ =	swait.ge [sflag:s3], $0x4000  }
0x160: {  	[sflag:s3] =	ssyncset.done $0x0  }
0x161: {  	[sflag:s3] =	ssyncadd.s32 $0xFFFFC000  }
0x162: {  	[tilespmem:s8], [sflag:$0x1] =	stream.indirect.gather [spmem:s2], $0x80, s22, s11, $0xb8;
	[tilespmem:$0x18C40] =	vst v63  }
0x163: {  	_ =	swait.ge [sflag:s7], $0x4000  }
0x164: {  	[sflag:s7] =	ssyncset.done $0x0  }
0x165: {  	s0 =	rddreg [dreg:$0xf];
	[sflag:s7] =	ssyncadd.s32 $0xFFFFC000  }
0x166: {  	[hbm4b:s0+s1] =	stream.linear.scatter [tilespmem:s6], [sflag:$0x2], $0x4000, $0x38;
	[tilespmem:$0x18C40] =	vst v63  }
0x167: {  	_ =	swait.ge [sflag:s3], $0x4000  }
0x168: {  	[sflag:s3] =	ssyncset.done $0x0  }
0x169: {  	[sflag:s3] =	ssyncadd.s32 $0xFFFFC000  }
0x16a: {  	[tilespmem:s6], [sflag:$0x1] =	stream.indirect.gather [spmem:s2], $0x80, s20, s11, $0xb8;
	[tilespmem:$0x18C40] =	vst v63  }
0x16b: {  	_ =	swait.ge [sflag:s7], $0x4000  }
0x16c: {  	[sflag:s7] =	ssyncset.done $0x0  }
0x16d: {  	s0 =	rddreg [dreg:$0x10];
	[sflag:s7] =	ssyncadd.s32 $0xFFFFC000  }
0x16e: {  	[hbm4b:s0+s1] =	stream.linear.scatter [tilespmem:s5], [sflag:$0x2], $0x4000, $0x38;
	[tilespmem:$0x18C40] =	vst v63  }
0x16f: {  	_ =	swait.ge [sflag:s3], $0x4000  }
0x170: {  	[sflag:s3] =	ssyncset.done $0x0  }
0x171: {  	[sflag:s3] =	ssyncadd.s32 $0xFFFFC000  }
0x172: {  	[tilespmem:s5], [sflag:$0x1] =	stream.indirect.gather [spmem:s2], $0x80, s19, s11, $0xb8;
	[tilespmem:$0x18C40] =	vst v63  }
0x173: {  	_ =	swait.ge [sflag:s7], $0x4000  }
0x174: {  	[sflag:s7] =	ssyncset.done $0x0  }
0x175: {  	s0 =	rddreg [dreg:$0x11];
	[sflag:s7] =	ssyncadd.s32 $0xFFFFC000  }
0x176: {  	[hbm4b:s0+s1] =	stream.linear.scatter [tilespmem:s4], [sflag:$0x2], $0x4000, $0x38;
	[tilespmem:$0x18C40] =	vst v63  }
0x177: {  	_ =	swait.ge [sflag:s3], $0x4000  }
0x178: {  	[sflag:s3] =	ssyncset.done $0x0  }
0x179: {  	[sflag:s3] =	ssyncadd.s32 $0xFFFFC000  }
0x17a: {  	[tilespmem:s4], [sflag:$0x1] =	stream.indirect.gather [spmem:s2], $0x80, s18, s11, $0xb8;
	[tilespmem:$0x18C40] =	vst v63  }
0x17b: {  	_ =	swait.ge [sflag:s7], $0x4000  }
0x17c: {  	[sflag:s7] =	ssyncset.done $0x0  }
0x17d: {  	s0 =	rddreg [dreg:$0x12];
	[sflag:s7] =	ssyncadd.s32 $0xFFFFC000  }
0x17e: {  	[hbm4b:s0+s1] =	stream.linear.scatter [tilespmem:s10], [sflag:$0x2], $0x4000, $0x38;
	[tilespmem:$0x18C40] =	vst v63  }
0x17f: {  	_ =	swait.ge [sflag:s3], $0x4000  }
0x180: {  	[sflag:s3] =	ssyncset.done $0x0  }
0x181: {  	[sflag:s3] =	ssyncadd.s32 $0xFFFFC000  }
0x182: {  	[tilespmem:s10], [sflag:$0x1] =	stream.indirect.gather [spmem:s2], $0x80, s17, s11, $0xb8;
	[tilespmem:$0x18C40] =	vst v63  }
0x183: {  	_ =	swait.ge [sflag:s7], $0x4000  }
0x184: {  	[sflag:s7] =	ssyncset.done $0x0  }
0x185: {  	s0 =	rddreg [dreg:$0x13];
	[sflag:s7] =	ssyncadd.s32 $0xFFFFC000  }
0x186: {  	[hbm4b:s0+s1] =	stream.linear.scatter [tilespmem:s9], [sflag:$0x2], $0x4000, $0x38;
	[tilespmem:$0x18C40] =	vst v63  }
0x187: {  	_ =	swait.ge [sflag:s3], $0x4000  }
0x188: {  	[sflag:s3] =	ssyncset.done $0x0  }
0x189: {  	[sflag:s3] =	ssyncadd.s32 $0xFFFFC000  }
0x18a: {  	[tilespmem:s9], [sflag:$0x1] =	stream.indirect.gather [spmem:s2], $0x80, s16, s11, $0xb8;
	[tilespmem:$0x18C40] =	vst v63  }
0x18b: {  	_ =	swait.ge [sflag:s7], $0x4000  }
0x18c: {  	[sflag:s7] =	ssyncset.done $0x0  }
0x18d: {  	s0 =	rddreg [dreg:$0x14];
	[sflag:s7] =	ssyncadd.s32 $0xFFFFC000  }
0x18e: {  	[hbm4b:s0+s1] =	stream.linear.scatter [tilespmem:s8], [sflag:$0x2], $0x4000, $0x38;
	[tilespmem:$0x18C40] =	vst v63  }
0x18f: {  	_ =	swait.ge [sflag:s3], $0x4000  }
0x190: {  	[sflag:s3] =	ssyncset.done $0x0  }
0x191: {  	[sflag:s3] =	ssyncadd.s32 $0xFFFFC000  }
0x192: {  	[tilespmem:s8], [sflag:$0x1] =	stream.indirect.gather [spmem:s2], $0x80, s15, s11, $0xb8;
	[tilespmem:$0x18C40] =	vst v63  }
0x193: {  	_ =	swait.ge [sflag:s7], $0x4000  }
0x194: {  	[sflag:s7] =	ssyncset.done $0x0  }
0x195: {  	s0 =	rddreg [dreg:$0x15];
	[sflag:s7] =	ssyncadd.s32 $0xFFFFC000  }
0x196: {  	[hbm4b:s0+s1] =	stream.linear.scatter [tilespmem:s6], [sflag:$0x2], $0x4000, $0x38;
	[tilespmem:$0x18C40] =	vst v63  }
0x197: {  	_ =	swait.ge [sflag:s3], $0x4000  }
0x198: {  	[sflag:s3] =	ssyncset.done $0x0  }
0x199: {  	[sflag:s3] =	ssyncadd.s32 $0xFFFFC000  }
0x19a: {  	[tilespmem:s6], [sflag:$0x1] =	stream.indirect.gather [spmem:s2], $0x80, s14, s11, $0xb8;
	[tilespmem:$0x18C40] =	vst v63  }
0x19b: {  	_ =	swait.ge [sflag:s7], $0x4000  }
0x19c: {  	[sflag:s7] =	ssyncset.done $0x0  }
0x19d: {  	s0 =	rddreg [dreg:$0x16];
	[sflag:s7] =	ssyncadd.s32 $0xFFFFC000  }
0x19e: {  	[hbm4b:s0+s1] =	stream.linear.scatter [tilespmem:s5], [sflag:$0x2], $0x4000, $0x38;
	[tilespmem:$0x18C40] =	vst v63  }
0x19f: {  	_ =	swait.ge [sflag:s3], $0x4000  }
0x1a0: {  	[sflag:s3] =	ssyncset.done $0x0  }
0x1a1: {  	[sflag:s3] =	ssyncadd.s32 $0xFFFFC000  }
0x1a2: {  	[tilespmem:s5], [sflag:$0x1] =	stream.indirect.gather [spmem:s2], $0x80, s13, s11, $0xb8;
	[tilespmem:$0x18C40] =	vst v63  }
0x1a3: {  	_ =	swait.ge [sflag:s7], $0x4000  }
0x1a4: {  	[sflag:s7] =	ssyncset.done $0x0  }
0x1a5: {  	s0 =	rddreg [dreg:$0x17];
	[sflag:s7] =	ssyncadd.s32 $0xFFFFC000  }
0x1a6: {  	[hbm4b:s0+s1] =	stream.linear.scatter [tilespmem:s4], [sflag:$0x2], $0x4000, $0x38;
	[tilespmem:$0x18C40] =	vst v63  }
0x1a7: {  	_ =	swait.ge [sflag:s3], $0x4000  }
0x1a8: {  	[sflag:s3] =	ssyncset.done $0x0  }
0x1a9: {  	s12 =	simm.s32 $0xB80;
	[sflag:s3] =	ssyncadd.s32 $0xFFFFC000  }
0x1aa: {  	[tilespmem:s4], [sflag:$0x1] =	stream.indirect.gather [spmem:s2], $0x80, s12, s11, $0xb8;
	[tilespmem:$0x18C40] =	vst v63  }
0x1ab: {  	_ =	swait.ge [sflag:s7], $0x4000  }
0x1ac: {  	[sflag:s7] =	ssyncset.done $0x0  }
0x1ad: {  	s12 =	rddreg [dreg:$0x18];
	[sflag:s7] =	ssyncadd.s32 $0xFFFFC000  }
0x1ae: {  	[hbm4b:s12+s1] =	stream.linear.scatter [tilespmem:s10], [sflag:$0x2], $0x4000, $0x38;
	[tilespmem:$0x18C40] =	vst v63  }
0x1af: {  	_ =	swait.ge [sflag:s7], $0x4000  }
0x1b0: {  	[sflag:s7] =	ssyncset.done $0x0  }
0x1b1: {  	s12 =	rddreg [dreg:$0x19];
	[sflag:s7] =	ssyncadd.s32 $0xFFFFC000  }
0x1b2: {  	[hbm4b:s12+s1] =	stream.linear.scatter [tilespmem:s9], [sflag:$0x2], $0x4000, $0x38;
	[tilespmem:$0x18C40] =	vst v63  }
0x1b3: {  	_ =	swait.ge [sflag:s7], $0x4000  }
0x1b4: {  	[sflag:s7] =	ssyncset.done $0x0  }
0x1b5: {  	s12 =	rddreg [dreg:$0x1a];
	[sflag:s7] =	ssyncadd.s32 $0xFFFFC000  }
0x1b6: {  	[hbm4b:s12+s1] =	stream.linear.scatter [tilespmem:s8], [sflag:$0x2], $0x4000, $0x38;
	[tilespmem:$0x18C40] =	vst v63  }
0x1b7: {  	_ =	swait.ge [sflag:s7], $0x4000  }
0x1b8: {  	[sflag:s7] =	ssyncset.done $0x0  }
0x1b9: {  	s12 =	rddreg [dreg:$0x1b];
	[sflag:s7] =	ssyncadd.s32 $0xFFFFC000  }
0x1ba: {  	[hbm4b:s12+s1] =	stream.linear.scatter [tilespmem:s6], [sflag:$0x2], $0x4000, $0x38;
	[tilespmem:$0x18C40] =	vst v63  }
0x1bb: {  	_ =	swait.ge [sflag:s7], $0x4000  }
0x1bc: {  	[sflag:s7] =	ssyncset.done $0x0  }
0x1bd: {  	s12 =	rddreg [dreg:$0x1c];
	[sflag:s7] =	ssyncadd.s32 $0xFFFFC000  }
0x1be: {  	[hbm4b:s12+s1] =	stream.linear.scatter [tilespmem:s5], [sflag:$0x2], $0x4000, $0x38;
	[tilespmem:$0x18C40] =	vst v63  }
0x1bf: {  	_ =	swait.ge [sflag:s7], $0x4000  }
0x1c0: {  	[sflag:s7] =	ssyncset.done $0x0  }
0x1c1: {  	s12 =	rddreg [dreg:$0x1d];
	[sflag:s7] =	ssyncadd.s32 $0xFFFFC000  }
0x1c2: {  	[hbm4b:s12+s1] =	stream.linear.scatter [tilespmem:s4], [sflag:$0x2], $0x4000, $0x38;
	[tilespmem:$0x18C40] =	vst v63  }
0x1c3: {  	_ =	swait.ge [sflag:s3], $0x4000  }
0x1c4: {  	[sflag:s3] =	ssyncset.done $0x0  }
0x1c5: {  	[sflag:s3] =	ssyncadd.s32 $0xFFFFC000  }
0x1c6: {  	_ =	swait.ge [sflag:s3], $0x4000  }
0x1c7: {  	[sflag:s3] =	ssyncset.done $0x0  }
0x1c8: {  	[sflag:s3] =	ssyncadd.s32 $0xFFFFC000  }
0x1c9: {  	_ =	swait.ge [sflag:s3], $0x4000  }
0x1ca: {  	[sflag:s3] =	ssyncset.done $0x0  }
0x1cb: {  	[sflag:s3] =	ssyncadd.s32 $0xFFFFC000  }
0x1cc: {  	_ =	swait.ge [sflag:s3], $0x4000  }
0x1cd: {  	s31 =	sadd.s32 $0xFFFFFFFF, s31;
	[sflag:s3] =	ssyncset.done $0x0  }
0x1ce: {  	p2 =	sne.s32 s31, $0x0;
	[sflag:s3] =	ssyncadd.s32 $0xFFFFC000  }
.Ltmp2:
0x1cf: {  	_ =	swait.ge [sflag:s3], $0x4000;
	(pc) =	sbr.rel @p2 .LBB2_4-.Ltmp2, $4  }
0x1d0: {  	[sflag:s3] =	ssyncset.done $0x0  }
0x1d1: {  	[sflag:s3] =	ssyncadd.s32 $0xFFFFC000  }
0x1d2: {  	_ =	swait.ge [sflag:s3], $0x4000  }
0x1d3: {  	s0 =	rddreg [dreg:$0x5];
	[sflag:s3] =	ssyncset.done $0x0  }
0x1d4: {  	s30 =	simm.s32 $0xB80;
	s29 =	rddreg [dreg:$0x4]  }
.LBB2_6:
0x1d5: {  	[sflag:s3] =	ssyncadd.s32 @p1 $0xFFFFC000;
	s12 =	simm.s32 @!p0 $0x1C03  }
0x1d6: {  	[spmem:s28], [sflag:s12] =	dma.local @!p0 [hbm:s0], $0x80  }
0x1d7: {  	s0 =	simm.s32 @!p0 $0x3  }
0x1d8: {  	_ =	swait.ge @!p0 [sflag:s0], $0x80  }
0x1d9: {  	[sflag:s0] =	ssyncset.done @!p0 $0x0  }
0x1da: {  	s31 =	rddreg [dreg:$0x6];
	[sflag:s0] =	ssyncadd.s32 @!p0 $0xFFFFFF80  }
0x1db: {  	[tilespmem:s1], [sflag:$0x3] =	stream.linear.gather [hbm4b:s31+s1], $0xC00, $0x38;
	[tilespmem:$0x18C40] =	vst v63  }
0x1dc: {  	_ =	swait.ge [sflag:s26], $0xC00  }
0x1dd: {  	[sflag:s26] =	ssyncset.done $0x0  }
0x1de: {  	[sflag:s26] =	ssyncadd.s32 $0xFFFFF400  }
0x1df: {  	[bflag:$0x0] =	sbarrier.arrive $0xFFFF  }
0x1e0: {  	[tilespmem:s10], [sflag:$0x1] =	stream.indirect.gather [spmem:s2], $0x80, s1, s11, $0xb8;
	[tilespmem:$0x18C40] =	vst v63  }
0x1e1: {  	s12 =	rddreg [dreg:$0x1e]  }
0x1e2: {  	[tilespmem:s9], [sflag:$0x1] =	stream.indirect.gather [spmem:s2], $0x80, s11, s11, $0xb8;
	[tilespmem:$0x18C40] =	vst v63  }
0x1e3: {  	s26 =	rddreg [dreg:$0x1f]  }
0x1e4: {  	[tilespmem:s8], [sflag:$0x1] =	stream.indirect.gather [spmem:s2], $0x80, s12, s11, $0xb8;
	[tilespmem:$0x18C40] =	vst v63  }
0x1e5: {  	s28 =	sld [smem:$0x7F7]  }
0x1e6: {  	[tilespmem:s6], [sflag:$0x1] =	stream.indirect.gather [spmem:s2], $0x80, s26, s11, $0xb8;
	[tilespmem:$0x18C40] =	vst v63  }
0x1e7: {  	s31 =	sld [smem:$0x7F8]  }
0x1e8: {  	[tilespmem:s5], [sflag:$0x1] =	stream.indirect.gather [spmem:s2], $0x80, s28, s11, $0xb8;
	[tilespmem:$0x18C40] =	vst v63  }
0x1e9: {  	_ = 	snop  }
0x1ea: {  	[tilespmem:s4], [sflag:$0x1] =	stream.indirect.gather [spmem:s2], $0x80, s31, s11, $0xb8;
	[tilespmem:$0x18C40] =	vst v63  }
0x1eb: {  	_ =	swait.ge [sflag:s7], $0x4000  }
0x1ec: {  	[sflag:s7] =	ssyncset.done $0x0  }
0x1ed: {  	[sflag:s7] =	ssyncadd.s32 $0xFFFFC000  }
0x1ee: {  	[hbm4b:s21+s1] =	stream.linear.scatter [tilespmem:s10], [sflag:$0x2], $0x4000, $0x38;
	[tilespmem:$0x18C40] =	vst v63  }
0x1ef: {  	_ =	swait.ge [sflag:s3], $0x4000  }
0x1f0: {  	s21 =	sld [smem:$0x7F9]  }
0x1f1: {  	[sflag:s3] =	ssyncset.done $0x0  }
0x1f2: {  	[sflag:s3] =	ssyncadd.s32 $0xFFFFC000  }
0x1f3: {  	[tilespmem:s10], [sflag:$0x1] =	stream.indirect.gather [spmem:s2], $0x80, s21, s11, $0xb8;
	[tilespmem:$0x18C40] =	vst v63  }
0x1f4: {  	_ =	swait.ge [sflag:s7], $0x4000  }
0x1f5: {  	[sflag:s7] =	ssyncset.done $0x0  }
0x1f6: {  	s26 =	rddreg [dreg:$0x7];
	[sflag:s7] =	ssyncadd.s32 $0xFFFFC000  }
0x1f7: {  	[hbm4b:s26+s1] =	stream.linear.scatter [tilespmem:s9], [sflag:$0x2], $0x4000, $0x38;
	[tilespmem:$0x18C40] =	vst v63  }
0x1f8: {  	_ =	swait.ge [sflag:s3], $0x4000  }
0x1f9: {  	s28 =	sld [smem:$0x7FA]  }
0x1fa: {  	[sflag:s3] =	ssyncset.done $0x0  }
0x1fb: {  	[sflag:s3] =	ssyncadd.s32 $0xFFFFC000  }
0x1fc: {  	[tilespmem:s9], [sflag:$0x1] =	stream.indirect.gather [spmem:s2], $0x80, s28, s11, $0xb8;
	[tilespmem:$0x18C40] =	vst v63  }
0x1fd: {  	_ =	swait.ge [sflag:s7], $0x4000  }
0x1fe: {  	[sflag:s7] =	ssyncset.done $0x0  }
0x1ff: {  	s31 =	rddreg [dreg:$0x8];
	[sflag:s7] =	ssyncadd.s32 $0xFFFFC000  }
0x200: {  	[hbm4b:s31+s1] =	stream.linear.scatter [tilespmem:s8], [sflag:$0x2], $0x4000, $0x38;
	[tilespmem:$0x18C40] =	vst v63  }
0x201: {  	_ =	swait.ge [sflag:s3], $0x4000  }
0x202: {  	s12 =	sld [smem:$0x7FB]  }
0x203: {  	[sflag:s3] =	ssyncset.done $0x0  }
0x204: {  	[sflag:s3] =	ssyncadd.s32 $0xFFFFC000  }
0x205: {  	[tilespmem:s8], [sflag:$0x1] =	stream.indirect.gather [spmem:s2], $0x80, s12, s11, $0xb8;
	[tilespmem:$0x18C40] =	vst v63  }
0x206: {  	_ =	swait.ge [sflag:s7], $0x4000  }
0x207: {  	[sflag:s7] =	ssyncset.done $0x0  }
0x208: {  	s21 =	rddreg [dreg:$0x9];
	[sflag:s7] =	ssyncadd.s32 $0xFFFFC000  }
0x209: {  	[hbm4b:s21+s1] =	stream.linear.scatter [tilespmem:s6], [sflag:$0x2], $0x4000, $0x38;
	[tilespmem:$0x18C40] =	vst v63  }
0x20a: {  	_ =	swait.ge [sflag:s3], $0x4000  }
0x20b: {  	s26 =	sld [smem:$0x7FC]  }
0x20c: {  	[sflag:s3] =	ssyncset.done $0x0  }
0x20d: {  	[sflag:s3] =	ssyncadd.s32 $0xFFFFC000  }
0x20e: {  	[tilespmem:s6], [sflag:$0x1] =	stream.indirect.gather [spmem:s2], $0x80, s26, s11, $0xb8;
	[tilespmem:$0x18C40] =	vst v63  }
0x20f: {  	_ =	swait.ge [sflag:s7], $0x4000  }
0x210: {  	[sflag:s7] =	ssyncset.done $0x0  }
0x211: {  	s28 =	rddreg [dreg:$0xa];
	[sflag:s7] =	ssyncadd.s32 $0xFFFFC000  }
0x212: {  	[hbm4b:s28+s1] =	stream.linear.scatter [tilespmem:s5], [sflag:$0x2], $0x4000, $0x38;
	[tilespmem:$0x18C40] =	vst v63  }
0x213: {  	_ =	swait.ge [sflag:s3], $0x4000  }
0x214: {  	s31 =	sld [smem:$0x7FD]  }
0x215: {  	[sflag:s3] =	ssyncset.done $0x0  }
0x216: {  	[sflag:s3] =	ssyncadd.s32 $0xFFFFC000  }
0x217: {  	[tilespmem:s5], [sflag:$0x1] =	stream.indirect.gather [spmem:s2], $0x80, s31, s11, $0xb8;
	[tilespmem:$0x18C40] =	vst v63  }
0x218: {  	_ =	swait.ge [sflag:s7], $0x4000  }
0x219: {  	[sflag:s7] =	ssyncset.done $0x0  }
0x21a: {  	s12 =	rddreg [dreg:$0xb];
	[sflag:s7] =	ssyncadd.s32 $0xFFFFC000  }
0x21b: {  	[hbm4b:s12+s1] =	stream.linear.scatter [tilespmem:s4], [sflag:$0x2], $0x4000, $0x38;
	[tilespmem:$0x18C40] =	vst v63  }
0x21c: {  	_ =	swait.ge [sflag:s3], $0x4000  }
0x21d: {  	[sflag:s3] =	ssyncset.done $0x0  }
0x21e: {  	[sflag:s3] =	ssyncadd.s32 $0xFFFFC000  }
0x21f: {  	[tilespmem:s4], [sflag:$0x1] =	stream.indirect.gather [spmem:s2], $0x80, s25, s11, $0xb8;
	[tilespmem:$0x18C40] =	vst v63  }
0x220: {  	_ =	swait.ge [sflag:s7], $0x4000  }
0x221: {  	[sflag:s7] =	ssyncset.done $0x0  }
0x222: {  	s21 =	rddreg [dreg:$0xc];
	[sflag:s7] =	ssyncadd.s32 $0xFFFFC000  }
0x223: {  	[hbm4b:s21+s1] =	stream.linear.scatter [tilespmem:s10], [sflag:$0x2], $0x4000, $0x38;
	[tilespmem:$0x18C40] =	vst v63  }
0x224: {  	_ =	swait.ge [sflag:s3], $0x4000  }
0x225: {  	[sflag:s3] =	ssyncset.done $0x0  }
0x226: {  	[sflag:s3] =	ssyncadd.s32 $0xFFFFC000  }
0x227: {  	[tilespmem:s10], [sflag:$0x1] =	stream.indirect.gather [spmem:s2], $0x80, s24, s11, $0xb8;
	[tilespmem:$0x18C40] =	vst v63  }
0x228: {  	_ =	swait.ge [sflag:s7], $0x4000  }
0x229: {  	[sflag:s7] =	ssyncset.done $0x0  }
0x22a: {  	s25 =	rddreg [dreg:$0xd];
	[sflag:s7] =	ssyncadd.s32 $0xFFFFC000  }
0x22b: {  	[hbm4b:s25+s1] =	stream.linear.scatter [tilespmem:s9], [sflag:$0x2], $0x4000, $0x38;
	[tilespmem:$0x18C40] =	vst v63  }
0x22c: {  	_ =	swait.ge [sflag:s3], $0x4000  }
0x22d: {  	[sflag:s3] =	ssyncset.done $0x0  }
0x22e: {  	[sflag:s3] =	ssyncadd.s32 $0xFFFFC000  }
0x22f: {  	[tilespmem:s9], [sflag:$0x1] =	stream.indirect.gather [spmem:s2], $0x80, s23, s11, $0xb8;
	[tilespmem:$0x18C40] =	vst v63  }
0x230: {  	_ =	swait.ge [sflag:s7], $0x4000  }
0x231: {  	[sflag:s7] =	ssyncset.done $0x0  }
0x232: {  	s26 =	rddreg [dreg:$0xe];
	[sflag:s7] =	ssyncadd.s32 $0xFFFFC000  }
0x233: {  	[hbm4b:s26+s1] =	stream.linear.scatter [tilespmem:s8], [sflag:$0x2], $0x4000, $0x38;
	[tilespmem:$0x18C40] =	vst v63  }
0x234: {  	_ =	swait.ge [sflag:s3], $0x4000  }
0x235: {  	[sflag:s3] =	ssyncset.done $0x0  }
0x236: {  	[sflag:s3] =	ssyncadd.s32 $0xFFFFC000  }
0x237: {  	[tilespmem:s8], [sflag:$0x1] =	stream.indirect.gather [spmem:s2], $0x80, s22, s11, $0xb8;
	[tilespmem:$0x18C40] =	vst v63  }
0x238: {  	_ =	swait.ge [sflag:s7], $0x4000  }
0x239: {  	[sflag:s7] =	ssyncset.done $0x0  }
0x23a: {  	s28 =	rddreg [dreg:$0xf];
	[sflag:s7] =	ssyncadd.s32 $0xFFFFC000  }
0x23b: {  	[hbm4b:s28+s1] =	stream.linear.scatter [tilespmem:s6], [sflag:$0x2], $0x4000, $0x38;
	[tilespmem:$0x18C40] =	vst v63  }
0x23c: {  	_ =	swait.ge [sflag:s3], $0x4000  }
0x23d: {  	[sflag:s3] =	ssyncset.done $0x0  }
0x23e: {  	[sflag:s3] =	ssyncadd.s32 $0xFFFFC000  }
0x23f: {  	[tilespmem:s6], [sflag:$0x1] =	stream.indirect.gather [spmem:s2], $0x80, s20, s11, $0xb8;
	[tilespmem:$0x18C40] =	vst v63  }
0x240: {  	_ =	swait.ge [sflag:s7], $0x4000  }
0x241: {  	[sflag:s7] =	ssyncset.done $0x0  }
0x242: {  	s31 =	rddreg [dreg:$0x10];
	[sflag:s7] =	ssyncadd.s32 $0xFFFFC000  }
0x243: {  	[hbm4b:s31+s1] =	stream.linear.scatter [tilespmem:s5], [sflag:$0x2], $0x4000, $0x38;
	[tilespmem:$0x18C40] =	vst v63  }
0x244: {  	_ =	swait.ge [sflag:s3], $0x4000  }
0x245: {  	[sflag:s3] =	ssyncset.done $0x0  }
0x246: {  	[sflag:s3] =	ssyncadd.s32 $0xFFFFC000  }
0x247: {  	[tilespmem:s5], [sflag:$0x1] =	stream.indirect.gather [spmem:s2], $0x80, s19, s11, $0xb8;
	[tilespmem:$0x18C40] =	vst v63  }
0x248: {  	_ =	swait.ge [sflag:s7], $0x4000  }
0x249: {  	[sflag:s7] =	ssyncset.done $0x0  }
0x24a: {  	s12 =	rddreg [dreg:$0x11];
	[sflag:s7] =	ssyncadd.s32 $0xFFFFC000  }
0x24b: {  	[hbm4b:s12+s1] =	stream.linear.scatter [tilespmem:s4], [sflag:$0x2], $0x4000, $0x38;
	[tilespmem:$0x18C40] =	vst v63  }
0x24c: {  	_ =	swait.ge [sflag:s3], $0x4000  }
0x24d: {  	[sflag:s3] =	ssyncset.done $0x0  }
0x24e: {  	[sflag:s3] =	ssyncadd.s32 $0xFFFFC000  }
0x24f: {  	[tilespmem:s4], [sflag:$0x1] =	stream.indirect.gather [spmem:s2], $0x80, s18, s11, $0xb8;
	[tilespmem:$0x18C40] =	vst v63  }
0x250: {  	_ =	swait.ge [sflag:s7], $0x4000  }
0x251: {  	[sflag:s7] =	ssyncset.done $0x0  }
0x252: {  	s18 =	rddreg [dreg:$0x12];
	[sflag:s7] =	ssyncadd.s32 $0xFFFFC000  }
0x253: {  	[hbm4b:s18+s1] =	stream.linear.scatter [tilespmem:s10], [sflag:$0x2], $0x4000, $0x38;
	[tilespmem:$0x18C40] =	vst v63  }
0x254: {  	_ =	swait.ge [sflag:s3], $0x4000  }
0x255: {  	[sflag:s3] =	ssyncset.done $0x0  }
0x256: {  	[sflag:s3] =	ssyncadd.s32 $0xFFFFC000  }
0x257: {  	[tilespmem:s10], [sflag:$0x1] =	stream.indirect.gather [spmem:s2], $0x80, s17, s11, $0xb8;
	[tilespmem:$0x18C40] =	vst v63  }
0x258: {  	_ =	swait.ge [sflag:s7], $0x4000  }
0x259: {  	[sflag:s7] =	ssyncset.done $0x0  }
0x25a: {  	s19 =	rddreg [dreg:$0x13];
	[sflag:s7] =	ssyncadd.s32 $0xFFFFC000  }
0x25b: {  	[hbm4b:s19+s1] =	stream.linear.scatter [tilespmem:s9], [sflag:$0x2], $0x4000, $0x38;
	[tilespmem:$0x18C40] =	vst v63  }
0x25c: {  	_ =	swait.ge [sflag:s3], $0x4000  }
0x25d: {  	[sflag:s3] =	ssyncset.done $0x0  }
0x25e: {  	[sflag:s3] =	ssyncadd.s32 $0xFFFFC000  }
0x25f: {  	[tilespmem:s9], [sflag:$0x1] =	stream.indirect.gather [spmem:s2], $0x80, s16, s11, $0xb8;
	[tilespmem:$0x18C40] =	vst v63  }
0x260: {  	_ =	swait.ge [sflag:s7], $0x4000  }
0x261: {  	[sflag:s7] =	ssyncset.done $0x0  }
0x262: {  	s20 =	rddreg [dreg:$0x14];
	[sflag:s7] =	ssyncadd.s32 $0xFFFFC000  }
0x263: {  	[hbm4b:s20+s1] =	stream.linear.scatter [tilespmem:s8], [sflag:$0x2], $0x4000, $0x38;
	[tilespmem:$0x18C40] =	vst v63  }
0x264: {  	_ =	swait.ge [sflag:s3], $0x4000  }
0x265: {  	[sflag:s3] =	ssyncset.done $0x0  }
0x266: {  	[sflag:s3] =	ssyncadd.s32 $0xFFFFC000  }
0x267: {  	[tilespmem:s8], [sflag:$0x1] =	stream.indirect.gather [spmem:s2], $0x80, s15, s11, $0xb8;
	[tilespmem:$0x18C40] =	vst v63  }
0x268: {  	_ =	swait.ge [sflag:s7], $0x4000  }
0x269: {  	[sflag:s7] =	ssyncset.done $0x0  }
0x26a: {  	s21 =	rddreg [dreg:$0x15];
	[sflag:s7] =	ssyncadd.s32 $0xFFFFC000  }
0x26b: {  	[hbm4b:s21+s1] =	stream.linear.scatter [tilespmem:s6], [sflag:$0x2], $0x4000, $0x38;
	[tilespmem:$0x18C40] =	vst v63  }
0x26c: {  	_ =	swait.ge [sflag:s3], $0x4000  }
0x26d: {  	[sflag:s3] =	ssyncset.done $0x0  }
0x26e: {  	[sflag:s3] =	ssyncadd.s32 $0xFFFFC000  }
0x26f: {  	[tilespmem:s6], [sflag:$0x1] =	stream.indirect.gather [spmem:s2], $0x80, s14, s11, $0xb8;
	[tilespmem:$0x18C40] =	vst v63  }
0x270: {  	_ =	swait.ge [sflag:s7], $0x4000  }
0x271: {  	[sflag:s7] =	ssyncset.done $0x0  }
0x272: {  	s22 =	rddreg [dreg:$0x16];
	[sflag:s7] =	ssyncadd.s32 $0xFFFFC000  }
0x273: {  	[hbm4b:s22+s1] =	stream.linear.scatter [tilespmem:s5], [sflag:$0x2], $0x4000, $0x38;
	[tilespmem:$0x18C40] =	vst v63  }
0x274: {  	_ =	swait.ge [sflag:s3], $0x4000  }
0x275: {  	[sflag:s3] =	ssyncset.done $0x0  }
0x276: {  	[sflag:s3] =	ssyncadd.s32 $0xFFFFC000  }
0x277: {  	[tilespmem:s5], [sflag:$0x1] =	stream.indirect.gather [spmem:s2], $0x80, s13, s11, $0xb8;
	[tilespmem:$0x18C40] =	vst v63  }
0x278: {  	_ =	swait.ge [sflag:s7], $0x4000  }
0x279: {  	[sflag:s7] =	ssyncset.done $0x0  }
0x27a: {  	s23 =	rddreg [dreg:$0x17];
	[sflag:s7] =	ssyncadd.s32 $0xFFFFC000  }
0x27b: {  	[hbm4b:s23+s1] =	stream.linear.scatter [tilespmem:s4], [sflag:$0x2], $0x4000, $0x38;
	[tilespmem:$0x18C40] =	vst v63  }
0x27c: {  	_ =	swait.ge [sflag:s3], $0x4000  }
0x27d: {  	[sflag:s3] =	ssyncset.done $0x0  }
0x27e: {  	[sflag:s3] =	ssyncadd.s32 $0xFFFFC000  }
0x27f: {  	[tilespmem:s4], [sflag:$0x1] =	stream.indirect.gather [spmem:s2], $0x80, s30, s11, $0xb8;
	[tilespmem:$0x18C40] =	vst v63  }
0x280: {  	_ =	swait.ge [sflag:s7], $0x4000  }
0x281: {  	[sflag:s7] =	ssyncset.done $0x0  }
0x282: {  	s24 =	rddreg [dreg:$0x18];
	[sflag:s7] =	ssyncadd.s32 $0xFFFFC000  }
0x283: {  	[hbm4b:s24+s1] =	stream.linear.scatter [tilespmem:s10], [sflag:$0x2], $0x4000, $0x38;
	[tilespmem:$0x18C40] =	vst v63  }
0x284: {  	_ =	swait.ge [sflag:s7], $0x4000  }
0x285: {  	[sflag:s7] =	ssyncset.done $0x0  }
0x286: {  	s25 =	rddreg [dreg:$0x19];
	[sflag:s7] =	ssyncadd.s32 $0xFFFFC000  }
0x287: {  	[hbm4b:s25+s1] =	stream.linear.scatter [tilespmem:s9], [sflag:$0x2], $0x4000, $0x38;
	[tilespmem:$0x18C40] =	vst v63  }
0x288: {  	_ =	swait.ge [sflag:s7], $0x4000  }
0x289: {  	[sflag:s7] =	ssyncset.done $0x0  }
0x28a: {  	s26 =	rddreg [dreg:$0x1a];
	[sflag:s7] =	ssyncadd.s32 $0xFFFFC000  }
0x28b: {  	[hbm4b:s26+s1] =	stream.linear.scatter [tilespmem:s8], [sflag:$0x2], $0x4000, $0x38;
	[tilespmem:$0x18C40] =	vst v63  }
0x28c: {  	_ =	swait.ge [sflag:s7], $0x4000  }
0x28d: {  	[sflag:s7] =	ssyncset.done $0x0  }
0x28e: {  	s28 =	rddreg [dreg:$0x1b];
	[sflag:s7] =	ssyncadd.s32 $0xFFFFC000  }
0x28f: {  	[hbm4b:s28+s1] =	stream.linear.scatter [tilespmem:s6], [sflag:$0x2], $0x4000, $0x38;
	[tilespmem:$0x18C40] =	vst v63  }
0x290: {  	_ =	swait.ge [sflag:s7], $0x4000  }
0x291: {  	[sflag:s7] =	ssyncset.done $0x0  }
0x292: {  	s30 =	rddreg [dreg:$0x1c];
	[sflag:s7] =	ssyncadd.s32 $0xFFFFC000  }
0x293: {  	[hbm4b:s30+s1] =	stream.linear.scatter [tilespmem:s5], [sflag:$0x2], $0x4000, $0x38;
	[tilespmem:$0x18C40] =	vst v63  }
0x294: {  	_ =	swait.ge [sflag:s7], $0x4000  }
0x295: {  	[sflag:s7] =	ssyncset.done $0x0  }
0x296: {  	s31 =	rddreg [dreg:$0x1d];
	[sflag:s7] =	ssyncadd.s32 $0xFFFFC000  }
0x297: {  	[hbm4b:s31+s1] =	stream.linear.scatter [tilespmem:s4], [sflag:$0x2], $0x4000, $0x38;
	[tilespmem:$0x18C40] =	vst v63  }
0x298: {  	_ =	swait.ge [sflag:s3], $0x4000  }
0x299: {  	[sflag:s3] =	ssyncset.done $0x0  }
0x29a: {  	[sflag:s3] =	ssyncadd.s32 $0xFFFFC000  }
0x29b: {  	_ =	swait.ge [sflag:s3], $0x4000  }
0x29c: {  	[sflag:s3] =	ssyncset.done $0x0  }
0x29d: {  	[sflag:s3] =	ssyncadd.s32 $0xFFFFC000  }
0x29e: {  	_ =	swait.ge [sflag:s3], $0x4000  }
0x29f: {  	[sflag:s3] =	ssyncset.done $0x0  }
0x2a0: {  	[sflag:s3] =	ssyncadd.s32 $0xFFFFC000  }
0x2a1: {  	_ =	swait.ge [sflag:s3], $0x4000  }
0x2a2: {  	[sflag:s3] =	ssyncset.done $0x0  }
0x2a3: {  	[sflag:s3] =	ssyncadd.s32 $0xFFFFC000  }
0x2a4: {  	_ =	swait.ge [sflag:s3], $0x4000  }
0x2a5: {  	[sflag:s3] =	ssyncset.done $0x0  }
0x2a6: {  	[sflag:s3] =	ssyncadd.s32 $0xFFFFC000  }
0x2a7: {  	_ =	swait.ge [sflag:s3], $0x4000  }
0x2a8: {  	[sflag:s3] =	ssyncset.done $0x0  }
0x2a9: {  	[sflag:s3] =	ssyncadd.s32 $0xFFFFC000  }
0x2aa: {  	_ =	sfence.sel $0x180000  }
0x2ab: {  	[bflag:$0x0] =	sbarrier.arrive $0xFFFF  }
0x2ac: {  	_ =	strace $0x90000047  }
0x2ad: {  	s0 =	sadd.s32 @!p0 $0x100000, s29;
	[bflag:$0x2] =	sbarrier.arrive $0xFFFF  }
0x2ae: {  	[sflag:s0] =	ssyncadd.tile.s32 @!p0 $0x1;
	_ =	shalt  }
.LBB2_1:
.Ltmp3:
0x2af: {  	(pc) =	sbr.rel .LBB2_6-.Ltmp3, $2  }
0x2b0: {  	_ =	sdelay $0x2  }
0x2b1: {  	s30 =	simm.s32 $0xB80  }
.LBB2_3:
.Ltmp4:
0x2b2: {  	(pc) =	sbr.rel .LBB2_6-.Ltmp4, $2  }
0x2b3: {  	_ =	sdelay $0x2  }
0x2b4: {  	s30 =	simm.s32 $0xB80;
	s29 =	rddreg [dreg:$0x4]  }
.Lfunc_end2:
_tile_overlayer_lowered:
.L_overlay_start_2:
0x2b5: {  	(tag) =	ssettag $0x2  }
0x2b6: {  	s0 =	rddreg [dreg:$0x0];
	s2 =	stileid.u32  }
0x2b7: {  	s1 =	rddreg [dreg:$0x1];
	p0 =	sne.s32 s2, $0x0  }
0x2b8: {  	s3 =	rddreg [dreg:$0x2];
	[bflag:$0x3] =	sbarrier.arrive $0xFFFF;
	s2 =	simm.s32 @!p0 $0x1C03  }
0x2b9: {  	[timem:s3], [sflag:s2] =	dma.local @!p0 [hbm:s0], s1  }
0x2ba: {  	s0 =	simm.s32 @!p0 $0x3  }
0x2bb: {  	_ =	swait.ge @!p0 [sflag:s0], s1  }
0x2bc: {  	s1 =	ssub.s32 @!p0 $0x0, s1;
	[sflag:s0] =	ssyncset.done @!p0 $0x0  }
0x2bd: {  	[sflag:s0] =	ssyncadd.s32 @!p0 s1  }
0x2be: {  	[bflag:$0x3] =	sbarrier.arrive $0xFFFF  }
0x2bf: {  	_ =	shalt  }

</sc_bundles>
